<compile_context>
chip_gen: v7x
topology: tpu7x:2x2x1
jax: 0.10.2.dev20260603
libtpu: 0.0.44.dev20260713+nightly
codegen_flags: <defaults>
</compile_context>

<pallas_src>
import jax
import jax.numpy as jnp
from jax import lax
from jax.experimental import pallas as pl
from jax.experimental.pallas import tpu as pltpu
from jax.experimental.pallas import tpu_sc as plsc

_NUM_CORES = 2
_NUM_SUBCORES = 16
_NW = _NUM_CORES * _NUM_SUBCORES
_V = 1024
_ARCS = 16
_ORDER = 4
_CHUNK = 128
_GROUP = 16


def _sc_body(states, lblt, wt, tot, bwt, btt, unk_in, scores_out, nxt_out,
             idxs, lblbs, wbs, tobs, accb, bwv, sbufs, nbufs, unkv,
             sem, sem2, osems):
    nrows = states.shape[0] // _NW
    nchunks = nrows // _CHUNK
    wid = lax.axis_index("s") * _NUM_CORES + lax.axis_index("c")
    base = wid * nrows

    pltpu.sync_copy(unk_in, unkv)
    zero16f = jnp.zeros((16,), jnp.float32)
    zero16i = jnp.zeros((16,), jnp.int32)
    iota16 = lax.iota(jnp.int32, 16)

    @pl.loop(0, 2 * _V // 16)
    def _zrow(i):
        for bufi in range(2):
            @pl.loop(0, 8)
            def _zr(rr):
                nbufs[bufi][i // (_V // 16), i % (_V // 16) // 8, rr,
                            pl.ds((i % 8) * 16, 16)] = zero16i

    def _undo(nbuf, gold):
        @pl.loop(0, _GROUP)
        def _urow(r):
            rr = gold * _GROUP + r
            b8 = jnp.full((16,), r // 8, jnp.int32)
            r8 = jnp.full((16,), r % 8, jnp.int32)
            for l in range(_ORDER):
                lbl = lblbs[l][rr, :]
                mask = lbl < _V
                lblc = jnp.minimum(lbl, _V - 1)
                plsc.store_scatter(
                    nbuf, [b8, lblc >> 7, r8, lblc & 127], zero16i,
                    mask=mask)

    @pl.loop(0, nchunks)
    def _chunk(ci):
        cbase = base + ci * _CHUNK
        pltpu.sync_copy(states.at[pl.ds(cbase, _CHUNK)], idxs[0])

        arc_cps = []
        for l in range(_ORDER):
            src = idxs[l]
            arc_cps += [
                pltpu.async_copy(lblt.at[src], lblbs[l], sem),
                pltpu.async_copy(wt.at[src], wbs[l], sem),
                pltpu.async_copy(tot.at[src], tobs[l], sem),
            ]
            cps = [pltpu.async_copy(bwt.at[src], bwv, sem2)]
            if l < _ORDER - 1:
                cps.append(pltpu.async_copy(btt.at[src], idxs[l + 1], sem2))
            for c in cps:
                c.wait()
            for i in range(_CHUNK // 16):
                s = pl.ds(i * 16, 16)
                prev = (zero16f if l == 0
                        else accb[pl.ds((l - 1) * _CHUNK + i * 16, 16)])
                accb[pl.ds(l * _CHUNK + i * 16, 16)] = prev + bwv[s]
        for c in arc_cps:
            c.wait()

        unk = unkv[...]

        @pl.loop(0, _CHUNK // (2 * _GROUP))
        def _gpair(gp):
            for bufi in range(2):
                g = gp * 2 + bufi
                sbuf, nbuf, osem = sbufs[bufi], nbufs[bufi], osems[bufi]

                @pl.when(gp > 0)
                def _drain():
                    pltpu.make_async_copy(
                        scores_out.at[pl.ds(0, _GROUP // 8)], sbuf,
                        osem).wait()
                    pltpu.make_async_copy(
                        nxt_out.at[pl.ds(0, _GROUP // 8)], nbuf,
                        osem).wait()
                    _undo(nbuf, (gp - 1) * 2 + bufi)

                @pl.loop(0, _GROUP)
                def _row(r):
                    rr = g * _GROUP + r
                    b8s = r // 8
                    r8s = r % 8
                    b8 = jnp.full((16,), b8s, jnp.int32)
                    r8 = jnp.full((16,), r8s, jnp.int32)

                    def _bcast(lvl):
                        return plsc.load_gather(
                            accb,
                            [jnp.full((16,), lvl * _CHUNK + rr, jnp.int32)])

                    fill = _bcast(_ORDER - 1) + unk
                    for i in range(_V // 16):
                        sbuf[b8s, i // 8, r8s, pl.ds((i % 8) * 16, 16)] = fill
                    for l in range(_ORDER - 1, -1, -1):
                        lbl = lblbs[l][rr, :]
                        wv = wbs[l][rr, :]
                        tv = tobs[l][rr, :]
                        accl = zero16f if l == 0 else _bcast(l - 1)
                        mask = lbl < _V
                        lblc = jnp.minimum(lbl, _V - 1)
                        c8 = lblc >> 7
                        cc = lblc & 127
                        plsc.store_scatter(
                            sbuf, [b8, c8, r8, cc], accl + wv, mask=mask)
                        plsc.store_scatter(
                            nbuf, [b8, c8, r8, cc], tv, mask=mask)

                row0 = cbase + g * _GROUP
                pltpu.async_copy(
                    sbuf, scores_out.at[pl.ds(row0 // 8, _GROUP // 8)], osem)
                pltpu.async_copy(
                    nbuf, nxt_out.at[pl.ds(row0 // 8, _GROUP // 8)], osem)

        for bufi in range(2):
            pltpu.make_async_copy(
                scores_out.at[pl.ds(0, _GROUP // 8)], sbufs[bufi],
                osems[bufi]).wait()
            pltpu.make_async_copy(
                nxt_out.at[pl.ds(0, _GROUP // 8)], nbufs[bufi],
                osems[bufi]).wait()
            _undo(nbufs[bufi], 6 + bufi)


def _body_wrapper(states, lblt, wt, tot, bwt, btt, unk_in, scores_out,
                  nxt_out, i0, i1, i2, i3,
                  l0, l1, l2, l3, w0, w1, w2, w3, t0, t1, t2, t3,
                  accb, bwv, sb0, sb1, nb0, nb1, unkv, sem, sem2,
                  osem0, osem1):
    _sc_body(states, lblt, wt, tot, bwt, btt, unk_in, scores_out, nxt_out,
             [i0, i1, i2, i3], [l0, l1, l2, l3], [w0, w1, w2, w3],
             [t0, t1, t2, t3], accb, bwv, [sb0, sb1], [nb0, nb1], unkv,
             sem, sem2, [osem0, osem1])


def kernel(states, arc_labels, arc_weights, arc_to, backoff_weights,
           backoff_to, unk_prob):
    b = states.shape[0]
    unk16 = jnp.broadcast_to(unk_prob.astype(jnp.float32), (16,))
    mesh = plsc.VectorSubcoreMesh(
        core_axis_name="c", subcore_axis_name="s",
        num_cores=_NUM_CORES, num_subcores=_NUM_SUBCORES)
    xv = lambda: pltpu.VMEM((_CHUNK,), jnp.int32)
    iv = lambda: pltpu.VMEM((_CHUNK, _ARCS), jnp.int32)
    fv = lambda: pltpu.VMEM((_CHUNK, _ARCS), jnp.float32)
    ob = lambda dt: pltpu.VMEM((_GROUP // 8, _V // 128, 8, 128), dt)
    o4 = lambda dt: jax.ShapeDtypeStruct((b // 8, _V // 128, 8, 128), dt)
    scores4, nxt4 = pl.kernel(
        _body_wrapper,
        out_type=[o4(jnp.float32), o4(jnp.int32)],
        mesh=mesh,
        compiler_params=pltpu.CompilerParams(
            needs_layout_passes=False, use_tc_tiling_on_sc=False),
        scratch_types=[
            xv(), xv(), xv(), xv(),
            iv(), iv(), iv(), iv(),
            fv(), fv(), fv(), fv(),
            iv(), iv(), iv(), iv(),
            pltpu.VMEM((_ORDER * _CHUNK,), jnp.float32),
            pltpu.VMEM((_CHUNK,), jnp.float32),
            ob(jnp.float32), ob(jnp.float32),
            ob(jnp.int32), ob(jnp.int32),
            pltpu.VMEM((16,), jnp.float32),
            pltpu.SemaphoreType.DMA,
            pltpu.SemaphoreType.DMA,
            pltpu.SemaphoreType.DMA,
            pltpu.SemaphoreType.DMA,
        ],
    )(states, arc_labels, arc_weights, arc_to, backoff_weights,
      backoff_to, unk16)
    scores = scores4.transpose(0, 2, 1, 3).reshape(b, _V)
    nxt = nxt4.transpose(0, 2, 1, 3).reshape(b, _V)
    return scores, nxt

# --- scband reference (transcript-rebuilt; emitter-appended) ---
"""Pipeline reference for scband-fast-ngram-lm-17282948399226 (READ-ONLY COPY).

The authoritative reference and input builder live on the scoring server;
editing this copy changes nothing except your own understanding.
"""

import jax, jax.numpy as jnp
import numpy as np

NUM_STATES = 250000
VOCAB = 1024
MAX_ARCS = 16
MAX_ORDER = 4
BATCH = 16384


def setup_inputs(seed: int = 0) -> dict:
    key = jax.random.key(seed)
    ks = jax.random.split(key, 8)
    # batch of current LM states (decoder hypotheses)
    states = jax.random.randint(ks[0], (BATCH,), 0, NUM_STATES, dtype=jnp.int32)
    # dense-padded prefix-tree arc tables (the 'learned'/loaded LM buffers)
    j = jnp.arange(MAX_ARCS)[None, :]
    base = jax.random.randint(ks[1], (NUM_STATES, 1), 0, VOCAB)
    step = jax.random.randint(ks[2], (NUM_STATES, 1), 1, VOCAB // MAX_ARCS)
    labels = (base + j * step) % VOCAB  # distinct ilabels within each state row
    n_arcs = jax.random.randint(ks[3], (NUM_STATES, 1), 1, MAX_ARCS + 1)
    arc_labels = jnp.where(j < n_arcs, labels, VOCAB).astype(jnp.int32)  # pad -> VOCAB column
    arc_weights = (-5.0 * jax.random.uniform(ks[4], (NUM_STATES, MAX_ARCS))).astype(jnp.float32)
    arc_to = jax.random.randint(ks[5], (NUM_STATES, MAX_ARCS), 0, NUM_STATES, dtype=jnp.int32)
    backoff_weights = (-2.0 * jax.random.uniform(ks[6], (NUM_STATES,))).astype(jnp.float32)
    backoff_weights = backoff_weights.at[0].set(0.0)  # start state has no backoff cost
    backoff_to = jax.random.randint(ks[7], (NUM_STATES,), 0, NUM_STATES, dtype=jnp.int32)
    backoff_to = backoff_to.at[0].set(0)  # start state backs off to itself
    unk_prob = jnp.array(-10.0, dtype=jnp.float32)
    return dict(states=states, arc_labels=arc_labels, arc_weights=arc_weights,
                arc_to=arc_to, backoff_weights=backoff_weights,
                backoff_to=backoff_to, unk_prob=unk_prob)


def reference(states, arc_labels, arc_weights, arc_to, backoff_weights, backoff_to, unk_prob):
    # Faithful n-gram LM 'advance': for each hypothesis state, compute scores over the
    # full vocab by walking arcs and following backoff arcs (accumulating backoff weight)
    # until every label is resolved; unresolved labels get unk_prob at the start state.
    B = states.shape[0]
    V = VOCAB
    bidx = jnp.arange(B)[:, None]
    scores = jnp.zeros((B, V + 1), jnp.float32)
    nxt = jnp.zeros((B, V + 1), jnp.int32)
    found = jnp.zeros((B, V + 1), dtype=bool)
    accum = jnp.zeros((B,), jnp.float32)
    cur = states
    for _ in range(MAX_ORDER):
        lbl = arc_labels[cur]          # [B, A] gather of arc ilabels
        w = arc_weights[cur]           # [B, A] gather of arc weights
        to = arc_to[cur]               # [B, A] gather of destination states
        prev_found = jnp.take_along_axis(found, lbl, axis=1)
        write = jnp.logical_and(jnp.logical_not(prev_found), lbl < V)
        cur_sc = jnp.take_along_axis(scores, lbl, axis=1)
        cur_nx = jnp.take_along_axis(nxt, lbl, axis=1)
        scores = scores.at[bidx, lbl].set(jnp.where(write, accum[:, None] + w, cur_sc))
        nxt = nxt.at[bidx, lbl].set(jnp.where(write, to, cur_nx))
        found = found.at[bidx, lbl].set(jnp.logical_or(prev_found, write))
        accum = accum + backoff_weights[cur]
        cur = backoff_to[cur]
    scores = scores[:, :V]
    nxt = nxt[:, :V]
    found_v = found[:, :V]
    scores = jnp.where(found_v, scores, accum[:, None] + unk_prob)
    nxt = jnp.where(found_v, nxt, 0)
    return scores, nxt

if __name__ == "__main__":
    import jax
    _d = setup_inputs()
    print(jax.jit(kernel)(*tuple(_d.values())))

</pallas_src>

<mosaic_0001>
#map = affine_map<(d0, d1) -> (0)>
#map1 = affine_map<(d0, d1) -> (0, 0)>
#map2 = affine_map<(d0, d1) -> (0, 0, 0, 0)>
module attributes {stable_mosaic.version = 14 : i64} {
  func.func @_body_wrapper(%arg0: i32, %arg1: i32, %arg2: memref<16384xi32, #tpu.memory_space<hbm>>, %arg3: memref<250000x16xi32, #tpu.memory_space<hbm>>, %arg4: memref<250000x16xf32, #tpu.memory_space<hbm>>, %arg5: memref<250000x16xi32, #tpu.memory_space<hbm>>, %arg6: memref<250000xf32, #tpu.memory_space<hbm>>, %arg7: memref<250000xi32, #tpu.memory_space<hbm>>, %arg8: memref<16xf32, #tpu.memory_space<hbm>>, %arg9: memref<2048x8x8x128xf32, #tpu.memory_space<hbm>>, %arg10: memref<2048x8x8x128xi32, #tpu.memory_space<hbm>>, %arg11: memref<128xi32, #tpu.memory_space<vmem>>, %arg12: memref<128xi32, #tpu.memory_space<vmem>>, %arg13: memref<128xi32, #tpu.memory_space<vmem>>, %arg14: memref<128xi32, #tpu.memory_space<vmem>>, %arg15: memref<128x16xi32, #tpu.memory_space<vmem>>, %arg16: memref<128x16xi32, #tpu.memory_space<vmem>>, %arg17: memref<128x16xi32, #tpu.memory_space<vmem>>, %arg18: memref<128x16xi32, #tpu.memory_space<vmem>>, %arg19: memref<128x16xf32, #tpu.memory_space<vmem>>, %arg20: memref<128x16xf32, #tpu.memory_space<vmem>>, %arg21: memref<128x16xf32, #tpu.memory_space<vmem>>, %arg22: memref<128x16xf32, #tpu.memory_space<vmem>>, %arg23: memref<128x16xi32, #tpu.memory_space<vmem>>, %arg24: memref<128x16xi32, #tpu.memory_space<vmem>>, %arg25: memref<128x16xi32, #tpu.memory_space<vmem>>, %arg26: memref<128x16xi32, #tpu.memory_space<vmem>>, %arg27: memref<512xf32, #tpu.memory_space<vmem>>, %arg28: memref<128xf32, #tpu.memory_space<vmem>>, %arg29: memref<2x8x8x128xf32, #tpu.memory_space<vmem>>, %arg30: memref<2x8x8x128xf32, #tpu.memory_space<vmem>>, %arg31: memref<2x8x8x128xi32, #tpu.memory_space<vmem>>, %arg32: memref<2x8x8x128xi32, #tpu.memory_space<vmem>>, %arg33: memref<16xf32, #tpu.memory_space<vmem>>, %arg34: memref<!tpu.dma_semaphore, #tpu.memory_space<semaphore_mem>>, %arg35: memref<!tpu.dma_semaphore, #tpu.memory_space<semaphore_mem>>, %arg36: memref<!tpu.dma_semaphore, #tpu.memory_space<semaphore_mem>>, %arg37: memref<!tpu.dma_semaphore, #tpu.memory_space<semaphore_mem>>) attributes {dimension_semantics = [#tpu.dimension_semantics<core_parallel>, #tpu.dimension_semantics<subcore_parallel>], iteration_bounds = array<i64: 2, 16>, scalar_prefetch = 0 : i64, scratch_operands = 27 : i64, tpu.core_type = #tpu.core_type<sc_vector_subcore>, window_params = [{transform_indices = #map}, {transform_indices = #map1}, {transform_indices = #map1}, {transform_indices = #map1}, {transform_indices = #map}, {transform_indices = #map}, {transform_indices = #map}, {transform_indices = #map2}, {transform_indices = #map2}]} {
    %mul3A = arith.constant 2 : i32
    %mul3A_0 = arith.muli %arg1, %mul3A : i32
    %add3A = arith.addi %mul3A_0, %arg0 : i32
    %mul3A_1 = arith.constant 512 : i32
    %mul3A_2 = arith.muli %add3A, %mul3A_1 : i32
    "tpu.region"() ({
      %run_scoped3A = tpu.sem_alloc : memref<!tpu.dma_semaphore, #tpu.memory_space<semaphore_mem>>
      tpu.enqueue_dma source(%arg8 : memref<16xf32, #tpu.memory_space<hbm>>) target(%arg33 : memref<16xf32, #tpu.memory_space<vmem>>) target_semaphore(%run_scoped3A : memref<!tpu.dma_semaphore, #tpu.memory_space<semaphore_mem>>)
      tpu.wait_dma2 semaphore(%run_scoped3A : memref<!tpu.dma_semaphore, #tpu.memory_space<semaphore_mem>>) src(%arg8 : memref<16xf32, #tpu.memory_space<hbm>>) dst(%arg33 : memref<16xf32, #tpu.memory_space<vmem>>)
      tpu.yield
    }) : () -> ()
    %broadcast_in_dim3A = arith.constant 0.000000e+00 : f32
    %broadcast_in_dim3A_3 = vector.broadcast %broadcast_in_dim3A : f32 to vector<16xf32>
    %broadcast_in_dim3A_4 = arith.constant 0 : i32
    %broadcast_in_dim3A_5 = vector.broadcast %broadcast_in_dim3A_4 : i32 to vector<16xi32>
    %iota3A = tpu.iota {dimensions = array<i32: 0>} : vector<16xi32>
    %scan3A = arith.constant 0 : i32
    %scan3A_6 = arith.constant 128 : i32
    %scan3A_7 = arith.addi %scan3A, %scan3A_6 : i32
    %scan3A_8 = arith.constant 1 : i32
    scf.for %scan3A_15 = %scan3A to %scan3A_7 step %scan3A_8  : i32 {
      %mul3A_16 = arith.constant 1 : i32
      %mul3A_17 = arith.muli %scan3A_15, %mul3A_16 : i32
      %add3A_18 = arith.constant 0 : i32
      %add3A_19 = arith.addi %add3A_18, %mul3A_17 : i32
      %scan3A_20 = arith.constant 0 : i32
      %scan3A_21 = arith.constant 8 : i32
      %scan3A_22 = arith.addi %scan3A_20, %scan3A_21 : i32
      %scan3A_23 = arith.constant 1 : i32
      scf.for %scan3A_30 = %scan3A_20 to %scan3A_22 step %scan3A_23  : i32 {
        %mul3A_31 = arith.constant 1 : i32
        %mul3A_32 = arith.muli %scan3A_30, %mul3A_31 : i32
        %add3A_33 = arith.constant 0 : i32
        %add3A_34 = arith.addi %add3A_33, %mul3A_32 : i32
        %jit3A = arith.constant 64 : i32
        %div3A = arith.divsi %add3A_19, %jit3A : i32
        %sign3A = arith.constant 0 : i32
        %sign3A_35 = arith.cmpi sgt, %add3A_19, %sign3A : i32
        %sign3A_36 = arith.extui %sign3A_35 : i1 to i32
        %sign3A_37 = arith.constant 0 : i32
        %sign3A_38 = arith.cmpi slt, %add3A_19, %sign3A_37 : i32
        %sign3A_39 = arith.extui %sign3A_38 : i1 to i32
        %sign3A_40 = arith.subi %sign3A_36, %sign3A_39 : i32
        %sign3A_41 = arith.constant 0 : i32
        %sign3A_42 = arith.cmpi sgt, %jit3A, %sign3A_41 : i32
        %sign3A_43 = arith.extui %sign3A_42 : i1 to i32
        %sign3A_44 = arith.constant 0 : i32
        %sign3A_45 = arith.cmpi slt, %jit3A, %sign3A_44 : i32
        %sign3A_46 = arith.extui %sign3A_45 : i1 to i32
        %sign3A_47 = arith.subi %sign3A_43, %sign3A_46 : i32
        %ne3A = arith.cmpi ne, %sign3A_40, %sign3A_47 : i32
        %rem3A = arith.remsi %add3A_19, %jit3A : i32
        %ne3A_48 = arith.constant 0 : i32
        %ne3A_49 = arith.cmpi ne, %rem3A, %ne3A_48 : i32
        %and3A = arith.andi %ne3A, %ne3A_49 : i1
        %sub3A = arith.constant 1 : i32
        %sub3A_50 = arith.subi %div3A, %sub3A : i32
        %select_n3A = arith.select %and3A, %sub3A_50, %div3A : i32
        %jit3A_51 = arith.constant 64 : i32
        %eq3A = arith.constant 0 : i32
        %eq3A_52 = arith.cmpi eq, %jit3A_51, %eq3A : i32
        %jit3A_53 = arith.constant 1 : i32
        %select_n3A_54 = arith.select %eq3A_52, %jit3A_53, %jit3A_51 : i32
        %rem3A_55 = arith.remsi %add3A_19, %select_n3A_54 : i32
        %ne3A_56 = arith.constant 0 : i32
        %ne3A_57 = arith.cmpi ne, %rem3A_55, %ne3A_56 : i32
        %lt3A = arith.constant 0 : i32
        %lt3A_58 = arith.cmpi slt, %rem3A_55, %lt3A : i32
        %lt3A_59 = arith.constant 0 : i32
        %lt3A_60 = arith.cmpi slt, %select_n3A_54, %lt3A_59 : i32
        %ne3A_61 = arith.xori %lt3A_58, %lt3A_60 : i1
        %and3A_62 = arith.andi %ne3A_61, %ne3A_57 : i1
        %add3A_63 = arith.addi %rem3A_55, %select_n3A_54 : i32
        %select_n3A_64 = arith.select %and3A_62, %add3A_63, %rem3A_55 : i32
        %jit3A_65 = arith.constant 8 : i32
        %div3A_66 = arith.divsi %select_n3A_64, %jit3A_65 : i32
        %sign3A_67 = arith.constant 0 : i32
        %sign3A_68 = arith.cmpi sgt, %select_n3A_64, %sign3A_67 : i32
        %sign3A_69 = arith.extui %sign3A_68 : i1 to i32
        %sign3A_70 = arith.constant 0 : i32
        %sign3A_71 = arith.cmpi slt, %select_n3A_64, %sign3A_70 : i32
        %sign3A_72 = arith.extui %sign3A_71 : i1 to i32
        %sign3A_73 = arith.subi %sign3A_69, %sign3A_72 : i32
        %sign3A_74 = arith.constant 0 : i32
        %sign3A_75 = arith.cmpi sgt, %jit3A_65, %sign3A_74 : i32
        %sign3A_76 = arith.extui %sign3A_75 : i1 to i32
        %sign3A_77 = arith.constant 0 : i32
        %sign3A_78 = arith.cmpi slt, %jit3A_65, %sign3A_77 : i32
        %sign3A_79 = arith.extui %sign3A_78 : i1 to i32
        %sign3A_80 = arith.subi %sign3A_76, %sign3A_79 : i32
        %ne3A_81 = arith.cmpi ne, %sign3A_73, %sign3A_80 : i32
        %rem3A_82 = arith.remsi %select_n3A_64, %jit3A_65 : i32
        %ne3A_83 = arith.constant 0 : i32
        %ne3A_84 = arith.cmpi ne, %rem3A_82, %ne3A_83 : i32
        %and3A_85 = arith.andi %ne3A_81, %ne3A_84 : i1
        %sub3A_86 = arith.constant 1 : i32
        %sub3A_87 = arith.subi %div3A_66, %sub3A_86 : i32
        %select_n3A_88 = arith.select %and3A_85, %sub3A_87, %div3A_66 : i32
        %jit3A_89 = arith.constant 8 : i32
        %eq3A_90 = arith.constant 0 : i32
        %eq3A_91 = arith.cmpi eq, %jit3A_89, %eq3A_90 : i32
        %jit3A_92 = arith.constant 1 : i32
        %select_n3A_93 = arith.select %eq3A_91, %jit3A_92, %jit3A_89 : i32
        %rem3A_94 = arith.remsi %add3A_19, %select_n3A_93 : i32
        %ne3A_95 = arith.constant 0 : i32
        %ne3A_96 = arith.cmpi ne, %rem3A_94, %ne3A_95 : i32
        %lt3A_97 = arith.constant 0 : i32
        %lt3A_98 = arith.cmpi slt, %rem3A_94, %lt3A_97 : i32
        %lt3A_99 = arith.constant 0 : i32
        %lt3A_100 = arith.cmpi slt, %select_n3A_93, %lt3A_99 : i32
        %ne3A_101 = arith.xori %lt3A_98, %lt3A_100 : i1
        %and3A_102 = arith.andi %ne3A_101, %ne3A_96 : i1
        %add3A_103 = arith.addi %rem3A_94, %select_n3A_93 : i32
        %select_n3A_104 = arith.select %and3A_102, %add3A_103, %rem3A_94 : i32
        %mul3A_105 = arith.constant 16 : i32
        %mul3A_106 = arith.muli %select_n3A_104, %mul3A_105 : i32
        %swap3A = arith.index_cast %select_n3A : i32 to index
        %swap3A_107 = arith.index_cast %select_n3A_88 : i32 to index
        %swap3A_108 = arith.index_cast %add3A_34 : i32 to index
        %swap3A_109 = arith.index_cast %mul3A_106 : i32 to index
        %swap3A_110 = tpu.vector_load %arg31[%swap3A, %swap3A_107, %swap3A_108, %swap3A_109] {strides = array<i32>} : memref<2x8x8x128xi32, #tpu.memory_space<vmem>>, vector<16xi32>,
        tpu.vector_store %arg31[%swap3A, %swap3A_107, %swap3A_108, %swap3A_109], %broadcast_in_dim3A_5 {strides = array<i32>} : memref<2x8x8x128xi32, #tpu.memory_space<vmem>>, vector<16xi32>,
      }
      %scan3A_24 = arith.constant 8 : i32
      %scan3A_25 = arith.constant 0 : i32
      %scan3A_26 = arith.constant 8 : i32
      %scan3A_27 = arith.addi %scan3A_25, %scan3A_26 : i32
      %scan3A_28 = arith.constant 1 : i32
      scf.for %scan3A_30 = %scan3A_25 to %scan3A_27 step %scan3A_28  : i32 {
        %mul3A_31 = arith.constant 1 : i32
        %mul3A_32 = arith.muli %scan3A_30, %mul3A_31 : i32
        %add3A_33 = arith.constant 0 : i32
        %add3A_34 = arith.addi %add3A_33, %mul3A_32 : i32
        %jit3A = arith.constant 64 : i32
        %div3A = arith.divsi %add3A_19, %jit3A : i32
        %sign3A = arith.constant 0 : i32
        %sign3A_35 = arith.cmpi sgt, %add3A_19, %sign3A : i32
        %sign3A_36 = arith.extui %sign3A_35 : i1 to i32
        %sign3A_37 = arith.constant 0 : i32
        %sign3A_38 = arith.cmpi slt, %add3A_19, %sign3A_37 : i32
        %sign3A_39 = arith.extui %sign3A_38 : i1 to i32
        %sign3A_40 = arith.subi %sign3A_36, %sign3A_39 : i32
        %sign3A_41 = arith.constant 0 : i32
        %sign3A_42 = arith.cmpi sgt, %jit3A, %sign3A_41 : i32
        %sign3A_43 = arith.extui %sign3A_42 : i1 to i32
        %sign3A_44 = arith.constant 0 : i32
        %sign3A_45 = arith.cmpi slt, %jit3A, %sign3A_44 : i32
        %sign3A_46 = arith.extui %sign3A_45 : i1 to i32
        %sign3A_47 = arith.subi %sign3A_43, %sign3A_46 : i32
        %ne3A = arith.cmpi ne, %sign3A_40, %sign3A_47 : i32
        %rem3A = arith.remsi %add3A_19, %jit3A : i32
        %ne3A_48 = arith.constant 0 : i32
        %ne3A_49 = arith.cmpi ne, %rem3A, %ne3A_48 : i32
        %and3A = arith.andi %ne3A, %ne3A_49 : i1
        %sub3A = arith.constant 1 : i32
        %sub3A_50 = arith.subi %div3A, %sub3A : i32
        %select_n3A = arith.select %and3A, %sub3A_50, %div3A : i32
        %jit3A_51 = arith.constant 64 : i32
        %eq3A = arith.constant 0 : i32
        %eq3A_52 = arith.cmpi eq, %jit3A_51, %eq3A : i32
        %jit3A_53 = arith.constant 1 : i32
        %select_n3A_54 = arith.select %eq3A_52, %jit3A_53, %jit3A_51 : i32
        %rem3A_55 = arith.remsi %add3A_19, %select_n3A_54 : i32
        %ne3A_56 = arith.constant 0 : i32
        %ne3A_57 = arith.cmpi ne, %rem3A_55, %ne3A_56 : i32
        %lt3A = arith.constant 0 : i32
        %lt3A_58 = arith.cmpi slt, %rem3A_55, %lt3A : i32
        %lt3A_59 = arith.constant 0 : i32
        %lt3A_60 = arith.cmpi slt, %select_n3A_54, %lt3A_59 : i32
        %ne3A_61 = arith.xori %lt3A_58, %lt3A_60 : i1
        %and3A_62 = arith.andi %ne3A_61, %ne3A_57 : i1
        %add3A_63 = arith.addi %rem3A_55, %select_n3A_54 : i32
        %select_n3A_64 = arith.select %and3A_62, %add3A_63, %rem3A_55 : i32
        %jit3A_65 = arith.constant 8 : i32
        %div3A_66 = arith.divsi %select_n3A_64, %jit3A_65 : i32
        %sign3A_67 = arith.constant 0 : i32
        %sign3A_68 = arith.cmpi sgt, %select_n3A_64, %sign3A_67 : i32
        %sign3A_69 = arith.extui %sign3A_68 : i1 to i32
        %sign3A_70 = arith.constant 0 : i32
        %sign3A_71 = arith.cmpi slt, %select_n3A_64, %sign3A_70 : i32
        %sign3A_72 = arith.extui %sign3A_71 : i1 to i32
        %sign3A_73 = arith.subi %sign3A_69, %sign3A_72 : i32
        %sign3A_74 = arith.constant 0 : i32
        %sign3A_75 = arith.cmpi sgt, %jit3A_65, %sign3A_74 : i32
        %sign3A_76 = arith.extui %sign3A_75 : i1 to i32
        %sign3A_77 = arith.constant 0 : i32
        %sign3A_78 = arith.cmpi slt, %jit3A_65, %sign3A_77 : i32
        %sign3A_79 = arith.extui %sign3A_78 : i1 to i32
        %sign3A_80 = arith.subi %sign3A_76, %sign3A_79 : i32
        %ne3A_81 = arith.cmpi ne, %sign3A_73, %sign3A_80 : i32
        %rem3A_82 = arith.remsi %select_n3A_64, %jit3A_65 : i32
        %ne3A_83 = arith.constant 0 : i32
        %ne3A_84 = arith.cmpi ne, %rem3A_82, %ne3A_83 : i32
        %and3A_85 = arith.andi %ne3A_81, %ne3A_84 : i1
        %sub3A_86 = arith.constant 1 : i32
        %sub3A_87 = arith.subi %div3A_66, %sub3A_86 : i32
        %select_n3A_88 = arith.select %and3A_85, %sub3A_87, %div3A_66 : i32
        %jit3A_89 = arith.constant 8 : i32
        %eq3A_90 = arith.constant 0 : i32
        %eq3A_91 = arith.cmpi eq, %jit3A_89, %eq3A_90 : i32
        %jit3A_92 = arith.constant 1 : i32
        %select_n3A_93 = arith.select %eq3A_91, %jit3A_92, %jit3A_89 : i32
        %rem3A_94 = arith.remsi %add3A_19, %select_n3A_93 : i32
        %ne3A_95 = arith.constant 0 : i32
        %ne3A_96 = arith.cmpi ne, %rem3A_94, %ne3A_95 : i32
        %lt3A_97 = arith.constant 0 : i32
        %lt3A_98 = arith.cmpi slt, %rem3A_94, %lt3A_97 : i32
        %lt3A_99 = arith.constant 0 : i32
        %lt3A_100 = arith.cmpi slt, %select_n3A_93, %lt3A_99 : i32
        %ne3A_101 = arith.xori %lt3A_98, %lt3A_100 : i1
        %and3A_102 = arith.andi %ne3A_101, %ne3A_96 : i1
        %add3A_103 = arith.addi %rem3A_94, %select_n3A_93 : i32
        %select_n3A_104 = arith.select %and3A_102, %add3A_103, %rem3A_94 : i32
        %mul3A_105 = arith.constant 16 : i32
        %mul3A_106 = arith.muli %select_n3A_104, %mul3A_105 : i32
        %swap3A = arith.index_cast %select_n3A : i32 to index
        %swap3A_107 = arith.index_cast %select_n3A_88 : i32 to index
        %swap3A_108 = arith.index_cast %add3A_34 : i32 to index
        %swap3A_109 = arith.index_cast %mul3A_106 : i32 to index
        %swap3A_110 = tpu.vector_load %arg32[%swap3A, %swap3A_107, %swap3A_108, %swap3A_109] {strides = array<i32>} : memref<2x8x8x128xi32, #tpu.memory_space<vmem>>, vector<16xi32>,
        tpu.vector_store %arg32[%swap3A, %swap3A_107, %swap3A_108, %swap3A_109], %broadcast_in_dim3A_5 {strides = array<i32>} : memref<2x8x8x128xi32, #tpu.memory_space<vmem>>, vector<16xi32>,
      }
      %scan3A_29 = arith.constant 8 : i32
    }
    %scan3A_9 = arith.constant 128 : i32
    %scan3A_10 = arith.constant 0 : i32
    %scan3A_11 = arith.constant 4 : i32
    %scan3A_12 = arith.addi %scan3A_10, %scan3A_11 : i32
    %scan3A_13 = arith.constant 1 : i32
    scf.for %scan3A_15 = %scan3A_10 to %scan3A_12 step %scan3A_13  : i32 {
      %mul3A_16 = arith.constant 1 : i32
      %mul3A_17 = arith.muli %scan3A_15, %mul3A_16 : i32
      %add3A_18 = arith.constant 0 : i32
      %add3A_19 = arith.addi %add3A_18, %mul3A_17 : i32
      %mul3A_20 = arith.constant 128 : i32
      %mul3A_21 = arith.muli %add3A_19, %mul3A_20 : i32
      %add3A_22 = arith.addi %mul3A_2, %mul3A_21 : i32
      "tpu.region"() ({
        %run_scoped3A = tpu.sem_alloc : memref<!tpu.dma_semaphore, #tpu.memory_space<semaphore_mem>>
        %dma_start3A_384 = tpu.memref_slice %arg2[%add3A_22] : memref<16384xi32, #tpu.memory_space<hbm>> -> memref<128xi32, #tpu.memory_space<hbm>>
        %dma_start3A_385 = tpu.memref_slice %arg2[%add3A_22] : memref<16384xi32, #tpu.memory_space<hbm>> -> memref<128xi32, #tpu.memory_space<hbm>>
        tpu.enqueue_dma source(%dma_start3A_385 : memref<128xi32, #tpu.memory_space<hbm>>) target(%arg11 : memref<128xi32, #tpu.memory_space<vmem>>) target_semaphore(%run_scoped3A : memref<!tpu.dma_semaphore, #tpu.memory_space<semaphore_mem>>)
        %dma_wait3A_386 = tpu.memref_slice %arg2[%add3A_22] : memref<16384xi32, #tpu.memory_space<hbm>> -> memref<128xi32, #tpu.memory_space<hbm>>
        %dma_wait3A_387 = tpu.memref_slice %arg2[%add3A_22] : memref<16384xi32, #tpu.memory_space<hbm>> -> memref<128xi32, #tpu.memory_space<hbm>>
        tpu.wait_dma2 semaphore(%run_scoped3A : memref<!tpu.dma_semaphore, #tpu.memory_space<semaphore_mem>>) src(%dma_wait3A_387 : memref<128xi32, #tpu.memory_space<hbm>>) dst(%arg11 : memref<128xi32, #tpu.memory_space<vmem>>)
        tpu.yield
      }) : () -> ()
      %dma_start3A = arith.constant 0 : i32
      %dma_start3A_23 = arith.constant 0 : i32
      %dma_start3A_24 = tpu.memref_slice %arg3[%dma_start3A, %dma_start3A_23] : memref<250000x16xi32, #tpu.memory_space<hbm>> -> memref<250000x16xi32, #tpu.memory_space<hbm>>
      tpu.enqueue_indirect_dma source(%dma_start3A_24 : memref<250000x16xi32, #tpu.memory_space<hbm>>) target(%arg15 : memref<128x16xi32, #tpu.memory_space<vmem>>) offsets(%arg11 : memref<128xi32, #tpu.memory_space<vmem>>) semaphore(%arg34 : memref<!tpu.dma_semaphore, #tpu.memory_space<semaphore_mem>>)
      %dma_start3A_25 = arith.constant 0 : i32
      %dma_start3A_26 = arith.constant 0 : i32
      %dma_start3A_27 = tpu.memref_slice %arg4[%dma_start3A_25, %dma_start3A_26] : memref<250000x16xf32, #tpu.memory_space<hbm>> -> memref<250000x16xf32, #tpu.memory_space<hbm>>
      tpu.enqueue_indirect_dma source(%dma_start3A_27 : memref<250000x16xf32, #tpu.memory_space<hbm>>) target(%arg19 : memref<128x16xf32, #tpu.memory_space<vmem>>) offsets(%arg11 : memref<128xi32, #tpu.memory_space<vmem>>) semaphore(%arg34 : memref<!tpu.dma_semaphore, #tpu.memory_space<semaphore_mem>>)
      %dma_start3A_28 = arith.constant 0 : i32
      %dma_start3A_29 = arith.constant 0 : i32
      %dma_start3A_30 = tpu.memref_slice %arg5[%dma_start3A_28, %dma_start3A_29] : memref<250000x16xi32, #tpu.memory_space<hbm>> -> memref<250000x16xi32, #tpu.memory_space<hbm>>
      tpu.enqueue_indirect_dma source(%dma_start3A_30 : memref<250000x16xi32, #tpu.memory_space<hbm>>) target(%arg23 : memref<128x16xi32, #tpu.memory_space<vmem>>) offsets(%arg11 : memref<128xi32, #tpu.memory_space<vmem>>) semaphore(%arg34 : memref<!tpu.dma_semaphore, #tpu.memory_space<semaphore_mem>>)
      %dma_start3A_31 = arith.constant 0 : i32
      %dma_start3A_32 = tpu.memref_slice %arg6[%dma_start3A_31] : memref<250000xf32, #tpu.memory_space<hbm>> -> memref<250000xf32, #tpu.memory_space<hbm>>
      tpu.enqueue_indirect_dma source(%dma_start3A_32 : memref<250000xf32, #tpu.memory_space<hbm>>) target(%arg28 : memref<128xf32, #tpu.memory_space<vmem>>) offsets(%arg11 : memref<128xi32, #tpu.memory_space<vmem>>) semaphore(%arg35 : memref<!tpu.dma_semaphore, #tpu.memory_space<semaphore_mem>>)
      %dma_start3A_33 = arith.constant 0 : i32
      %dma_start3A_34 = tpu.memref_slice %arg7[%dma_start3A_33] : memref<250000xi32, #tpu.memory_space<hbm>> -> memref<250000xi32, #tpu.memory_space<hbm>>
      tpu.enqueue_indirect_dma source(%dma_start3A_34 : memref<250000xi32, #tpu.memory_space<hbm>>) target(%arg12 : memref<128xi32, #tpu.memory_space<vmem>>) offsets(%arg11 : memref<128xi32, #tpu.memory_space<vmem>>) semaphore(%arg35 : memref<!tpu.dma_semaphore, #tpu.memory_space<semaphore_mem>>)
      %dma_wait3A = arith.constant 0 : i32
      %dma_wait3A_35 = tpu.memref_slice %arg6[%dma_wait3A] : memref<250000xf32, #tpu.memory_space<hbm>> -> memref<250000xf32, #tpu.memory_space<hbm>>
      tpu.wait_indirect_dma semaphore(%arg35 : memref<!tpu.dma_semaphore, #tpu.memory_space<semaphore_mem>>) src(%dma_wait3A_35 : memref<250000xf32, #tpu.memory_space<hbm>>) dst(%arg28 : memref<128xf32, #tpu.memory_space<vmem>>)
      %dma_wait3A_36 = arith.constant 0 : i32
      %dma_wait3A_37 = tpu.memref_slice %arg7[%dma_wait3A_36] : memref<250000xi32, #tpu.memory_space<hbm>> -> memref<250000xi32, #tpu.memory_space<hbm>>
      tpu.wait_indirect_dma semaphore(%arg35 : memref<!tpu.dma_semaphore, #tpu.memory_space<semaphore_mem>>) src(%dma_wait3A_37 : memref<250000xi32, #tpu.memory_space<hbm>>) dst(%arg12 : memref<128xi32, #tpu.memory_space<vmem>>)
      %get3A = arith.constant 0 : index
      %get3A_38 = tpu.vector_load %arg28[%get3A] {strides = array<i32>} : memref<128xf32, #tpu.memory_space<vmem>>, vector<16xf32>,
      %add3A_39 = arith.addf %broadcast_in_dim3A_3, %get3A_38 : vector<16xf32>
      %swap3A = arith.constant 0 : index
      %swap3A_40 = tpu.vector_load %arg27[%swap3A] {strides = array<i32>} : memref<512xf32, #tpu.memory_space<vmem>>, vector<16xf32>,
      tpu.vector_store %arg27[%swap3A], %add3A_39 {strides = array<i32>} : memref<512xf32, #tpu.memory_space<vmem>>, vector<16xf32>,
      %get3A_41 = arith.constant 16 : index
      %get3A_42 = tpu.vector_load %arg28[%get3A_41] {strides = array<i32>} : memref<128xf32, #tpu.memory_space<vmem>>, vector<16xf32>,
      %add3A_43 = arith.addf %broadcast_in_dim3A_3, %get3A_42 : vector<16xf32>
      %swap3A_44 = arith.constant 16 : index
      %swap3A_45 = tpu.vector_load %arg27[%swap3A_44] {strides = array<i32>} : memref<512xf32, #tpu.memory_space<vmem>>, vector<16xf32>,
      tpu.vector_store %arg27[%swap3A_44], %add3A_43 {strides = array<i32>} : memref<512xf32, #tpu.memory_space<vmem>>, vector<16xf32>,
      %get3A_46 = arith.constant 32 : index
      %get3A_47 = tpu.vector_load %arg28[%get3A_46] {strides = array<i32>} : memref<128xf32, #tpu.memory_space<vmem>>, vector<16xf32>,
      %add3A_48 = arith.addf %broadcast_in_dim3A_3, %get3A_47 : vector<16xf32>
      %swap3A_49 = arith.constant 32 : index
      %swap3A_50 = tpu.vector_load %arg27[%swap3A_49] {strides = array<i32>} : memref<512xf32, #tpu.memory_space<vmem>>, vector<16xf32>,
      tpu.vector_store %arg27[%swap3A_49], %add3A_48 {strides = array<i32>} : memref<512xf32, #tpu.memory_space<vmem>>, vector<16xf32>,
      %get3A_51 = arith.constant 48 : index
      %get3A_52 = tpu.vector_load %arg28[%get3A_51] {strides = array<i32>} : memref<128xf32, #tpu.memory_space<vmem>>, vector<16xf32>,
      %add3A_53 = arith.addf %broadcast_in_dim3A_3, %get3A_52 : vector<16xf32>
      %swap3A_54 = arith.constant 48 : index
      %swap3A_55 = tpu.vector_load %arg27[%swap3A_54] {strides = array<i32>} : memref<512xf32, #tpu.memory_space<vmem>>, vector<16xf32>,
      tpu.vector_store %arg27[%swap3A_54], %add3A_53 {strides = array<i32>} : memref<512xf32, #tpu.memory_space<vmem>>, vector<16xf32>,
      %get3A_56 = arith.constant 64 : index
      %get3A_57 = tpu.vector_load %arg28[%get3A_56] {strides = array<i32>} : memref<128xf32, #tpu.memory_space<vmem>>, vector<16xf32>,
      %add3A_58 = arith.addf %broadcast_in_dim3A_3, %get3A_57 : vector<16xf32>
      %swap3A_59 = arith.constant 64 : index
      %swap3A_60 = tpu.vector_load %arg27[%swap3A_59] {strides = array<i32>} : memref<512xf32, #tpu.memory_space<vmem>>, vector<16xf32>,
      tpu.vector_store %arg27[%swap3A_59], %add3A_58 {strides = array<i32>} : memref<512xf32, #tpu.memory_space<vmem>>, vector<16xf32>,
      %get3A_61 = arith.constant 80 : index
      %get3A_62 = tpu.vector_load %arg28[%get3A_61] {strides = array<i32>} : memref<128xf32, #tpu.memory_space<vmem>>, vector<16xf32>,
      %add3A_63 = arith.addf %broadcast_in_dim3A_3, %get3A_62 : vector<16xf32>
      %swap3A_64 = arith.constant 80 : index
      %swap3A_65 = tpu.vector_load %arg27[%swap3A_64] {strides = array<i32>} : memref<512xf32, #tpu.memory_space<vmem>>, vector<16xf32>,
      tpu.vector_store %arg27[%swap3A_64], %add3A_63 {strides = array<i32>} : memref<512xf32, #tpu.memory_space<vmem>>, vector<16xf32>,
      %get3A_66 = arith.constant 96 : index
      %get3A_67 = tpu.vector_load %arg28[%get3A_66] {strides = array<i32>} : memref<128xf32, #tpu.memory_space<vmem>>, vector<16xf32>,
      %add3A_68 = arith.addf %broadcast_in_dim3A_3, %get3A_67 : vector<16xf32>
      %swap3A_69 = arith.constant 96 : index
      %swap3A_70 = tpu.vector_load %arg27[%swap3A_69] {strides = array<i32>} : memref<512xf32, #tpu.memory_space<vmem>>, vector<16xf32>,
      tpu.vector_store %arg27[%swap3A_69], %add3A_68 {strides = array<i32>} : memref<512xf32, #tpu.memory_space<vmem>>, vector<16xf32>,
      %get3A_71 = arith.constant 112 : index
      %get3A_72 = tpu.vector_load %arg28[%get3A_71] {strides = array<i32>} : memref<128xf32, #tpu.memory_space<vmem>>, vector<16xf32>,
      %add3A_73 = arith.addf %broadcast_in_dim3A_3, %get3A_72 : vector<16xf32>
      %swap3A_74 = arith.constant 112 : index
      %swap3A_75 = tpu.vector_load %arg27[%swap3A_74] {strides = array<i32>} : memref<512xf32, #tpu.memory_space<vmem>>, vector<16xf32>,
      tpu.vector_store %arg27[%swap3A_74], %add3A_73 {strides = array<i32>} : memref<512xf32, #tpu.memory_space<vmem>>, vector<16xf32>,
      %dma_start3A_76 = arith.constant 0 : i32
      %dma_start3A_77 = arith.constant 0 : i32
      %dma_start3A_78 = tpu.memref_slice %arg3[%dma_start3A_76, %dma_start3A_77] : memref<250000x16xi32, #tpu.memory_space<hbm>> -> memref<250000x16xi32, #tpu.memory_space<hbm>>
      tpu.enqueue_indirect_dma source(%dma_start3A_78 : memref<250000x16xi32, #tpu.memory_space<hbm>>) target(%arg16 : memref<128x16xi32, #tpu.memory_space<vmem>>) offsets(%arg12 : memref<128xi32, #tpu.memory_space<vmem>>) semaphore(%arg34 : memref<!tpu.dma_semaphore, #tpu.memory_space<semaphore_mem>>)
      %dma_start3A_79 = arith.constant 0 : i32
      %dma_start3A_80 = arith.constant 0 : i32
      %dma_start3A_81 = tpu.memref_slice %arg4[%dma_start3A_79, %dma_start3A_80] : memref<250000x16xf32, #tpu.memory_space<hbm>> -> memref<250000x16xf32, #tpu.memory_space<hbm>>
      tpu.enqueue_indirect_dma source(%dma_start3A_81 : memref<250000x16xf32, #tpu.memory_space<hbm>>) target(%arg20 : memref<128x16xf32, #tpu.memory_space<vmem>>) offsets(%arg12 : memref<128xi32, #tpu.memory_space<vmem>>) semaphore(%arg34 : memref<!tpu.dma_semaphore, #tpu.memory_space<semaphore_mem>>)
      %dma_start3A_82 = arith.constant 0 : i32
      %dma_start3A_83 = arith.constant 0 : i32
      %dma_start3A_84 = tpu.memref_slice %arg5[%dma_start3A_82, %dma_start3A_83] : memref<250000x16xi32, #tpu.memory_space<hbm>> -> memref<250000x16xi32, #tpu.memory_space<hbm>>
      tpu.enqueue_indirect_dma source(%dma_start3A_84 : memref<250000x16xi32, #tpu.memory_space<hbm>>) target(%arg24 : memref<128x16xi32, #tpu.memory_space<vmem>>) offsets(%arg12 : memref<128xi32, #tpu.memory_space<vmem>>) semaphore(%arg34 : memref<!tpu.dma_semaphore, #tpu.memory_space<semaphore_mem>>)
      %dma_start3A_85 = arith.constant 0 : i32
      %dma_start3A_86 = tpu.memref_slice %arg6[%dma_start3A_85] : memref<250000xf32, #tpu.memory_space<hbm>> -> memref<250000xf32, #tpu.memory_space<hbm>>
      tpu.enqueue_indirect_dma source(%dma_start3A_86 : memref<250000xf32, #tpu.memory_space<hbm>>) target(%arg28 : memref<128xf32, #tpu.memory_space<vmem>>) offsets(%arg12 : memref<128xi32, #tpu.memory_space<vmem>>) semaphore(%arg35 : memref<!tpu.dma_semaphore, #tpu.memory_space<semaphore_mem>>)
      %dma_start3A_87 = arith.constant 0 : i32
      %dma_start3A_88 = tpu.memref_slice %arg7[%dma_start3A_87] : memref<250000xi32, #tpu.memory_space<hbm>> -> memref<250000xi32, #tpu.memory_space<hbm>>
      tpu.enqueue_indirect_dma source(%dma_start3A_88 : memref<250000xi32, #tpu.memory_space<hbm>>) target(%arg13 : memref<128xi32, #tpu.memory_space<vmem>>) offsets(%arg12 : memref<128xi32, #tpu.memory_space<vmem>>) semaphore(%arg35 : memref<!tpu.dma_semaphore, #tpu.memory_space<semaphore_mem>>)
      %dma_wait3A_89 = arith.constant 0 : i32
      %dma_wait3A_90 = tpu.memref_slice %arg6[%dma_wait3A_89] : memref<250000xf32, #tpu.memory_space<hbm>> -> memref<250000xf32, #tpu.memory_space<hbm>>
      tpu.wait_indirect_dma semaphore(%arg35 : memref<!tpu.dma_semaphore, #tpu.memory_space<semaphore_mem>>) src(%dma_wait3A_90 : memref<250000xf32, #tpu.memory_space<hbm>>) dst(%arg28 : memref<128xf32, #tpu.memory_space<vmem>>)
      %dma_wait3A_91 = arith.constant 0 : i32
      %dma_wait3A_92 = tpu.memref_slice %arg7[%dma_wait3A_91] : memref<250000xi32, #tpu.memory_space<hbm>> -> memref<250000xi32, #tpu.memory_space<hbm>>
      tpu.wait_indirect_dma semaphore(%arg35 : memref<!tpu.dma_semaphore, #tpu.memory_space<semaphore_mem>>) src(%dma_wait3A_92 : memref<250000xi32, #tpu.memory_space<hbm>>) dst(%arg13 : memref<128xi32, #tpu.memory_space<vmem>>)
      %get3A_93 = arith.constant 0 : index
      %get3A_94 = tpu.vector_load %arg27[%get3A_93] {strides = array<i32>} : memref<512xf32, #tpu.memory_space<vmem>>, vector<16xf32>,
      %get3A_95 = arith.constant 0 : index
      %get3A_96 = tpu.vector_load %arg28[%get3A_95] {strides = array<i32>} : memref<128xf32, #tpu.memory_space<vmem>>, vector<16xf32>,
      %add3A_97 = arith.addf %get3A_94, %get3A_96 : vector<16xf32>
      %swap3A_98 = arith.constant 128 : index
      %swap3A_99 = tpu.vector_load %arg27[%swap3A_98] {strides = array<i32>} : memref<512xf32, #tpu.memory_space<vmem>>, vector<16xf32>,
      tpu.vector_store %arg27[%swap3A_98], %add3A_97 {strides = array<i32>} : memref<512xf32, #tpu.memory_space<vmem>>, vector<16xf32>,
      %get3A_100 = arith.constant 16 : index
      %get3A_101 = tpu.vector_load %arg27[%get3A_100] {strides = array<i32>} : memref<512xf32, #tpu.memory_space<vmem>>, vector<16xf32>,
      %get3A_102 = arith.constant 16 : index
      %get3A_103 = tpu.vector_load %arg28[%get3A_102] {strides = array<i32>} : memref<128xf32, #tpu.memory_space<vmem>>, vector<16xf32>,
      %add3A_104 = arith.addf %get3A_101, %get3A_103 : vector<16xf32>
      %swap3A_105 = arith.constant 144 : index
      %swap3A_106 = tpu.vector_load %arg27[%swap3A_105] {strides = array<i32>} : memref<512xf32, #tpu.memory_space<vmem>>, vector<16xf32>,
      tpu.vector_store %arg27[%swap3A_105], %add3A_104 {strides = array<i32>} : memref<512xf32, #tpu.memory_space<vmem>>, vector<16xf32>,
      %get3A_107 = arith.constant 32 : index
      %get3A_108 = tpu.vector_load %arg27[%get3A_107] {strides = array<i32>} : memref<512xf32, #tpu.memory_space<vmem>>, vector<16xf32>,
      %get3A_109 = arith.constant 32 : index
      %get3A_110 = tpu.vector_load %arg28[%get3A_109] {strides = array<i32>} : memref<128xf32, #tpu.memory_space<vmem>>, vector<16xf32>,
      %add3A_111 = arith.addf %get3A_108, %get3A_110 : vector<16xf32>
      %swap3A_112 = arith.constant 160 : index
      %swap3A_113 = tpu.vector_load %arg27[%swap3A_112] {strides = array<i32>} : memref<512xf32, #tpu.memory_space<vmem>>, vector<16xf32>,
      tpu.vector_store %arg27[%swap3A_112], %add3A_111 {strides = array<i32>} : memref<512xf32, #tpu.memory_space<vmem>>, vector<16xf32>,
      %get3A_114 = arith.constant 48 : index
      %get3A_115 = tpu.vector_load %arg27[%get3A_114] {strides = array<i32>} : memref<512xf32, #tpu.memory_space<vmem>>, vector<16xf32>,
      %get3A_116 = arith.constant 48 : index
      %get3A_117 = tpu.vector_load %arg28[%get3A_116] {strides = array<i32>} : memref<128xf32, #tpu.memory_space<vmem>>, vector<16xf32>,
      %add3A_118 = arith.addf %get3A_115, %get3A_117 : vector<16xf32>
      %swap3A_119 = arith.constant 176 : index
      %swap3A_120 = tpu.vector_load %arg27[%swap3A_119] {strides = array<i32>} : memref<512xf32, #tpu.memory_space<vmem>>, vector<16xf32>,
      tpu.vector_store %arg27[%swap3A_119], %add3A_118 {strides = array<i32>} : memref<512xf32, #tpu.memory_space<vmem>>, vector<16xf32>,
      %get3A_121 = arith.constant 64 : index
      %get3A_122 = tpu.vector_load %arg27[%get3A_121] {strides = array<i32>} : memref<512xf32, #tpu.memory_space<vmem>>, vector<16xf32>,
      %get3A_123 = arith.constant 64 : index
      %get3A_124 = tpu.vector_load %arg28[%get3A_123] {strides = array<i32>} : memref<128xf32, #tpu.memory_space<vmem>>, vector<16xf32>,
      %add3A_125 = arith.addf %get3A_122, %get3A_124 : vector<16xf32>
      %swap3A_126 = arith.constant 192 : index
      %swap3A_127 = tpu.vector_load %arg27[%swap3A_126] {strides = array<i32>} : memref<512xf32, #tpu.memory_space<vmem>>, vector<16xf32>,
      tpu.vector_store %arg27[%swap3A_126], %add3A_125 {strides = array<i32>} : memref<512xf32, #tpu.memory_space<vmem>>, vector<16xf32>,
      %get3A_128 = arith.constant 80 : index
      %get3A_129 = tpu.vector_load %arg27[%get3A_128] {strides = array<i32>} : memref<512xf32, #tpu.memory_space<vmem>>, vector<16xf32>,
      %get3A_130 = arith.constant 80 : index
      %get3A_131 = tpu.vector_load %arg28[%get3A_130] {strides = array<i32>} : memref<128xf32, #tpu.memory_space<vmem>>, vector<16xf32>,
      %add3A_132 = arith.addf %get3A_129, %get3A_131 : vector<16xf32>
      %swap3A_133 = arith.constant 208 : index
      %swap3A_134 = tpu.vector_load %arg27[%swap3A_133] {strides = array<i32>} : memref<512xf32, #tpu.memory_space<vmem>>, vector<16xf32>,
      tpu.vector_store %arg27[%swap3A_133], %add3A_132 {strides = array<i32>} : memref<512xf32, #tpu.memory_space<vmem>>, vector<16xf32>,
      %get3A_135 = arith.constant 96 : index
      %get3A_136 = tpu.vector_load %arg27[%get3A_135] {strides = array<i32>} : memref<512xf32, #tpu.memory_space<vmem>>, vector<16xf32>,
      %get3A_137 = arith.constant 96 : index
      %get3A_138 = tpu.vector_load %arg28[%get3A_137] {strides = array<i32>} : memref<128xf32, #tpu.memory_space<vmem>>, vector<16xf32>,
      %add3A_139 = arith.addf %get3A_136, %get3A_138 : vector<16xf32>
      %swap3A_140 = arith.constant 224 : index
      %swap3A_141 = tpu.vector_load %arg27[%swap3A_140] {strides = array<i32>} : memref<512xf32, #tpu.memory_space<vmem>>, vector<16xf32>,
      tpu.vector_store %arg27[%swap3A_140], %add3A_139 {strides = array<i32>} : memref<512xf32, #tpu.memory_space<vmem>>, vector<16xf32>,
      %get3A_142 = arith.constant 112 : index
      %get3A_143 = tpu.vector_load %arg27[%get3A_142] {strides = array<i32>} : memref<512xf32, #tpu.memory_space<vmem>>, vector<16xf32>,
      %get3A_144 = arith.constant 112 : index
      %get3A_145 = tpu.vector_load %arg28[%get3A_144] {strides = array<i32>} : memref<128xf32, #tpu.memory_space<vmem>>, vector<16xf32>,
      %add3A_146 = arith.addf %get3A_143, %get3A_145 : vector<16xf32>
      %swap3A_147 = arith.constant 240 : index
      %swap3A_148 = tpu.vector_load %arg27[%swap3A_147] {strides = array<i32>} : memref<512xf32, #tpu.memory_space<vmem>>, vector<16xf32>,
      tpu.vector_store %arg27[%swap3A_147], %add3A_146 {strides = array<i32>} : memref<512xf32, #tpu.memory_space<vmem>>, vector<16xf32>,
      %dma_start3A_149 = arith.constant 0 : i32
      %dma_start3A_150 = arith.constant 0 : i32
      %dma_start3A_151 = tpu.memref_slice %arg3[%dma_start3A_149, %dma_start3A_150] : memref<250000x16xi32, #tpu.memory_space<hbm>> -> memref<250000x16xi32, #tpu.memory_space<hbm>>
      tpu.enqueue_indirect_dma source(%dma_start3A_151 : memref<250000x16xi32, #tpu.memory_space<hbm>>) target(%arg17 : memref<128x16xi32, #tpu.memory_space<vmem>>) offsets(%arg13 : memref<128xi32, #tpu.memory_space<vmem>>) semaphore(%arg34 : memref<!tpu.dma_semaphore, #tpu.memory_space<semaphore_mem>>)
      %dma_start3A_152 = arith.constant 0 : i32
      %dma_start3A_153 = arith.constant 0 : i32
      %dma_start3A_154 = tpu.memref_slice %arg4[%dma_start3A_152, %dma_start3A_153] : memref<250000x16xf32, #tpu.memory_space<hbm>> -> memref<250000x16xf32, #tpu.memory_space<hbm>>
      tpu.enqueue_indirect_dma source(%dma_start3A_154 : memref<250000x16xf32, #tpu.memory_space<hbm>>) target(%arg21 : memref<128x16xf32, #tpu.memory_space<vmem>>) offsets(%arg13 : memref<128xi32, #tpu.memory_space<vmem>>) semaphore(%arg34 : memref<!tpu.dma_semaphore, #tpu.memory_space<semaphore_mem>>)
      %dma_start3A_155 = arith.constant 0 : i32
      %dma_start3A_156 = arith.constant 0 : i32
      %dma_start3A_157 = tpu.memref_slice %arg5[%dma_start3A_155, %dma_start3A_156] : memref<250000x16xi32, #tpu.memory_space<hbm>> -> memref<250000x16xi32, #tpu.memory_space<hbm>>
      tpu.enqueue_indirect_dma source(%dma_start3A_157 : memref<250000x16xi32, #tpu.memory_space<hbm>>) target(%arg25 : memref<128x16xi32, #tpu.memory_space<vmem>>) offsets(%arg13 : memref<128xi32, #tpu.memory_space<vmem>>) semaphore(%arg34 : memref<!tpu.dma_semaphore, #tpu.memory_space<semaphore_mem>>)
      %dma_start3A_158 = arith.constant 0 : i32
      %dma_start3A_159 = tpu.memref_slice %arg6[%dma_start3A_158] : memref<250000xf32, #tpu.memory_space<hbm>> -> memref<250000xf32, #tpu.memory_space<hbm>>
      tpu.enqueue_indirect_dma source(%dma_start3A_159 : memref<250000xf32, #tpu.memory_space<hbm>>) target(%arg28 : memref<128xf32, #tpu.memory_space<vmem>>) offsets(%arg13 : memref<128xi32, #tpu.memory_space<vmem>>) semaphore(%arg35 : memref<!tpu.dma_semaphore, #tpu.memory_space<semaphore_mem>>)
      %dma_start3A_160 = arith.constant 0 : i32
      %dma_start3A_161 = tpu.memref_slice %arg7[%dma_start3A_160] : memref<250000xi32, #tpu.memory_space<hbm>> -> memref<250000xi32, #tpu.memory_space<hbm>>
      tpu.enqueue_indirect_dma source(%dma_start3A_161 : memref<250000xi32, #tpu.memory_space<hbm>>) target(%arg14 : memref<128xi32, #tpu.memory_space<vmem>>) offsets(%arg13 : memref<128xi32, #tpu.memory_space<vmem>>) semaphore(%arg35 : memref<!tpu.dma_semaphore, #tpu.memory_space<semaphore_mem>>)
      %dma_wait3A_162 = arith.constant 0 : i32
      %dma_wait3A_163 = tpu.memref_slice %arg6[%dma_wait3A_162] : memref<250000xf32, #tpu.memory_space<hbm>> -> memref<250000xf32, #tpu.memory_space<hbm>>
      tpu.wait_indirect_dma semaphore(%arg35 : memref<!tpu.dma_semaphore, #tpu.memory_space<semaphore_mem>>) src(%dma_wait3A_163 : memref<250000xf32, #tpu.memory_space<hbm>>) dst(%arg28 : memref<128xf32, #tpu.memory_space<vmem>>)
      %dma_wait3A_164 = arith.constant 0 : i32
      %dma_wait3A_165 = tpu.memref_slice %arg7[%dma_wait3A_164] : memref<250000xi32, #tpu.memory_space<hbm>> -> memref<250000xi32, #tpu.memory_space<hbm>>
      tpu.wait_indirect_dma semaphore(%arg35 : memref<!tpu.dma_semaphore, #tpu.memory_space<semaphore_mem>>) src(%dma_wait3A_165 : memref<250000xi32, #tpu.memory_space<hbm>>) dst(%arg14 : memref<128xi32, #tpu.memory_space<vmem>>)
      %get3A_166 = arith.constant 128 : index
      %get3A_167 = tpu.vector_load %arg27[%get3A_166] {strides = array<i32>} : memref<512xf32, #tpu.memory_space<vmem>>, vector<16xf32>,
      %get3A_168 = arith.constant 0 : index
      %get3A_169 = tpu.vector_load %arg28[%get3A_168] {strides = array<i32>} : memref<128xf32, #tpu.memory_space<vmem>>, vector<16xf32>,
      %add3A_170 = arith.addf %get3A_167, %get3A_169 : vector<16xf32>
      %swap3A_171 = arith.constant 256 : index
      %swap3A_172 = tpu.vector_load %arg27[%swap3A_171] {strides = array<i32>} : memref<512xf32, #tpu.memory_space<vmem>>, vector<16xf32>,
      tpu.vector_store %arg27[%swap3A_171], %add3A_170 {strides = array<i32>} : memref<512xf32, #tpu.memory_space<vmem>>, vector<16xf32>,
      %get3A_173 = arith.constant 144 : index
      %get3A_174 = tpu.vector_load %arg27[%get3A_173] {strides = array<i32>} : memref<512xf32, #tpu.memory_space<vmem>>, vector<16xf32>,
      %get3A_175 = arith.constant 16 : index
      %get3A_176 = tpu.vector_load %arg28[%get3A_175] {strides = array<i32>} : memref<128xf32, #tpu.memory_space<vmem>>, vector<16xf32>,
      %add3A_177 = arith.addf %get3A_174, %get3A_176 : vector<16xf32>
      %swap3A_178 = arith.constant 272 : index
      %swap3A_179 = tpu.vector_load %arg27[%swap3A_178] {strides = array<i32>} : memref<512xf32, #tpu.memory_space<vmem>>, vector<16xf32>,
      tpu.vector_store %arg27[%swap3A_178], %add3A_177 {strides = array<i32>} : memref<512xf32, #tpu.memory_space<vmem>>, vector<16xf32>,
      %get3A_180 = arith.constant 160 : index
      %get3A_181 = tpu.vector_load %arg27[%get3A_180] {strides = array<i32>} : memref<512xf32, #tpu.memory_space<vmem>>, vector<16xf32>,
      %get3A_182 = arith.constant 32 : index
      %get3A_183 = tpu.vector_load %arg28[%get3A_182] {strides = array<i32>} : memref<128xf32, #tpu.memory_space<vmem>>, vector<16xf32>,
      %add3A_184 = arith.addf %get3A_181, %get3A_183 : vector<16xf32>
      %swap3A_185 = arith.constant 288 : index
      %swap3A_186 = tpu.vector_load %arg27[%swap3A_185] {strides = array<i32>} : memref<512xf32, #tpu.memory_space<vmem>>, vector<16xf32>,
      tpu.vector_store %arg27[%swap3A_185], %add3A_184 {strides = array<i32>} : memref<512xf32, #tpu.memory_space<vmem>>, vector<16xf32>,
      %get3A_187 = arith.constant 176 : index
      %get3A_188 = tpu.vector_load %arg27[%get3A_187] {strides = array<i32>} : memref<512xf32, #tpu.memory_space<vmem>>, vector<16xf32>,
      %get3A_189 = arith.constant 48 : index
      %get3A_190 = tpu.vector_load %arg28[%get3A_189] {strides = array<i32>} : memref<128xf32, #tpu.memory_space<vmem>>, vector<16xf32>,
      %add3A_191 = arith.addf %get3A_188, %get3A_190 : vector<16xf32>
      %swap3A_192 = arith.constant 304 : index
      %swap3A_193 = tpu.vector_load %arg27[%swap3A_192] {strides = array<i32>} : memref<512xf32, #tpu.memory_space<vmem>>, vector<16xf32>,
      tpu.vector_store %arg27[%swap3A_192], %add3A_191 {strides = array<i32>} : memref<512xf32, #tpu.memory_space<vmem>>, vector<16xf32>,
      %get3A_194 = arith.constant 192 : index
      %get3A_195 = tpu.vector_load %arg27[%get3A_194] {strides = array<i32>} : memref<512xf32, #tpu.memory_space<vmem>>, vector<16xf32>,
      %get3A_196 = arith.constant 64 : index
      %get3A_197 = tpu.vector_load %arg28[%get3A_196] {strides = array<i32>} : memref<128xf32, #tpu.memory_space<vmem>>, vector<16xf32>,
      %add3A_198 = arith.addf %get3A_195, %get3A_197 : vector<16xf32>
      %swap3A_199 = arith.constant 320 : index
      %swap3A_200 = tpu.vector_load %arg27[%swap3A_199] {strides = array<i32>} : memref<512xf32, #tpu.memory_space<vmem>>, vector<16xf32>,
      tpu.vector_store %arg27[%swap3A_199], %add3A_198 {strides = array<i32>} : memref<512xf32, #tpu.memory_space<vmem>>, vector<16xf32>,
      %get3A_201 = arith.constant 208 : index
      %get3A_202 = tpu.vector_load %arg27[%get3A_201] {strides = array<i32>} : memref<512xf32, #tpu.memory_space<vmem>>, vector<16xf32>,
      %get3A_203 = arith.constant 80 : index
      %get3A_204 = tpu.vector_load %arg28[%get3A_203] {strides = array<i32>} : memref<128xf32, #tpu.memory_space<vmem>>, vector<16xf32>,
      %add3A_205 = arith.addf %get3A_202, %get3A_204 : vector<16xf32>
      %swap3A_206 = arith.constant 336 : index
      %swap3A_207 = tpu.vector_load %arg27[%swap3A_206] {strides = array<i32>} : memref<512xf32, #tpu.memory_space<vmem>>, vector<16xf32>,
      tpu.vector_store %arg27[%swap3A_206], %add3A_205 {strides = array<i32>} : memref<512xf32, #tpu.memory_space<vmem>>, vector<16xf32>,
      %get3A_208 = arith.constant 224 : index
      %get3A_209 = tpu.vector_load %arg27[%get3A_208] {strides = array<i32>} : memref<512xf32, #tpu.memory_space<vmem>>, vector<16xf32>,
      %get3A_210 = arith.constant 96 : index
      %get3A_211 = tpu.vector_load %arg28[%get3A_210] {strides = array<i32>} : memref<128xf32, #tpu.memory_space<vmem>>, vector<16xf32>,
      %add3A_212 = arith.addf %get3A_209, %get3A_211 : vector<16xf32>
      %swap3A_213 = arith.constant 352 : index
      %swap3A_214 = tpu.vector_load %arg27[%swap3A_213] {strides = array<i32>} : memref<512xf32, #tpu.memory_space<vmem>>, vector<16xf32>,
      tpu.vector_store %arg27[%swap3A_213], %add3A_212 {strides = array<i32>} : memref<512xf32, #tpu.memory_space<vmem>>, vector<16xf32>,
      %get3A_215 = arith.constant 240 : index
      %get3A_216 = tpu.vector_load %arg27[%get3A_215] {strides = array<i32>} : memref<512xf32, #tpu.memory_space<vmem>>, vector<16xf32>,
      %get3A_217 = arith.constant 112 : index
      %get3A_218 = tpu.vector_load %arg28[%get3A_217] {strides = array<i32>} : memref<128xf32, #tpu.memory_space<vmem>>, vector<16xf32>,
      %add3A_219 = arith.addf %get3A_216, %get3A_218 : vector<16xf32>
      %swap3A_220 = arith.constant 368 : index
      %swap3A_221 = tpu.vector_load %arg27[%swap3A_220] {strides = array<i32>} : memref<512xf32, #tpu.memory_space<vmem>>, vector<16xf32>,
      tpu.vector_store %arg27[%swap3A_220], %add3A_219 {strides = array<i32>} : memref<512xf32, #tpu.memory_space<vmem>>, vector<16xf32>,
      %dma_start3A_222 = arith.constant 0 : i32
      %dma_start3A_223 = arith.constant 0 : i32
      %dma_start3A_224 = tpu.memref_slice %arg3[%dma_start3A_222, %dma_start3A_223] : memref<250000x16xi32, #tpu.memory_space<hbm>> -> memref<250000x16xi32, #tpu.memory_space<hbm>>
      tpu.enqueue_indirect_dma source(%dma_start3A_224 : memref<250000x16xi32, #tpu.memory_space<hbm>>) target(%arg18 : memref<128x16xi32, #tpu.memory_space<vmem>>) offsets(%arg14 : memref<128xi32, #tpu.memory_space<vmem>>) semaphore(%arg34 : memref<!tpu.dma_semaphore, #tpu.memory_space<semaphore_mem>>)
      %dma_start3A_225 = arith.constant 0 : i32
      %dma_start3A_226 = arith.constant 0 : i32
      %dma_start3A_227 = tpu.memref_slice %arg4[%dma_start3A_225, %dma_start3A_226] : memref<250000x16xf32, #tpu.memory_space<hbm>> -> memref<250000x16xf32, #tpu.memory_space<hbm>>
      tpu.enqueue_indirect_dma source(%dma_start3A_227 : memref<250000x16xf32, #tpu.memory_space<hbm>>) target(%arg22 : memref<128x16xf32, #tpu.memory_space<vmem>>) offsets(%arg14 : memref<128xi32, #tpu.memory_space<vmem>>) semaphore(%arg34 : memref<!tpu.dma_semaphore, #tpu.memory_space<semaphore_mem>>)
      %dma_start3A_228 = arith.constant 0 : i32
      %dma_start3A_229 = arith.constant 0 : i32
      %dma_start3A_230 = tpu.memref_slice %arg5[%dma_start3A_228, %dma_start3A_229] : memref<250000x16xi32, #tpu.memory_space<hbm>> -> memref<250000x16xi32, #tpu.memory_space<hbm>>
      tpu.enqueue_indirect_dma source(%dma_start3A_230 : memref<250000x16xi32, #tpu.memory_space<hbm>>) target(%arg26 : memref<128x16xi32, #tpu.memory_space<vmem>>) offsets(%arg14 : memref<128xi32, #tpu.memory_space<vmem>>) semaphore(%arg34 : memref<!tpu.dma_semaphore, #tpu.memory_space<semaphore_mem>>)
      %dma_start3A_231 = arith.constant 0 : i32
      %dma_start3A_232 = tpu.memref_slice %arg6[%dma_start3A_231] : memref<250000xf32, #tpu.memory_space<hbm>> -> memref<250000xf32, #tpu.memory_space<hbm>>
      tpu.enqueue_indirect_dma source(%dma_start3A_232 : memref<250000xf32, #tpu.memory_space<hbm>>) target(%arg28 : memref<128xf32, #tpu.memory_space<vmem>>) offsets(%arg14 : memref<128xi32, #tpu.memory_space<vmem>>) semaphore(%arg35 : memref<!tpu.dma_semaphore, #tpu.memory_space<semaphore_mem>>)
      %dma_wait3A_233 = arith.constant 0 : i32
      %dma_wait3A_234 = tpu.memref_slice %arg6[%dma_wait3A_233] : memref<250000xf32, #tpu.memory_space<hbm>> -> memref<250000xf32, #tpu.memory_space<hbm>>
      tpu.wait_indirect_dma semaphore(%arg35 : memref<!tpu.dma_semaphore, #tpu.memory_space<semaphore_mem>>) src(%dma_wait3A_234 : memref<250000xf32, #tpu.memory_space<hbm>>) dst(%arg28 : memref<128xf32, #tpu.memory_space<vmem>>)
      %get3A_235 = arith.constant 256 : index
      %get3A_236 = tpu.vector_load %arg27[%get3A_235] {strides = array<i32>} : memref<512xf32, #tpu.memory_space<vmem>>, vector<16xf32>,
      %get3A_237 = arith.constant 0 : index
      %get3A_238 = tpu.vector_load %arg28[%get3A_237] {strides = array<i32>} : memref<128xf32, #tpu.memory_space<vmem>>, vector<16xf32>,
      %add3A_239 = arith.addf %get3A_236, %get3A_238 : vector<16xf32>
      %swap3A_240 = arith.constant 384 : index
      %swap3A_241 = tpu.vector_load %arg27[%swap3A_240] {strides = array<i32>} : memref<512xf32, #tpu.memory_space<vmem>>, vector<16xf32>,
      tpu.vector_store %arg27[%swap3A_240], %add3A_239 {strides = array<i32>} : memref<512xf32, #tpu.memory_space<vmem>>, vector<16xf32>,
      %get3A_242 = arith.constant 272 : index
      %get3A_243 = tpu.vector_load %arg27[%get3A_242] {strides = array<i32>} : memref<512xf32, #tpu.memory_space<vmem>>, vector<16xf32>,
      %get3A_244 = arith.constant 16 : index
      %get3A_245 = tpu.vector_load %arg28[%get3A_244] {strides = array<i32>} : memref<128xf32, #tpu.memory_space<vmem>>, vector<16xf32>,
      %add3A_246 = arith.addf %get3A_243, %get3A_245 : vector<16xf32>
      %swap3A_247 = arith.constant 400 : index
      %swap3A_248 = tpu.vector_load %arg27[%swap3A_247] {strides = array<i32>} : memref<512xf32, #tpu.memory_space<vmem>>, vector<16xf32>,
      tpu.vector_store %arg27[%swap3A_247], %add3A_246 {strides = array<i32>} : memref<512xf32, #tpu.memory_space<vmem>>, vector<16xf32>,
      %get3A_249 = arith.constant 288 : index
      %get3A_250 = tpu.vector_load %arg27[%get3A_249] {strides = array<i32>} : memref<512xf32, #tpu.memory_space<vmem>>, vector<16xf32>,
      %get3A_251 = arith.constant 32 : index
      %get3A_252 = tpu.vector_load %arg28[%get3A_251] {strides = array<i32>} : memref<128xf32, #tpu.memory_space<vmem>>, vector<16xf32>,
      %add3A_253 = arith.addf %get3A_250, %get3A_252 : vector<16xf32>
      %swap3A_254 = arith.constant 416 : index
      %swap3A_255 = tpu.vector_load %arg27[%swap3A_254] {strides = array<i32>} : memref<512xf32, #tpu.memory_space<vmem>>, vector<16xf32>,
      tpu.vector_store %arg27[%swap3A_254], %add3A_253 {strides = array<i32>} : memref<512xf32, #tpu.memory_space<vmem>>, vector<16xf32>,
      %get3A_256 = arith.constant 304 : index
      %get3A_257 = tpu.vector_load %arg27[%get3A_256] {strides = array<i32>} : memref<512xf32, #tpu.memory_space<vmem>>, vector<16xf32>,
      %get3A_258 = arith.constant 48 : index
      %get3A_259 = tpu.vector_load %arg28[%get3A_258] {strides = array<i32>} : memref<128xf32, #tpu.memory_space<vmem>>, vector<16xf32>,
      %add3A_260 = arith.addf %get3A_257, %get3A_259 : vector<16xf32>
      %swap3A_261 = arith.constant 432 : index
      %swap3A_262 = tpu.vector_load %arg27[%swap3A_261] {strides = array<i32>} : memref<512xf32, #tpu.memory_space<vmem>>, vector<16xf32>,
      tpu.vector_store %arg27[%swap3A_261], %add3A_260 {strides = array<i32>} : memref<512xf32, #tpu.memory_space<vmem>>, vector<16xf32>,
      %get3A_263 = arith.constant 320 : index
      %get3A_264 = tpu.vector_load %arg27[%get3A_263] {strides = array<i32>} : memref<512xf32, #tpu.memory_space<vmem>>, vector<16xf32>,
      %get3A_265 = arith.constant 64 : index
      %get3A_266 = tpu.vector_load %arg28[%get3A_265] {strides = array<i32>} : memref<128xf32, #tpu.memory_space<vmem>>, vector<16xf32>,
      %add3A_267 = arith.addf %get3A_264, %get3A_266 : vector<16xf32>
      %swap3A_268 = arith.constant 448 : index
      %swap3A_269 = tpu.vector_load %arg27[%swap3A_268] {strides = array<i32>} : memref<512xf32, #tpu.memory_space<vmem>>, vector<16xf32>,
      tpu.vector_store %arg27[%swap3A_268], %add3A_267 {strides = array<i32>} : memref<512xf32, #tpu.memory_space<vmem>>, vector<16xf32>,
      %get3A_270 = arith.constant 336 : index
      %get3A_271 = tpu.vector_load %arg27[%get3A_270] {strides = array<i32>} : memref<512xf32, #tpu.memory_space<vmem>>, vector<16xf32>,
      %get3A_272 = arith.constant 80 : index
      %get3A_273 = tpu.vector_load %arg28[%get3A_272] {strides = array<i32>} : memref<128xf32, #tpu.memory_space<vmem>>, vector<16xf32>,
      %add3A_274 = arith.addf %get3A_271, %get3A_273 : vector<16xf32>
      %swap3A_275 = arith.constant 464 : index
      %swap3A_276 = tpu.vector_load %arg27[%swap3A_275] {strides = array<i32>} : memref<512xf32, #tpu.memory_space<vmem>>, vector<16xf32>,
      tpu.vector_store %arg27[%swap3A_275], %add3A_274 {strides = array<i32>} : memref<512xf32, #tpu.memory_space<vmem>>, vector<16xf32>,
      %get3A_277 = arith.constant 352 : index
      %get3A_278 = tpu.vector_load %arg27[%get3A_277] {strides = array<i32>} : memref<512xf32, #tpu.memory_space<vmem>>, vector<16xf32>,
      %get3A_279 = arith.constant 96 : index
      %get3A_280 = tpu.vector_load %arg28[%get3A_279] {strides = array<i32>} : memref<128xf32, #tpu.memory_space<vmem>>, vector<16xf32>,
      %add3A_281 = arith.addf %get3A_278, %get3A_280 : vector<16xf32>
      %swap3A_282 = arith.constant 480 : index
      %swap3A_283 = tpu.vector_load %arg27[%swap3A_282] {strides = array<i32>} : memref<512xf32, #tpu.memory_space<vmem>>, vector<16xf32>,
      tpu.vector_store %arg27[%swap3A_282], %add3A_281 {strides = array<i32>} : memref<512xf32, #tpu.memory_space<vmem>>, vector<16xf32>,
      %get3A_284 = arith.constant 368 : index
      %get3A_285 = tpu.vector_load %arg27[%get3A_284] {strides = array<i32>} : memref<512xf32, #tpu.memory_space<vmem>>, vector<16xf32>,
      %get3A_286 = arith.constant 112 : index
      %get3A_287 = tpu.vector_load %arg28[%get3A_286] {strides = array<i32>} : memref<128xf32, #tpu.memory_space<vmem>>, vector<16xf32>,
      %add3A_288 = arith.addf %get3A_285, %get3A_287 : vector<16xf32>
      %swap3A_289 = arith.constant 496 : index
      %swap3A_290 = tpu.vector_load %arg27[%swap3A_289] {strides = array<i32>} : memref<512xf32, #tpu.memory_space<vmem>>, vector<16xf32>,
      tpu.vector_store %arg27[%swap3A_289], %add3A_288 {strides = array<i32>} : memref<512xf32, #tpu.memory_space<vmem>>, vector<16xf32>,
      %dma_wait3A_291 = arith.constant 0 : i32
      %dma_wait3A_292 = arith.constant 0 : i32
      %dma_wait3A_293 = tpu.memref_slice %arg3[%dma_wait3A_291, %dma_wait3A_292] : memref<250000x16xi32, #tpu.memory_space<hbm>> -> memref<250000x16xi32, #tpu.memory_space<hbm>>
      tpu.wait_indirect_dma semaphore(%arg34 : memref<!tpu.dma_semaphore, #tpu.memory_space<semaphore_mem>>) src(%dma_wait3A_293 : memref<250000x16xi32, #tpu.memory_space<hbm>>) dst(%arg15 : memref<128x16xi32, #tpu.memory_space<vmem>>)
      %dma_wait3A_294 = arith.constant 0 : i32
      %dma_wait3A_295 = arith.constant 0 : i32
      %dma_wait3A_296 = tpu.memref_slice %arg4[%dma_wait3A_294, %dma_wait3A_295] : memref<250000x16xf32, #tpu.memory_space<hbm>> -> memref<250000x16xf32, #tpu.memory_space<hbm>>
      tpu.wait_indirect_dma semaphore(%arg34 : memref<!tpu.dma_semaphore, #tpu.memory_space<semaphore_mem>>) src(%dma_wait3A_296 : memref<250000x16xf32, #tpu.memory_space<hbm>>) dst(%arg19 : memref<128x16xf32, #tpu.memory_space<vmem>>)
      %dma_wait3A_297 = arith.constant 0 : i32
      %dma_wait3A_298 = arith.constant 0 : i32
      %dma_wait3A_299 = tpu.memref_slice %arg5[%dma_wait3A_297, %dma_wait3A_298] : memref<250000x16xi32, #tpu.memory_space<hbm>> -> memref<250000x16xi32, #tpu.memory_space<hbm>>
      tpu.wait_indirect_dma semaphore(%arg34 : memref<!tpu.dma_semaphore, #tpu.memory_space<semaphore_mem>>) src(%dma_wait3A_299 : memref<250000x16xi32, #tpu.memory_space<hbm>>) dst(%arg23 : memref<128x16xi32, #tpu.memory_space<vmem>>)
      %dma_wait3A_300 = arith.constant 0 : i32
      %dma_wait3A_301 = arith.constant 0 : i32
      %dma_wait3A_302 = tpu.memref_slice %arg3[%dma_wait3A_300, %dma_wait3A_301] : memref<250000x16xi32, #tpu.memory_space<hbm>> -> memref<250000x16xi32, #tpu.memory_space<hbm>>
      tpu.wait_indirect_dma semaphore(%arg34 : memref<!tpu.dma_semaphore, #tpu.memory_space<semaphore_mem>>) src(%dma_wait3A_302 : memref<250000x16xi32, #tpu.memory_space<hbm>>) dst(%arg16 : memref<128x16xi32, #tpu.memory_space<vmem>>)
      %dma_wait3A_303 = arith.constant 0 : i32
      %dma_wait3A_304 = arith.constant 0 : i32
      %dma_wait3A_305 = tpu.memref_slice %arg4[%dma_wait3A_303, %dma_wait3A_304] : memref<250000x16xf32, #tpu.memory_space<hbm>> -> memref<250000x16xf32, #tpu.memory_space<hbm>>
      tpu.wait_indirect_dma semaphore(%arg34 : memref<!tpu.dma_semaphore, #tpu.memory_space<semaphore_mem>>) src(%dma_wait3A_305 : memref<250000x16xf32, #tpu.memory_space<hbm>>) dst(%arg20 : memref<128x16xf32, #tpu.memory_space<vmem>>)
      %dma_wait3A_306 = arith.constant 0 : i32
      %dma_wait3A_307 = arith.constant 0 : i32
      %dma_wait3A_308 = tpu.memref_slice %arg5[%dma_wait3A_306, %dma_wait3A_307] : memref<250000x16xi32, #tpu.memory_space<hbm>> -> memref<250000x16xi32, #tpu.memory_space<hbm>>
      tpu.wait_indirect_dma semaphore(%arg34 : memref<!tpu.dma_semaphore, #tpu.memory_space<semaphore_mem>>) src(%dma_wait3A_308 : memref<250000x16xi32, #tpu.memory_space<hbm>>) dst(%arg24 : memref<128x16xi32, #tpu.memory_space<vmem>>)
      %dma_wait3A_309 = arith.constant 0 : i32
      %dma_wait3A_310 = arith.constant 0 : i32
      %dma_wait3A_311 = tpu.memref_slice %arg3[%dma_wait3A_309, %dma_wait3A_310] : memref<250000x16xi32, #tpu.memory_space<hbm>> -> memref<250000x16xi32, #tpu.memory_space<hbm>>
      tpu.wait_indirect_dma semaphore(%arg34 : memref<!tpu.dma_semaphore, #tpu.memory_space<semaphore_mem>>) src(%dma_wait3A_311 : memref<250000x16xi32, #tpu.memory_space<hbm>>) dst(%arg17 : memref<128x16xi32, #tpu.memory_space<vmem>>)
      %dma_wait3A_312 = arith.constant 0 : i32
      %dma_wait3A_313 = arith.constant 0 : i32
      %dma_wait3A_314 = tpu.memref_slice %arg4[%dma_wait3A_312, %dma_wait3A_313] : memref<250000x16xf32, #tpu.memory_space<hbm>> -> memref<250000x16xf32, #tpu.memory_space<hbm>>
      tpu.wait_indirect_dma semaphore(%arg34 : memref<!tpu.dma_semaphore, #tpu.memory_space<semaphore_mem>>) src(%dma_wait3A_314 : memref<250000x16xf32, #tpu.memory_space<hbm>>) dst(%arg21 : memref<128x16xf32, #tpu.memory_space<vmem>>)
      %dma_wait3A_315 = arith.constant 0 : i32
      %dma_wait3A_316 = arith.constant 0 : i32
      %dma_wait3A_317 = tpu.memref_slice %arg5[%dma_wait3A_315, %dma_wait3A_316] : memref<250000x16xi32, #tpu.memory_space<hbm>> -> memref<250000x16xi32, #tpu.memory_space<hbm>>
      tpu.wait_indirect_dma semaphore(%arg34 : memref<!tpu.dma_semaphore, #tpu.memory_space<semaphore_mem>>) src(%dma_wait3A_317 : memref<250000x16xi32, #tpu.memory_space<hbm>>) dst(%arg25 : memref<128x16xi32, #tpu.memory_space<vmem>>)
      %dma_wait3A_318 = arith.constant 0 : i32
      %dma_wait3A_319 = arith.constant 0 : i32
      %dma_wait3A_320 = tpu.memref_slice %arg3[%dma_wait3A_318, %dma_wait3A_319] : memref<250000x16xi32, #tpu.memory_space<hbm>> -> memref<250000x16xi32, #tpu.memory_space<hbm>>
      tpu.wait_indirect_dma semaphore(%arg34 : memref<!tpu.dma_semaphore, #tpu.memory_space<semaphore_mem>>) src(%dma_wait3A_320 : memref<250000x16xi32, #tpu.memory_space<hbm>>) dst(%arg18 : memref<128x16xi32, #tpu.memory_space<vmem>>)
      %dma_wait3A_321 = arith.constant 0 : i32
      %dma_wait3A_322 = arith.constant 0 : i32
      %dma_wait3A_323 = tpu.memref_slice %arg4[%dma_wait3A_321, %dma_wait3A_322] : memref<250000x16xf32, #tpu.memory_space<hbm>> -> memref<250000x16xf32, #tpu.memory_space<hbm>>
      tpu.wait_indirect_dma semaphore(%arg34 : memref<!tpu.dma_semaphore, #tpu.memory_space<semaphore_mem>>) src(%dma_wait3A_323 : memref<250000x16xf32, #tpu.memory_space<hbm>>) dst(%arg22 : memref<128x16xf32, #tpu.memory_space<vmem>>)
      %dma_wait3A_324 = arith.constant 0 : i32
      %dma_wait3A_325 = arith.constant 0 : i32
      %dma_wait3A_326 = tpu.memref_slice %arg5[%dma_wait3A_324, %dma_wait3A_325] : memref<250000x16xi32, #tpu.memory_space<hbm>> -> memref<250000x16xi32, #tpu.memory_space<hbm>>
      tpu.wait_indirect_dma semaphore(%arg34 : memref<!tpu.dma_semaphore, #tpu.memory_space<semaphore_mem>>) src(%dma_wait3A_326 : memref<250000x16xi32, #tpu.memory_space<hbm>>) dst(%arg26 : memref<128x16xi32, #tpu.memory_space<vmem>>)
      %get3A_327 = arith.constant 0 : index
      %get3A_328 = tpu.vector_load %arg33[%get3A_327] {strides = array<i32>} : memref<16xf32, #tpu.memory_space<vmem>>, vector<16xf32>,
      %scan3A_329 = arith.constant 0 : i32
      %scan3A_330 = arith.constant 4 : i32
      %scan3A_331 = arith.addi %scan3A_329, %scan3A_330 : i32
      %scan3A_332 = arith.constant 1 : i32
      scf.for %scan3A_384 = %scan3A_329 to %scan3A_331 step %scan3A_332  : i32 {
        %mul3A_385 = arith.constant 1 : i32
        %mul3A_386 = arith.muli %scan3A_384, %mul3A_385 : i32
        %add3A_387 = arith.constant 0 : i32
        %add3A_388 = arith.addi %add3A_387, %mul3A_386 : i32
        %mul3A_389 = arith.constant 2 : i32
        %mul3A_390 = arith.muli %add3A_388, %mul3A_389 : i32
        %add3A_391 = arith.constant 0 : i32
        %add3A_392 = arith.addi %mul3A_390, %add3A_391 : i32
        %gt3A = arith.constant 0 : i32
        %gt3A_393 = arith.cmpi sgt, %add3A_388, %gt3A : i32
        %convert_element_type3A = arith.extui %gt3A_393 : i1 to i32
        %cond3A = arith.constant 0 : i32
        %cond3A_394 = arith.cmpi ne, %convert_element_type3A, %cond3A : i32
        scf.if %cond3A_394 {
          %dma_wait3A_540 = arith.constant 0 : i32
          %dma_wait3A_541 = arith.constant 0 : i32
          %dma_wait3A_542 = arith.constant 0 : i32
          %dma_wait3A_543 = arith.constant 0 : i32
          %dma_wait3A_544 = tpu.memref_slice %arg9[%dma_wait3A_540, %dma_wait3A_541, %dma_wait3A_542, %dma_wait3A_543] : memref<2048x8x8x128xf32, #tpu.memory_space<hbm>> -> memref<2x8x8x128xf32, #tpu.memory_space<hbm>>
          %dma_wait3A_545 = arith.constant 0 : i32
          %dma_wait3A_546 = arith.constant 0 : i32
          %dma_wait3A_547 = arith.constant 0 : i32
          %dma_wait3A_548 = arith.constant 0 : i32
          %dma_wait3A_549 = tpu.memref_slice %arg9[%dma_wait3A_545, %dma_wait3A_546, %dma_wait3A_547, %dma_wait3A_548] : memref<2048x8x8x128xf32, #tpu.memory_space<hbm>> -> memref<2x8x8x128xf32, #tpu.memory_space<hbm>>
          tpu.wait_dma2 semaphore(%arg36 : memref<!tpu.dma_semaphore, #tpu.memory_space<semaphore_mem>>) src(%dma_wait3A_549 : memref<2x8x8x128xf32, #tpu.memory_space<hbm>>) dst(%arg29 : memref<2x8x8x128xf32, #tpu.memory_space<vmem>>)
          %dma_wait3A_550 = arith.constant 0 : i32
          %dma_wait3A_551 = arith.constant 0 : i32
          %dma_wait3A_552 = arith.constant 0 : i32
          %dma_wait3A_553 = arith.constant 0 : i32
          %dma_wait3A_554 = tpu.memref_slice %arg10[%dma_wait3A_550, %dma_wait3A_551, %dma_wait3A_552, %dma_wait3A_553] : memref<2048x8x8x128xi32, #tpu.memory_space<hbm>> -> memref<2x8x8x128xi32, #tpu.memory_space<hbm>>
          %dma_wait3A_555 = arith.constant 0 : i32
          %dma_wait3A_556 = arith.constant 0 : i32
          %dma_wait3A_557 = arith.constant 0 : i32
          %dma_wait3A_558 = arith.constant 0 : i32
          %dma_wait3A_559 = tpu.memref_slice %arg10[%dma_wait3A_555, %dma_wait3A_556, %dma_wait3A_557, %dma_wait3A_558] : memref<2048x8x8x128xi32, #tpu.memory_space<hbm>> -> memref<2x8x8x128xi32, #tpu.memory_space<hbm>>
          tpu.wait_dma2 semaphore(%arg36 : memref<!tpu.dma_semaphore, #tpu.memory_space<semaphore_mem>>) src(%dma_wait3A_559 : memref<2x8x8x128xi32, #tpu.memory_space<hbm>>) dst(%arg31 : memref<2x8x8x128xi32, #tpu.memory_space<vmem>>)
          %sub3A_560 = arith.constant 1 : i32
          %sub3A_561 = arith.subi %add3A_388, %sub3A_560 : i32
          %mul3A_562 = arith.constant 2 : i32
          %mul3A_563 = arith.muli %sub3A_561, %mul3A_562 : i32
          %add3A_564 = arith.constant 0 : i32
          %add3A_565 = arith.addi %mul3A_563, %add3A_564 : i32
          %scan3A_566 = arith.constant 0 : i32
          %scan3A_567 = arith.constant 16 : i32
          %scan3A_568 = arith.addi %scan3A_566, %scan3A_567 : i32
          %scan3A_569 = arith.constant 1 : i32
          scf.for %scan3A_571 = %scan3A_566 to %scan3A_568 step %scan3A_569  : i32 {
            %mul3A_572 = arith.constant 1 : i32
            %mul3A_573 = arith.muli %scan3A_571, %mul3A_572 : i32
            %add3A_574 = arith.constant 0 : i32
            %add3A_575 = arith.addi %add3A_574, %mul3A_573 : i32
            %mul3A_576 = arith.constant 16 : i32
            %mul3A_577 = arith.muli %add3A_565, %mul3A_576 : i32
            %add3A_578 = arith.addi %mul3A_577, %add3A_575 : i32
            %jit3A_579 = arith.constant 8 : i32
            %div3A_580 = arith.divsi %add3A_575, %jit3A_579 : i32
            %sign3A_581 = arith.constant 0 : i32
            %sign3A_582 = arith.cmpi sgt, %add3A_575, %sign3A_581 : i32
            %sign3A_583 = arith.extui %sign3A_582 : i1 to i32
            %sign3A_584 = arith.constant 0 : i32
            %sign3A_585 = arith.cmpi slt, %add3A_575, %sign3A_584 : i32
            %sign3A_586 = arith.extui %sign3A_585 : i1 to i32
            %sign3A_587 = arith.subi %sign3A_583, %sign3A_586 : i32
            %sign3A_588 = arith.constant 0 : i32
            %sign3A_589 = arith.cmpi sgt, %jit3A_579, %sign3A_588 : i32
            %sign3A_590 = arith.extui %sign3A_589 : i1 to i32
            %sign3A_591 = arith.constant 0 : i32
            %sign3A_592 = arith.cmpi slt, %jit3A_579, %sign3A_591 : i32
            %sign3A_593 = arith.extui %sign3A_592 : i1 to i32
            %sign3A_594 = arith.subi %sign3A_590, %sign3A_593 : i32
            %ne3A_595 = arith.cmpi ne, %sign3A_587, %sign3A_594 : i32
            %rem3A_596 = arith.remsi %add3A_575, %jit3A_579 : i32
            %ne3A_597 = arith.constant 0 : i32
            %ne3A_598 = arith.cmpi ne, %rem3A_596, %ne3A_597 : i32
            %and3A_599 = arith.andi %ne3A_595, %ne3A_598 : i1
            %sub3A_600 = arith.constant 1 : i32
            %sub3A_601 = arith.subi %div3A_580, %sub3A_600 : i32
            %select_n3A_602 = arith.select %and3A_599, %sub3A_601, %div3A_580 : i32
            %broadcast_in_dim3A_603 = vector.broadcast %select_n3A_602 : i32 to vector<16xi32>
            %jit3A_604 = arith.constant 8 : i32
            %eq3A = arith.constant 0 : i32
            %eq3A_605 = arith.cmpi eq, %jit3A_604, %eq3A : i32
            %jit3A_606 = arith.constant 1 : i32
            %select_n3A_607 = arith.select %eq3A_605, %jit3A_606, %jit3A_604 : i32
            %rem3A_608 = arith.remsi %add3A_575, %select_n3A_607 : i32
            %ne3A_609 = arith.constant 0 : i32
            %ne3A_610 = arith.cmpi ne, %rem3A_608, %ne3A_609 : i32
            %lt3A = arith.constant 0 : i32
            %lt3A_611 = arith.cmpi slt, %rem3A_608, %lt3A : i32
            %lt3A_612 = arith.constant 0 : i32
            %lt3A_613 = arith.cmpi slt, %select_n3A_607, %lt3A_612 : i32
            %ne3A_614 = arith.xori %lt3A_611, %lt3A_613 : i1
            %and3A_615 = arith.andi %ne3A_614, %ne3A_610 : i1
            %add3A_616 = arith.addi %rem3A_608, %select_n3A_607 : i32
            %select_n3A_617 = arith.select %and3A_615, %add3A_616, %rem3A_608 : i32
            %broadcast_in_dim3A_618 = vector.broadcast %select_n3A_617 : i32 to vector<16xi32>
            %get3A_619 = arith.index_cast %add3A_578 : i32 to index
            %get3A_620 = arith.constant 0 : index
            %get3A_621 = tpu.vector_load %arg15[%get3A_619, %get3A_620] {strides = array<i32>} : memref<128x16xi32, #tpu.memory_space<vmem>>, vector<16xi32>,
            %lt3A_622 = arith.constant 1024 : i32
            %lt3A_623 = vector.broadcast %lt3A_622 : i32 to vector<16xi32>
            %lt3A_624 = arith.cmpi slt, %get3A_621, %lt3A_623 : vector<16xi32>
            %min3A = arith.constant 1023 : i32
            %min3A_625 = vector.broadcast %min3A : i32 to vector<16xi32>
            %min3A_626 = arith.minsi %get3A_621, %min3A_625 : vector<16xi32>
            %shift_right_arithmetic3A = arith.constant 7 : i32
            %shift_right_arithmetic3A_627 = vector.broadcast %shift_right_arithmetic3A : i32 to vector<16xi32>
            %shift_right_arithmetic3A_628 = arith.shrsi %min3A_626, %shift_right_arithmetic3A_627 : vector<16xi32>
            %and3A_629 = arith.constant 127 : i32
            %and3A_630 = vector.broadcast %and3A_629 : i32 to vector<16xi32>
            %and3A_631 = arith.andi %min3A_626, %and3A_630 : vector<16xi32>
            tpu.vector_store_idx %arg31[%broadcast_in_dim3A_603, %shift_right_arithmetic3A_628, %broadcast_in_dim3A_618, %and3A_631], %broadcast_in_dim3A_5 masked %lt3A_624 : memref<2x8x8x128xi32, #tpu.memory_space<vmem>>[vector<16xi32>, vector<16xi32>, vector<16xi32>, vector<16xi32>], vector<16xi32>, vector<16xi1>
            %get3A_632 = arith.index_cast %add3A_578 : i32 to index
            %get3A_633 = arith.constant 0 : index
            %get3A_634 = tpu.vector_load %arg16[%get3A_632, %get3A_633] {strides = array<i32>} : memref<128x16xi32, #tpu.memory_space<vmem>>, vector<16xi32>,
            %lt3A_635 = arith.constant 1024 : i32
            %lt3A_636 = vector.broadcast %lt3A_635 : i32 to vector<16xi32>
            %lt3A_637 = arith.cmpi slt, %get3A_634, %lt3A_636 : vector<16xi32>
            %min3A_638 = arith.constant 1023 : i32
            %min3A_639 = vector.broadcast %min3A_638 : i32 to vector<16xi32>
            %min3A_640 = arith.minsi %get3A_634, %min3A_639 : vector<16xi32>
            %shift_right_arithmetic3A_641 = arith.constant 7 : i32
            %shift_right_arithmetic3A_642 = vector.broadcast %shift_right_arithmetic3A_641 : i32 to vector<16xi32>
            %shift_right_arithmetic3A_643 = arith.shrsi %min3A_640, %shift_right_arithmetic3A_642 : vector<16xi32>
            %and3A_644 = arith.constant 127 : i32
            %and3A_645 = vector.broadcast %and3A_644 : i32 to vector<16xi32>
            %and3A_646 = arith.andi %min3A_640, %and3A_645 : vector<16xi32>
            tpu.vector_store_idx %arg31[%broadcast_in_dim3A_603, %shift_right_arithmetic3A_643, %broadcast_in_dim3A_618, %and3A_646], %broadcast_in_dim3A_5 masked %lt3A_637 : memref<2x8x8x128xi32, #tpu.memory_space<vmem>>[vector<16xi32>, vector<16xi32>, vector<16xi32>, vector<16xi32>], vector<16xi32>, vector<16xi1>
            %get3A_647 = arith.index_cast %add3A_578 : i32 to index
            %get3A_648 = arith.constant 0 : index
            %get3A_649 = tpu.vector_load %arg17[%get3A_647, %get3A_648] {strides = array<i32>} : memref<128x16xi32, #tpu.memory_space<vmem>>, vector<16xi32>,
            %lt3A_650 = arith.constant 1024 : i32
            %lt3A_651 = vector.broadcast %lt3A_650 : i32 to vector<16xi32>
            %lt3A_652 = arith.cmpi slt, %get3A_649, %lt3A_651 : vector<16xi32>
            %min3A_653 = arith.constant 1023 : i32
            %min3A_654 = vector.broadcast %min3A_653 : i32 to vector<16xi32>
            %min3A_655 = arith.minsi %get3A_649, %min3A_654 : vector<16xi32>
            %shift_right_arithmetic3A_656 = arith.constant 7 : i32
            %shift_right_arithmetic3A_657 = vector.broadcast %shift_right_arithmetic3A_656 : i32 to vector<16xi32>
            %shift_right_arithmetic3A_658 = arith.shrsi %min3A_655, %shift_right_arithmetic3A_657 : vector<16xi32>
            %and3A_659 = arith.constant 127 : i32
            %and3A_660 = vector.broadcast %and3A_659 : i32 to vector<16xi32>
            %and3A_661 = arith.andi %min3A_655, %and3A_660 : vector<16xi32>
            tpu.vector_store_idx %arg31[%broadcast_in_dim3A_603, %shift_right_arithmetic3A_658, %broadcast_in_dim3A_618, %and3A_661], %broadcast_in_dim3A_5 masked %lt3A_652 : memref<2x8x8x128xi32, #tpu.memory_space<vmem>>[vector<16xi32>, vector<16xi32>, vector<16xi32>, vector<16xi32>], vector<16xi32>, vector<16xi1>
            %get3A_662 = arith.index_cast %add3A_578 : i32 to index
            %get3A_663 = arith.constant 0 : index
            %get3A_664 = tpu.vector_load %arg18[%get3A_662, %get3A_663] {strides = array<i32>} : memref<128x16xi32, #tpu.memory_space<vmem>>, vector<16xi32>,
            %lt3A_665 = arith.constant 1024 : i32
            %lt3A_666 = vector.broadcast %lt3A_665 : i32 to vector<16xi32>
            %lt3A_667 = arith.cmpi slt, %get3A_664, %lt3A_666 : vector<16xi32>
            %min3A_668 = arith.constant 1023 : i32
            %min3A_669 = vector.broadcast %min3A_668 : i32 to vector<16xi32>
            %min3A_670 = arith.minsi %get3A_664, %min3A_669 : vector<16xi32>
            %shift_right_arithmetic3A_671 = arith.constant 7 : i32
            %shift_right_arithmetic3A_672 = vector.broadcast %shift_right_arithmetic3A_671 : i32 to vector<16xi32>
            %shift_right_arithmetic3A_673 = arith.shrsi %min3A_670, %shift_right_arithmetic3A_672 : vector<16xi32>
            %and3A_674 = arith.constant 127 : i32
            %and3A_675 = vector.broadcast %and3A_674 : i32 to vector<16xi32>
            %and3A_676 = arith.andi %min3A_670, %and3A_675 : vector<16xi32>
            tpu.vector_store_idx %arg31[%broadcast_in_dim3A_603, %shift_right_arithmetic3A_673, %broadcast_in_dim3A_618, %and3A_676], %broadcast_in_dim3A_5 masked %lt3A_667 : memref<2x8x8x128xi32, #tpu.memory_space<vmem>>[vector<16xi32>, vector<16xi32>, vector<16xi32>, vector<16xi32>], vector<16xi32>, vector<16xi1>
          }
          %scan3A_570 = arith.constant 16 : i32
        } else {
        }
        %scan3A_395 = arith.constant 0 : i32
        %scan3A_396 = arith.constant 16 : i32
        %scan3A_397 = arith.addi %scan3A_395, %scan3A_396 : i32
        %scan3A_398 = arith.constant 1 : i32
        scf.for %scan3A_540 = %scan3A_395 to %scan3A_397 step %scan3A_398  : i32 {
          %mul3A_541 = arith.constant 1 : i32
          %mul3A_542 = arith.muli %scan3A_540, %mul3A_541 : i32
          %add3A_543 = arith.constant 0 : i32
          %add3A_544 = arith.addi %add3A_543, %mul3A_542 : i32
          %mul3A_545 = arith.constant 16 : i32
          %mul3A_546 = arith.muli %add3A_392, %mul3A_545 : i32
          %add3A_547 = arith.addi %mul3A_546, %add3A_544 : i32
          %jit3A_548 = arith.constant 8 : i32
          %div3A_549 = arith.divsi %add3A_544, %jit3A_548 : i32
          %sign3A_550 = arith.constant 0 : i32
          %sign3A_551 = arith.cmpi sgt, %add3A_544, %sign3A_550 : i32
          %sign3A_552 = arith.extui %sign3A_551 : i1 to i32
          %sign3A_553 = arith.constant 0 : i32
          %sign3A_554 = arith.cmpi slt, %add3A_544, %sign3A_553 : i32
          %sign3A_555 = arith.extui %sign3A_554 : i1 to i32
          %sign3A_556 = arith.subi %sign3A_552, %sign3A_555 : i32
          %sign3A_557 = arith.constant 0 : i32
          %sign3A_558 = arith.cmpi sgt, %jit3A_548, %sign3A_557 : i32
          %sign3A_559 = arith.extui %sign3A_558 : i1 to i32
          %sign3A_560 = arith.constant 0 : i32
          %sign3A_561 = arith.cmpi slt, %jit3A_548, %sign3A_560 : i32
          %sign3A_562 = arith.extui %sign3A_561 : i1 to i32
          %sign3A_563 = arith.subi %sign3A_559, %sign3A_562 : i32
          %ne3A_564 = arith.cmpi ne, %sign3A_556, %sign3A_563 : i32
          %rem3A_565 = arith.remsi %add3A_544, %jit3A_548 : i32
          %ne3A_566 = arith.constant 0 : i32
          %ne3A_567 = arith.cmpi ne, %rem3A_565, %ne3A_566 : i32
          %and3A_568 = arith.andi %ne3A_564, %ne3A_567 : i1
          %sub3A_569 = arith.constant 1 : i32
          %sub3A_570 = arith.subi %div3A_549, %sub3A_569 : i32
          %select_n3A_571 = arith.select %and3A_568, %sub3A_570, %div3A_549 : i32
          %jit3A_572 = arith.constant 8 : i32
          %eq3A = arith.constant 0 : i32
          %eq3A_573 = arith.cmpi eq, %jit3A_572, %eq3A : i32
          %jit3A_574 = arith.constant 1 : i32
          %select_n3A_575 = arith.select %eq3A_573, %jit3A_574, %jit3A_572 : i32
          %rem3A_576 = arith.remsi %add3A_544, %select_n3A_575 : i32
          %ne3A_577 = arith.constant 0 : i32
          %ne3A_578 = arith.cmpi ne, %rem3A_576, %ne3A_577 : i32
          %lt3A = arith.constant 0 : i32
          %lt3A_579 = arith.cmpi slt, %rem3A_576, %lt3A : i32
          %lt3A_580 = arith.constant 0 : i32
          %lt3A_581 = arith.cmpi slt, %select_n3A_575, %lt3A_580 : i32
          %ne3A_582 = arith.xori %lt3A_579, %lt3A_581 : i1
          %and3A_583 = arith.andi %ne3A_582, %ne3A_578 : i1
          %add3A_584 = arith.addi %rem3A_576, %select_n3A_575 : i32
          %select_n3A_585 = arith.select %and3A_583, %add3A_584, %rem3A_576 : i32
          %broadcast_in_dim3A_586 = vector.broadcast %select_n3A_571 : i32 to vector<16xi32>
          %broadcast_in_dim3A_587 = vector.broadcast %select_n3A_585 : i32 to vector<16xi32>
          %add3A_588 = arith.constant 384 : i32
          %add3A_589 = arith.addi %add3A_588, %add3A_547 : i32
          %broadcast_in_dim3A_590 = vector.broadcast %add3A_589 : i32 to vector<16xi32>
          %gather3A = tpu.vector_load_idx %arg27[%broadcast_in_dim3A_590] : memref<512xf32, #tpu.memory_space<vmem>>[vector<16xi32>], vector<16xf32>,
          %add3A_591 = arith.addf %gather3A, %get3A_328 : vector<16xf32>
          %swap3A_592 = arith.constant 0 : i32
          %swap3A_593 = arith.index_cast %select_n3A_571 : i32 to index
          %swap3A_594 = arith.index_cast %swap3A_592 : i32 to index
          %swap3A_595 = arith.index_cast %select_n3A_585 : i32 to index
          %swap3A_596 = arith.constant 0 : index
          %swap3A_597 = tpu.vector_load %arg29[%swap3A_593, %swap3A_594, %swap3A_595, %swap3A_596] {strides = array<i32>} : memref<2x8x8x128xf32, #tpu.memory_space<vmem>>, vector<16xf32>,
          tpu.vector_store %arg29[%swap3A_593, %swap3A_594, %swap3A_595, %swap3A_596], %add3A_591 {strides = array<i32>} : memref<2x8x8x128xf32, #tpu.memory_space<vmem>>, vector<16xf32>,
          %swap3A_598 = arith.constant 0 : i32
          %swap3A_599 = arith.index_cast %select_n3A_571 : i32 to index
          %swap3A_600 = arith.index_cast %swap3A_598 : i32 to index
          %swap3A_601 = arith.index_cast %select_n3A_585 : i32 to index
          %swap3A_602 = arith.constant 16 : index
          %swap3A_603 = tpu.vector_load %arg29[%swap3A_599, %swap3A_600, %swap3A_601, %swap3A_602] {strides = array<i32>} : memref<2x8x8x128xf32, #tpu.memory_space<vmem>>, vector<16xf32>,
          tpu.vector_store %arg29[%swap3A_599, %swap3A_600, %swap3A_601, %swap3A_602], %add3A_591 {strides = array<i32>} : memref<2x8x8x128xf32, #tpu.memory_space<vmem>>, vector<16xf32>,
          %swap3A_604 = arith.constant 0 : i32
          %swap3A_605 = arith.index_cast %select_n3A_571 : i32 to index
          %swap3A_606 = arith.index_cast %swap3A_604 : i32 to index
          %swap3A_607 = arith.index_cast %select_n3A_585 : i32 to index
          %swap3A_608 = arith.constant 32 : index
          %swap3A_609 = tpu.vector_load %arg29[%swap3A_605, %swap3A_606, %swap3A_607, %swap3A_608] {strides = array<i32>} : memref<2x8x8x128xf32, #tpu.memory_space<vmem>>, vector<16xf32>,
          tpu.vector_store %arg29[%swap3A_605, %swap3A_606, %swap3A_607, %swap3A_608], %add3A_591 {strides = array<i32>} : memref<2x8x8x128xf32, #tpu.memory_space<vmem>>, vector<16xf32>,
          %swap3A_610 = arith.constant 0 : i32
          %swap3A_611 = arith.index_cast %select_n3A_571 : i32 to index
          %swap3A_612 = arith.index_cast %swap3A_610 : i32 to index
          %swap3A_613 = arith.index_cast %select_n3A_585 : i32 to index
          %swap3A_614 = arith.constant 48 : index
          %swap3A_615 = tpu.vector_load %arg29[%swap3A_611, %swap3A_612, %swap3A_613, %swap3A_614] {strides = array<i32>} : memref<2x8x8x128xf32, #tpu.memory_space<vmem>>, vector<16xf32>,
          tpu.vector_store %arg29[%swap3A_611, %swap3A_612, %swap3A_613, %swap3A_614], %add3A_591 {strides = array<i32>} : memref<2x8x8x128xf32, #tpu.memory_space<vmem>>, vector<16xf32>,
          %swap3A_616 = arith.constant 0 : i32
          %swap3A_617 = arith.index_cast %select_n3A_571 : i32 to index
          %swap3A_618 = arith.index_cast %swap3A_616 : i32 to index
          %swap3A_619 = arith.index_cast %select_n3A_585 : i32 to index
          %swap3A_620 = arith.constant 64 : index
          %swap3A_621 = tpu.vector_load %arg29[%swap3A_617, %swap3A_618, %swap3A_619, %swap3A_620] {strides = array<i32>} : memref<2x8x8x128xf32, #tpu.memory_space<vmem>>, vector<16xf32>,
          tpu.vector_store %arg29[%swap3A_617, %swap3A_618, %swap3A_619, %swap3A_620], %add3A_591 {strides = array<i32>} : memref<2x8x8x128xf32, #tpu.memory_space<vmem>>, vector<16xf32>,
          %swap3A_622 = arith.constant 0 : i32
          %swap3A_623 = arith.index_cast %select_n3A_571 : i32 to index
          %swap3A_624 = arith.index_cast %swap3A_622 : i32 to index
          %swap3A_625 = arith.index_cast %select_n3A_585 : i32 to index
          %swap3A_626 = arith.constant 80 : index
          %swap3A_627 = tpu.vector_load %arg29[%swap3A_623, %swap3A_624, %swap3A_625, %swap3A_626] {strides = array<i32>} : memref<2x8x8x128xf32, #tpu.memory_space<vmem>>, vector<16xf32>,
          tpu.vector_store %arg29[%swap3A_623, %swap3A_624, %swap3A_625, %swap3A_626], %add3A_591 {strides = array<i32>} : memref<2x8x8x128xf32, #tpu.memory_space<vmem>>, vector<16xf32>,
          %swap3A_628 = arith.constant 0 : i32
          %swap3A_629 = arith.index_cast %select_n3A_571 : i32 to index
          %swap3A_630 = arith.index_cast %swap3A_628 : i32 to index
          %swap3A_631 = arith.index_cast %select_n3A_585 : i32 to index
          %swap3A_632 = arith.constant 96 : index
          %swap3A_633 = tpu.vector_load %arg29[%swap3A_629, %swap3A_630, %swap3A_631, %swap3A_632] {strides = array<i32>} : memref<2x8x8x128xf32, #tpu.memory_space<vmem>>, vector<16xf32>,
          tpu.vector_store %arg29[%swap3A_629, %swap3A_630, %swap3A_631, %swap3A_632], %add3A_591 {strides = array<i32>} : memref<2x8x8x128xf32, #tpu.memory_space<vmem>>, vector<16xf32>,
          %swap3A_634 = arith.constant 0 : i32
          %swap3A_635 = arith.index_cast %select_n3A_571 : i32 to index
          %swap3A_636 = arith.index_cast %swap3A_634 : i32 to index
          %swap3A_637 = arith.index_cast %select_n3A_585 : i32 to index
          %swap3A_638 = arith.constant 112 : index
          %swap3A_639 = tpu.vector_load %arg29[%swap3A_635, %swap3A_636, %swap3A_637, %swap3A_638] {strides = array<i32>} : memref<2x8x8x128xf32, #tpu.memory_space<vmem>>, vector<16xf32>,
          tpu.vector_store %arg29[%swap3A_635, %swap3A_636, %swap3A_637, %swap3A_638], %add3A_591 {strides = array<i32>} : memref<2x8x8x128xf32, #tpu.memory_space<vmem>>, vector<16xf32>,
          %swap3A_640 = arith.constant 1 : i32
          %swap3A_641 = arith.index_cast %select_n3A_571 : i32 to index
          %swap3A_642 = arith.index_cast %swap3A_640 : i32 to index
          %swap3A_643 = arith.index_cast %select_n3A_585 : i32 to index
          %swap3A_644 = arith.constant 0 : index
          %swap3A_645 = tpu.vector_load %arg29[%swap3A_641, %swap3A_642, %swap3A_643, %swap3A_644] {strides = array<i32>} : memref<2x8x8x128xf32, #tpu.memory_space<vmem>>, vector<16xf32>,
          tpu.vector_store %arg29[%swap3A_641, %swap3A_642, %swap3A_643, %swap3A_644], %add3A_591 {strides = array<i32>} : memref<2x8x8x128xf32, #tpu.memory_space<vmem>>, vector<16xf32>,
          %swap3A_646 = arith.constant 1 : i32
          %swap3A_647 = arith.index_cast %select_n3A_571 : i32 to index
          %swap3A_648 = arith.index_cast %swap3A_646 : i32 to index
          %swap3A_649 = arith.index_cast %select_n3A_585 : i32 to index
          %swap3A_650 = arith.constant 16 : index
          %swap3A_651 = tpu.vector_load %arg29[%swap3A_647, %swap3A_648, %swap3A_649, %swap3A_650] {strides = array<i32>} : memref<2x8x8x128xf32, #tpu.memory_space<vmem>>, vector<16xf32>,
          tpu.vector_store %arg29[%swap3A_647, %swap3A_648, %swap3A_649, %swap3A_650], %add3A_591 {strides = array<i32>} : memref<2x8x8x128xf32, #tpu.memory_space<vmem>>, vector<16xf32>,
          %swap3A_652 = arith.constant 1 : i32
          %swap3A_653 = arith.index_cast %select_n3A_571 : i32 to index
          %swap3A_654 = arith.index_cast %swap3A_652 : i32 to index
          %swap3A_655 = arith.index_cast %select_n3A_585 : i32 to index
          %swap3A_656 = arith.constant 32 : index
          %swap3A_657 = tpu.vector_load %arg29[%swap3A_653, %swap3A_654, %swap3A_655, %swap3A_656] {strides = array<i32>} : memref<2x8x8x128xf32, #tpu.memory_space<vmem>>, vector<16xf32>,
          tpu.vector_store %arg29[%swap3A_653, %swap3A_654, %swap3A_655, %swap3A_656], %add3A_591 {strides = array<i32>} : memref<2x8x8x128xf32, #tpu.memory_space<vmem>>, vector<16xf32>,
          %swap3A_658 = arith.constant 1 : i32
          %swap3A_659 = arith.index_cast %select_n3A_571 : i32 to index
          %swap3A_660 = arith.index_cast %swap3A_658 : i32 to index
          %swap3A_661 = arith.index_cast %select_n3A_585 : i32 to index
          %swap3A_662 = arith.constant 48 : index
          %swap3A_663 = tpu.vector_load %arg29[%swap3A_659, %swap3A_660, %swap3A_661, %swap3A_662] {strides = array<i32>} : memref<2x8x8x128xf32, #tpu.memory_space<vmem>>, vector<16xf32>,
          tpu.vector_store %arg29[%swap3A_659, %swap3A_660, %swap3A_661, %swap3A_662], %add3A_591 {strides = array<i32>} : memref<2x8x8x128xf32, #tpu.memory_space<vmem>>, vector<16xf32>,
          %swap3A_664 = arith.constant 1 : i32
          %swap3A_665 = arith.index_cast %select_n3A_571 : i32 to index
          %swap3A_666 = arith.index_cast %swap3A_664 : i32 to index
          %swap3A_667 = arith.index_cast %select_n3A_585 : i32 to index
          %swap3A_668 = arith.constant 64 : index
          %swap3A_669 = tpu.vector_load %arg29[%swap3A_665, %swap3A_666, %swap3A_667, %swap3A_668] {strides = array<i32>} : memref<2x8x8x128xf32, #tpu.memory_space<vmem>>, vector<16xf32>,
          tpu.vector_store %arg29[%swap3A_665, %swap3A_666, %swap3A_667, %swap3A_668], %add3A_591 {strides = array<i32>} : memref<2x8x8x128xf32, #tpu.memory_space<vmem>>, vector<16xf32>,
          %swap3A_670 = arith.constant 1 : i32
          %swap3A_671 = arith.index_cast %select_n3A_571 : i32 to index
          %swap3A_672 = arith.index_cast %swap3A_670 : i32 to index
          %swap3A_673 = arith.index_cast %select_n3A_585 : i32 to index
          %swap3A_674 = arith.constant 80 : index
          %swap3A_675 = tpu.vector_load %arg29[%swap3A_671, %swap3A_672, %swap3A_673, %swap3A_674] {strides = array<i32>} : memref<2x8x8x128xf32, #tpu.memory_space<vmem>>, vector<16xf32>,
          tpu.vector_store %arg29[%swap3A_671, %swap3A_672, %swap3A_673, %swap3A_674], %add3A_591 {strides = array<i32>} : memref<2x8x8x128xf32, #tpu.memory_space<vmem>>, vector<16xf32>,
          %swap3A_676 = arith.constant 1 : i32
          %swap3A_677 = arith.index_cast %select_n3A_571 : i32 to index
          %swap3A_678 = arith.index_cast %swap3A_676 : i32 to index
          %swap3A_679 = arith.index_cast %select_n3A_585 : i32 to index
          %swap3A_680 = arith.constant 96 : index
          %swap3A_681 = tpu.vector_load %arg29[%swap3A_677, %swap3A_678, %swap3A_679, %swap3A_680] {strides = array<i32>} : memref<2x8x8x128xf32, #tpu.memory_space<vmem>>, vector<16xf32>,
          tpu.vector_store %arg29[%swap3A_677, %swap3A_678, %swap3A_679, %swap3A_680], %add3A_591 {strides = array<i32>} : memref<2x8x8x128xf32, #tpu.memory_space<vmem>>, vector<16xf32>,
          %swap3A_682 = arith.constant 1 : i32
          %swap3A_683 = arith.index_cast %select_n3A_571 : i32 to index
          %swap3A_684 = arith.index_cast %swap3A_682 : i32 to index
          %swap3A_685 = arith.index_cast %select_n3A_585 : i32 to index
          %swap3A_686 = arith.constant 112 : index
          %swap3A_687 = tpu.vector_load %arg29[%swap3A_683, %swap3A_684, %swap3A_685, %swap3A_686] {strides = array<i32>} : memref<2x8x8x128xf32, #tpu.memory_space<vmem>>, vector<16xf32>,
          tpu.vector_store %arg29[%swap3A_683, %swap3A_684, %swap3A_685, %swap3A_686], %add3A_591 {strides = array<i32>} : memref<2x8x8x128xf32, #tpu.memory_space<vmem>>, vector<16xf32>,
          %swap3A_688 = arith.constant 2 : i32
          %swap3A_689 = arith.index_cast %select_n3A_571 : i32 to index
          %swap3A_690 = arith.index_cast %swap3A_688 : i32 to index
          %swap3A_691 = arith.index_cast %select_n3A_585 : i32 to index
          %swap3A_692 = arith.constant 0 : index
          %swap3A_693 = tpu.vector_load %arg29[%swap3A_689, %swap3A_690, %swap3A_691, %swap3A_692] {strides = array<i32>} : memref<2x8x8x128xf32, #tpu.memory_space<vmem>>, vector<16xf32>,
          tpu.vector_store %arg29[%swap3A_689, %swap3A_690, %swap3A_691, %swap3A_692], %add3A_591 {strides = array<i32>} : memref<2x8x8x128xf32, #tpu.memory_space<vmem>>, vector<16xf32>,
          %swap3A_694 = arith.constant 2 : i32
          %swap3A_695 = arith.index_cast %select_n3A_571 : i32 to index
          %swap3A_696 = arith.index_cast %swap3A_694 : i32 to index
          %swap3A_697 = arith.index_cast %select_n3A_585 : i32 to index
          %swap3A_698 = arith.constant 16 : index
          %swap3A_699 = tpu.vector_load %arg29[%swap3A_695, %swap3A_696, %swap3A_697, %swap3A_698] {strides = array<i32>} : memref<2x8x8x128xf32, #tpu.memory_space<vmem>>, vector<16xf32>,
          tpu.vector_store %arg29[%swap3A_695, %swap3A_696, %swap3A_697, %swap3A_698], %add3A_591 {strides = array<i32>} : memref<2x8x8x128xf32, #tpu.memory_space<vmem>>, vector<16xf32>,
          %swap3A_700 = arith.constant 2 : i32
          %swap3A_701 = arith.index_cast %select_n3A_571 : i32 to index
          %swap3A_702 = arith.index_cast %swap3A_700 : i32 to index
          %swap3A_703 = arith.index_cast %select_n3A_585 : i32 to index
          %swap3A_704 = arith.constant 32 : index
          %swap3A_705 = tpu.vector_load %arg29[%swap3A_701, %swap3A_702, %swap3A_703, %swap3A_704] {strides = array<i32>} : memref<2x8x8x128xf32, #tpu.memory_space<vmem>>, vector<16xf32>,
          tpu.vector_store %arg29[%swap3A_701, %swap3A_702, %swap3A_703, %swap3A_704], %add3A_591 {strides = array<i32>} : memref<2x8x8x128xf32, #tpu.memory_space<vmem>>, vector<16xf32>,
          %swap3A_706 = arith.constant 2 : i32
          %swap3A_707 = arith.index_cast %select_n3A_571 : i32 to index
          %swap3A_708 = arith.index_cast %swap3A_706 : i32 to index
          %swap3A_709 = arith.index_cast %select_n3A_585 : i32 to index
          %swap3A_710 = arith.constant 48 : index
          %swap3A_711 = tpu.vector_load %arg29[%swap3A_707, %swap3A_708, %swap3A_709, %swap3A_710] {strides = array<i32>} : memref<2x8x8x128xf32, #tpu.memory_space<vmem>>, vector<16xf32>,
          tpu.vector_store %arg29[%swap3A_707, %swap3A_708, %swap3A_709, %swap3A_710], %add3A_591 {strides = array<i32>} : memref<2x8x8x128xf32, #tpu.memory_space<vmem>>, vector<16xf32>,
          %swap3A_712 = arith.constant 2 : i32
          %swap3A_713 = arith.index_cast %select_n3A_571 : i32 to index
          %swap3A_714 = arith.index_cast %swap3A_712 : i32 to index
          %swap3A_715 = arith.index_cast %select_n3A_585 : i32 to index
          %swap3A_716 = arith.constant 64 : index
          %swap3A_717 = tpu.vector_load %arg29[%swap3A_713, %swap3A_714, %swap3A_715, %swap3A_716] {strides = array<i32>} : memref<2x8x8x128xf32, #tpu.memory_space<vmem>>, vector<16xf32>,
          tpu.vector_store %arg29[%swap3A_713, %swap3A_714, %swap3A_715, %swap3A_716], %add3A_591 {strides = array<i32>} : memref<2x8x8x128xf32, #tpu.memory_space<vmem>>, vector<16xf32>,
          %swap3A_718 = arith.constant 2 : i32
          %swap3A_719 = arith.index_cast %select_n3A_571 : i32 to index
          %swap3A_720 = arith.index_cast %swap3A_718 : i32 to index
          %swap3A_721 = arith.index_cast %select_n3A_585 : i32 to index
          %swap3A_722 = arith.constant 80 : index
          %swap3A_723 = tpu.vector_load %arg29[%swap3A_719, %swap3A_720, %swap3A_721, %swap3A_722] {strides = array<i32>} : memref<2x8x8x128xf32, #tpu.memory_space<vmem>>, vector<16xf32>,
          tpu.vector_store %arg29[%swap3A_719, %swap3A_720, %swap3A_721, %swap3A_722], %add3A_591 {strides = array<i32>} : memref<2x8x8x128xf32, #tpu.memory_space<vmem>>, vector<16xf32>,
          %swap3A_724 = arith.constant 2 : i32
          %swap3A_725 = arith.index_cast %select_n3A_571 : i32 to index
          %swap3A_726 = arith.index_cast %swap3A_724 : i32 to index
          %swap3A_727 = arith.index_cast %select_n3A_585 : i32 to index
          %swap3A_728 = arith.constant 96 : index
          %swap3A_729 = tpu.vector_load %arg29[%swap3A_725, %swap3A_726, %swap3A_727, %swap3A_728] {strides = array<i32>} : memref<2x8x8x128xf32, #tpu.memory_space<vmem>>, vector<16xf32>,
          tpu.vector_store %arg29[%swap3A_725, %swap3A_726, %swap3A_727, %swap3A_728], %add3A_591 {strides = array<i32>} : memref<2x8x8x128xf32, #tpu.memory_space<vmem>>, vector<16xf32>,
          %swap3A_730 = arith.constant 2 : i32
          %swap3A_731 = arith.index_cast %select_n3A_571 : i32 to index
          %swap3A_732 = arith.index_cast %swap3A_730 : i32 to index
          %swap3A_733 = arith.index_cast %select_n3A_585 : i32 to index
          %swap3A_734 = arith.constant 112 : index
          %swap3A_735 = tpu.vector_load %arg29[%swap3A_731, %swap3A_732, %swap3A_733, %swap3A_734] {strides = array<i32>} : memref<2x8x8x128xf32, #tpu.memory_space<vmem>>, vector<16xf32>,
          tpu.vector_store %arg29[%swap3A_731, %swap3A_732, %swap3A_733, %swap3A_734], %add3A_591 {strides = array<i32>} : memref<2x8x8x128xf32, #tpu.memory_space<vmem>>, vector<16xf32>,
          %swap3A_736 = arith.constant 3 : i32
          %swap3A_737 = arith.index_cast %select_n3A_571 : i32 to index
          %swap3A_738 = arith.index_cast %swap3A_736 : i32 to index
          %swap3A_739 = arith.index_cast %select_n3A_585 : i32 to index
          %swap3A_740 = arith.constant 0 : index
          %swap3A_741 = tpu.vector_load %arg29[%swap3A_737, %swap3A_738, %swap3A_739, %swap3A_740] {strides = array<i32>} : memref<2x8x8x128xf32, #tpu.memory_space<vmem>>, vector<16xf32>,
          tpu.vector_store %arg29[%swap3A_737, %swap3A_738, %swap3A_739, %swap3A_740], %add3A_591 {strides = array<i32>} : memref<2x8x8x128xf32, #tpu.memory_space<vmem>>, vector<16xf32>,
          %swap3A_742 = arith.constant 3 : i32
          %swap3A_743 = arith.index_cast %select_n3A_571 : i32 to index
          %swap3A_744 = arith.index_cast %swap3A_742 : i32 to index
          %swap3A_745 = arith.index_cast %select_n3A_585 : i32 to index
          %swap3A_746 = arith.constant 16 : index
          %swap3A_747 = tpu.vector_load %arg29[%swap3A_743, %swap3A_744, %swap3A_745, %swap3A_746] {strides = array<i32>} : memref<2x8x8x128xf32, #tpu.memory_space<vmem>>, vector<16xf32>,
          tpu.vector_store %arg29[%swap3A_743, %swap3A_744, %swap3A_745, %swap3A_746], %add3A_591 {strides = array<i32>} : memref<2x8x8x128xf32, #tpu.memory_space<vmem>>, vector<16xf32>,
          %swap3A_748 = arith.constant 3 : i32
          %swap3A_749 = arith.index_cast %select_n3A_571 : i32 to index
          %swap3A_750 = arith.index_cast %swap3A_748 : i32 to index
          %swap3A_751 = arith.index_cast %select_n3A_585 : i32 to index
          %swap3A_752 = arith.constant 32 : index
          %swap3A_753 = tpu.vector_load %arg29[%swap3A_749, %swap3A_750, %swap3A_751, %swap3A_752] {strides = array<i32>} : memref<2x8x8x128xf32, #tpu.memory_space<vmem>>, vector<16xf32>,
          tpu.vector_store %arg29[%swap3A_749, %swap3A_750, %swap3A_751, %swap3A_752], %add3A_591 {strides = array<i32>} : memref<2x8x8x128xf32, #tpu.memory_space<vmem>>, vector<16xf32>,
          %swap3A_754 = arith.constant 3 : i32
          %swap3A_755 = arith.index_cast %select_n3A_571 : i32 to index
          %swap3A_756 = arith.index_cast %swap3A_754 : i32 to index
          %swap3A_757 = arith.index_cast %select_n3A_585 : i32 to index
          %swap3A_758 = arith.constant 48 : index
          %swap3A_759 = tpu.vector_load %arg29[%swap3A_755, %swap3A_756, %swap3A_757, %swap3A_758] {strides = array<i32>} : memref<2x8x8x128xf32, #tpu.memory_space<vmem>>, vector<16xf32>,
          tpu.vector_store %arg29[%swap3A_755, %swap3A_756, %swap3A_757, %swap3A_758], %add3A_591 {strides = array<i32>} : memref<2x8x8x128xf32, #tpu.memory_space<vmem>>, vector<16xf32>,
          %swap3A_760 = arith.constant 3 : i32
          %swap3A_761 = arith.index_cast %select_n3A_571 : i32 to index
          %swap3A_762 = arith.index_cast %swap3A_760 : i32 to index
          %swap3A_763 = arith.index_cast %select_n3A_585 : i32 to index
          %swap3A_764 = arith.constant 64 : index
          %swap3A_765 = tpu.vector_load %arg29[%swap3A_761, %swap3A_762, %swap3A_763, %swap3A_764] {strides = array<i32>} : memref<2x8x8x128xf32, #tpu.memory_space<vmem>>, vector<16xf32>,
          tpu.vector_store %arg29[%swap3A_761, %swap3A_762, %swap3A_763, %swap3A_764], %add3A_591 {strides = array<i32>} : memref<2x8x8x128xf32, #tpu.memory_space<vmem>>, vector<16xf32>,
          %swap3A_766 = arith.constant 3 : i32
          %swap3A_767 = arith.index_cast %select_n3A_571 : i32 to index
          %swap3A_768 = arith.index_cast %swap3A_766 : i32 to index
          %swap3A_769 = arith.index_cast %select_n3A_585 : i32 to index
          %swap3A_770 = arith.constant 80 : index
          %swap3A_771 = tpu.vector_load %arg29[%swap3A_767, %swap3A_768, %swap3A_769, %swap3A_770] {strides = array<i32>} : memref<2x8x8x128xf32, #tpu.memory_space<vmem>>, vector<16xf32>,
          tpu.vector_store %arg29[%swap3A_767, %swap3A_768, %swap3A_769, %swap3A_770], %add3A_591 {strides = array<i32>} : memref<2x8x8x128xf32, #tpu.memory_space<vmem>>, vector<16xf32>,
          %swap3A_772 = arith.constant 3 : i32
          %swap3A_773 = arith.index_cast %select_n3A_571 : i32 to index
          %swap3A_774 = arith.index_cast %swap3A_772 : i32 to index
          %swap3A_775 = arith.index_cast %select_n3A_585 : i32 to index
          %swap3A_776 = arith.constant 96 : index
          %swap3A_777 = tpu.vector_load %arg29[%swap3A_773, %swap3A_774, %swap3A_775, %swap3A_776] {strides = array<i32>} : memref<2x8x8x128xf32, #tpu.memory_space<vmem>>, vector<16xf32>,
          tpu.vector_store %arg29[%swap3A_773, %swap3A_774, %swap3A_775, %swap3A_776], %add3A_591 {strides = array<i32>} : memref<2x8x8x128xf32, #tpu.memory_space<vmem>>, vector<16xf32>,
          %swap3A_778 = arith.constant 3 : i32
          %swap3A_779 = arith.index_cast %select_n3A_571 : i32 to index
          %swap3A_780 = arith.index_cast %swap3A_778 : i32 to index
          %swap3A_781 = arith.index_cast %select_n3A_585 : i32 to index
          %swap3A_782 = arith.constant 112 : index
          %swap3A_783 = tpu.vector_load %arg29[%swap3A_779, %swap3A_780, %swap3A_781, %swap3A_782] {strides = array<i32>} : memref<2x8x8x128xf32, #tpu.memory_space<vmem>>, vector<16xf32>,
          tpu.vector_store %arg29[%swap3A_779, %swap3A_780, %swap3A_781, %swap3A_782], %add3A_591 {strides = array<i32>} : memref<2x8x8x128xf32, #tpu.memory_space<vmem>>, vector<16xf32>,
          %swap3A_784 = arith.constant 4 : i32
          %swap3A_785 = arith.index_cast %select_n3A_571 : i32 to index
          %swap3A_786 = arith.index_cast %swap3A_784 : i32 to index
          %swap3A_787 = arith.index_cast %select_n3A_585 : i32 to index
          %swap3A_788 = arith.constant 0 : index
          %swap3A_789 = tpu.vector_load %arg29[%swap3A_785, %swap3A_786, %swap3A_787, %swap3A_788] {strides = array<i32>} : memref<2x8x8x128xf32, #tpu.memory_space<vmem>>, vector<16xf32>,
          tpu.vector_store %arg29[%swap3A_785, %swap3A_786, %swap3A_787, %swap3A_788], %add3A_591 {strides = array<i32>} : memref<2x8x8x128xf32, #tpu.memory_space<vmem>>, vector<16xf32>,
          %swap3A_790 = arith.constant 4 : i32
          %swap3A_791 = arith.index_cast %select_n3A_571 : i32 to index
          %swap3A_792 = arith.index_cast %swap3A_790 : i32 to index
          %swap3A_793 = arith.index_cast %select_n3A_585 : i32 to index
          %swap3A_794 = arith.constant 16 : index
          %swap3A_795 = tpu.vector_load %arg29[%swap3A_791, %swap3A_792, %swap3A_793, %swap3A_794] {strides = array<i32>} : memref<2x8x8x128xf32, #tpu.memory_space<vmem>>, vector<16xf32>,
          tpu.vector_store %arg29[%swap3A_791, %swap3A_792, %swap3A_793, %swap3A_794], %add3A_591 {strides = array<i32>} : memref<2x8x8x128xf32, #tpu.memory_space<vmem>>, vector<16xf32>,
          %swap3A_796 = arith.constant 4 : i32
          %swap3A_797 = arith.index_cast %select_n3A_571 : i32 to index
          %swap3A_798 = arith.index_cast %swap3A_796 : i32 to index
          %swap3A_799 = arith.index_cast %select_n3A_585 : i32 to index
          %swap3A_800 = arith.constant 32 : index
          %swap3A_801 = tpu.vector_load %arg29[%swap3A_797, %swap3A_798, %swap3A_799, %swap3A_800] {strides = array<i32>} : memref<2x8x8x128xf32, #tpu.memory_space<vmem>>, vector<16xf32>,
          tpu.vector_store %arg29[%swap3A_797, %swap3A_798, %swap3A_799, %swap3A_800], %add3A_591 {strides = array<i32>} : memref<2x8x8x128xf32, #tpu.memory_space<vmem>>, vector<16xf32>,
          %swap3A_802 = arith.constant 4 : i32
          %swap3A_803 = arith.index_cast %select_n3A_571 : i32 to index
          %swap3A_804 = arith.index_cast %swap3A_802 : i32 to index
          %swap3A_805 = arith.index_cast %select_n3A_585 : i32 to index
          %swap3A_806 = arith.constant 48 : index
          %swap3A_807 = tpu.vector_load %arg29[%swap3A_803, %swap3A_804, %swap3A_805, %swap3A_806] {strides = array<i32>} : memref<2x8x8x128xf32, #tpu.memory_space<vmem>>, vector<16xf32>,
          tpu.vector_store %arg29[%swap3A_803, %swap3A_804, %swap3A_805, %swap3A_806], %add3A_591 {strides = array<i32>} : memref<2x8x8x128xf32, #tpu.memory_space<vmem>>, vector<16xf32>,
          %swap3A_808 = arith.constant 4 : i32
          %swap3A_809 = arith.index_cast %select_n3A_571 : i32 to index
          %swap3A_810 = arith.index_cast %swap3A_808 : i32 to index
          %swap3A_811 = arith.index_cast %select_n3A_585 : i32 to index
          %swap3A_812 = arith.constant 64 : index
          %swap3A_813 = tpu.vector_load %arg29[%swap3A_809, %swap3A_810, %swap3A_811, %swap3A_812] {strides = array<i32>} : memref<2x8x8x128xf32, #tpu.memory_space<vmem>>, vector<16xf32>,
          tpu.vector_store %arg29[%swap3A_809, %swap3A_810, %swap3A_811, %swap3A_812], %add3A_591 {strides = array<i32>} : memref<2x8x8x128xf32, #tpu.memory_space<vmem>>, vector<16xf32>,
          %swap3A_814 = arith.constant 4 : i32
          %swap3A_815 = arith.index_cast %select_n3A_571 : i32 to index
          %swap3A_816 = arith.index_cast %swap3A_814 : i32 to index
          %swap3A_817 = arith.index_cast %select_n3A_585 : i32 to index
          %swap3A_818 = arith.constant 80 : index
          %swap3A_819 = tpu.vector_load %arg29[%swap3A_815, %swap3A_816, %swap3A_817, %swap3A_818] {strides = array<i32>} : memref<2x8x8x128xf32, #tpu.memory_space<vmem>>, vector<16xf32>,
          tpu.vector_store %arg29[%swap3A_815, %swap3A_816, %swap3A_817, %swap3A_818], %add3A_591 {strides = array<i32>} : memref<2x8x8x128xf32, #tpu.memory_space<vmem>>, vector<16xf32>,
          %swap3A_820 = arith.constant 4 : i32
          %swap3A_821 = arith.index_cast %select_n3A_571 : i32 to index
          %swap3A_822 = arith.index_cast %swap3A_820 : i32 to index
          %swap3A_823 = arith.index_cast %select_n3A_585 : i32 to index
          %swap3A_824 = arith.constant 96 : index
          %swap3A_825 = tpu.vector_load %arg29[%swap3A_821, %swap3A_822, %swap3A_823, %swap3A_824] {strides = array<i32>} : memref<2x8x8x128xf32, #tpu.memory_space<vmem>>, vector<16xf32>,
          tpu.vector_store %arg29[%swap3A_821, %swap3A_822, %swap3A_823, %swap3A_824], %add3A_591 {strides = array<i32>} : memref<2x8x8x128xf32, #tpu.memory_space<vmem>>, vector<16xf32>,
          %swap3A_826 = arith.constant 4 : i32
          %swap3A_827 = arith.index_cast %select_n3A_571 : i32 to index
          %swap3A_828 = arith.index_cast %swap3A_826 : i32 to index
          %swap3A_829 = arith.index_cast %select_n3A_585 : i32 to index
          %swap3A_830 = arith.constant 112 : index
          %swap3A_831 = tpu.vector_load %arg29[%swap3A_827, %swap3A_828, %swap3A_829, %swap3A_830] {strides = array<i32>} : memref<2x8x8x128xf32, #tpu.memory_space<vmem>>, vector<16xf32>,
          tpu.vector_store %arg29[%swap3A_827, %swap3A_828, %swap3A_829, %swap3A_830], %add3A_591 {strides = array<i32>} : memref<2x8x8x128xf32, #tpu.memory_space<vmem>>, vector<16xf32>,
          %swap3A_832 = arith.constant 5 : i32
          %swap3A_833 = arith.index_cast %select_n3A_571 : i32 to index
          %swap3A_834 = arith.index_cast %swap3A_832 : i32 to index
          %swap3A_835 = arith.index_cast %select_n3A_585 : i32 to index
          %swap3A_836 = arith.constant 0 : index
          %swap3A_837 = tpu.vector_load %arg29[%swap3A_833, %swap3A_834, %swap3A_835, %swap3A_836] {strides = array<i32>} : memref<2x8x8x128xf32, #tpu.memory_space<vmem>>, vector<16xf32>,
          tpu.vector_store %arg29[%swap3A_833, %swap3A_834, %swap3A_835, %swap3A_836], %add3A_591 {strides = array<i32>} : memref<2x8x8x128xf32, #tpu.memory_space<vmem>>, vector<16xf32>,
          %swap3A_838 = arith.constant 5 : i32
          %swap3A_839 = arith.index_cast %select_n3A_571 : i32 to index
          %swap3A_840 = arith.index_cast %swap3A_838 : i32 to index
          %swap3A_841 = arith.index_cast %select_n3A_585 : i32 to index
          %swap3A_842 = arith.constant 16 : index
          %swap3A_843 = tpu.vector_load %arg29[%swap3A_839, %swap3A_840, %swap3A_841, %swap3A_842] {strides = array<i32>} : memref<2x8x8x128xf32, #tpu.memory_space<vmem>>, vector<16xf32>,
          tpu.vector_store %arg29[%swap3A_839, %swap3A_840, %swap3A_841, %swap3A_842], %add3A_591 {strides = array<i32>} : memref<2x8x8x128xf32, #tpu.memory_space<vmem>>, vector<16xf32>,
          %swap3A_844 = arith.constant 5 : i32
          %swap3A_845 = arith.index_cast %select_n3A_571 : i32 to index
          %swap3A_846 = arith.index_cast %swap3A_844 : i32 to index
          %swap3A_847 = arith.index_cast %select_n3A_585 : i32 to index
          %swap3A_848 = arith.constant 32 : index
          %swap3A_849 = tpu.vector_load %arg29[%swap3A_845, %swap3A_846, %swap3A_847, %swap3A_848] {strides = array<i32>} : memref<2x8x8x128xf32, #tpu.memory_space<vmem>>, vector<16xf32>,
          tpu.vector_store %arg29[%swap3A_845, %swap3A_846, %swap3A_847, %swap3A_848], %add3A_591 {strides = array<i32>} : memref<2x8x8x128xf32, #tpu.memory_space<vmem>>, vector<16xf32>,
          %swap3A_850 = arith.constant 5 : i32
          %swap3A_851 = arith.index_cast %select_n3A_571 : i32 to index
          %swap3A_852 = arith.index_cast %swap3A_850 : i32 to index
          %swap3A_853 = arith.index_cast %select_n3A_585 : i32 to index
          %swap3A_854 = arith.constant 48 : index
          %swap3A_855 = tpu.vector_load %arg29[%swap3A_851, %swap3A_852, %swap3A_853, %swap3A_854] {strides = array<i32>} : memref<2x8x8x128xf32, #tpu.memory_space<vmem>>, vector<16xf32>,
          tpu.vector_store %arg29[%swap3A_851, %swap3A_852, %swap3A_853, %swap3A_854], %add3A_591 {strides = array<i32>} : memref<2x8x8x128xf32, #tpu.memory_space<vmem>>, vector<16xf32>,
          %swap3A_856 = arith.constant 5 : i32
          %swap3A_857 = arith.index_cast %select_n3A_571 : i32 to index
          %swap3A_858 = arith.index_cast %swap3A_856 : i32 to index
          %swap3A_859 = arith.index_cast %select_n3A_585 : i32 to index
          %swap3A_860 = arith.constant 64 : index
          %swap3A_861 = tpu.vector_load %arg29[%swap3A_857, %swap3A_858, %swap3A_859, %swap3A_860] {strides = array<i32>} : memref<2x8x8x128xf32, #tpu.memory_space<vmem>>, vector<16xf32>,
          tpu.vector_store %arg29[%swap3A_857, %swap3A_858, %swap3A_859, %swap3A_860], %add3A_591 {strides = array<i32>} : memref<2x8x8x128xf32, #tpu.memory_space<vmem>>, vector<16xf32>,
          %swap3A_862 = arith.constant 5 : i32
          %swap3A_863 = arith.index_cast %select_n3A_571 : i32 to index
          %swap3A_864 = arith.index_cast %swap3A_862 : i32 to index
          %swap3A_865 = arith.index_cast %select_n3A_585 : i32 to index
          %swap3A_866 = arith.constant 80 : index
          %swap3A_867 = tpu.vector_load %arg29[%swap3A_863, %swap3A_864, %swap3A_865, %swap3A_866] {strides = array<i32>} : memref<2x8x8x128xf32, #tpu.memory_space<vmem>>, vector<16xf32>,
          tpu.vector_store %arg29[%swap3A_863, %swap3A_864, %swap3A_865, %swap3A_866], %add3A_591 {strides = array<i32>} : memref<2x8x8x128xf32, #tpu.memory_space<vmem>>, vector<16xf32>,
          %swap3A_868 = arith.constant 5 : i32
          %swap3A_869 = arith.index_cast %select_n3A_571 : i32 to index
          %swap3A_870 = arith.index_cast %swap3A_868 : i32 to index
          %swap3A_871 = arith.index_cast %select_n3A_585 : i32 to index
          %swap3A_872 = arith.constant 96 : index
          %swap3A_873 = tpu.vector_load %arg29[%swap3A_869, %swap3A_870, %swap3A_871, %swap3A_872] {strides = array<i32>} : memref<2x8x8x128xf32, #tpu.memory_space<vmem>>, vector<16xf32>,
          tpu.vector_store %arg29[%swap3A_869, %swap3A_870, %swap3A_871, %swap3A_872], %add3A_591 {strides = array<i32>} : memref<2x8x8x128xf32, #tpu.memory_space<vmem>>, vector<16xf32>,
          %swap3A_874 = arith.constant 5 : i32
          %swap3A_875 = arith.index_cast %select_n3A_571 : i32 to index
          %swap3A_876 = arith.index_cast %swap3A_874 : i32 to index
          %swap3A_877 = arith.index_cast %select_n3A_585 : i32 to index
          %swap3A_878 = arith.constant 112 : index
          %swap3A_879 = tpu.vector_load %arg29[%swap3A_875, %swap3A_876, %swap3A_877, %swap3A_878] {strides = array<i32>} : memref<2x8x8x128xf32, #tpu.memory_space<vmem>>, vector<16xf32>,
          tpu.vector_store %arg29[%swap3A_875, %swap3A_876, %swap3A_877, %swap3A_878], %add3A_591 {strides = array<i32>} : memref<2x8x8x128xf32, #tpu.memory_space<vmem>>, vector<16xf32>,
          %swap3A_880 = arith.constant 6 : i32
          %swap3A_881 = arith.index_cast %select_n3A_571 : i32 to index
          %swap3A_882 = arith.index_cast %swap3A_880 : i32 to index
          %swap3A_883 = arith.index_cast %select_n3A_585 : i32 to index
          %swap3A_884 = arith.constant 0 : index
          %swap3A_885 = tpu.vector_load %arg29[%swap3A_881, %swap3A_882, %swap3A_883, %swap3A_884] {strides = array<i32>} : memref<2x8x8x128xf32, #tpu.memory_space<vmem>>, vector<16xf32>,
          tpu.vector_store %arg29[%swap3A_881, %swap3A_882, %swap3A_883, %swap3A_884], %add3A_591 {strides = array<i32>} : memref<2x8x8x128xf32, #tpu.memory_space<vmem>>, vector<16xf32>,
          %swap3A_886 = arith.constant 6 : i32
          %swap3A_887 = arith.index_cast %select_n3A_571 : i32 to index
          %swap3A_888 = arith.index_cast %swap3A_886 : i32 to index
          %swap3A_889 = arith.index_cast %select_n3A_585 : i32 to index
          %swap3A_890 = arith.constant 16 : index
          %swap3A_891 = tpu.vector_load %arg29[%swap3A_887, %swap3A_888, %swap3A_889, %swap3A_890] {strides = array<i32>} : memref<2x8x8x128xf32, #tpu.memory_space<vmem>>, vector<16xf32>,
          tpu.vector_store %arg29[%swap3A_887, %swap3A_888, %swap3A_889, %swap3A_890], %add3A_591 {strides = array<i32>} : memref<2x8x8x128xf32, #tpu.memory_space<vmem>>, vector<16xf32>,
          %swap3A_892 = arith.constant 6 : i32
          %swap3A_893 = arith.index_cast %select_n3A_571 : i32 to index
          %swap3A_894 = arith.index_cast %swap3A_892 : i32 to index
          %swap3A_895 = arith.index_cast %select_n3A_585 : i32 to index
          %swap3A_896 = arith.constant 32 : index
          %swap3A_897 = tpu.vector_load %arg29[%swap3A_893, %swap3A_894, %swap3A_895, %swap3A_896] {strides = array<i32>} : memref<2x8x8x128xf32, #tpu.memory_space<vmem>>, vector<16xf32>,
          tpu.vector_store %arg29[%swap3A_893, %swap3A_894, %swap3A_895, %swap3A_896], %add3A_591 {strides = array<i32>} : memref<2x8x8x128xf32, #tpu.memory_space<vmem>>, vector<16xf32>,
          %swap3A_898 = arith.constant 6 : i32
          %swap3A_899 = arith.index_cast %select_n3A_571 : i32 to index
          %swap3A_900 = arith.index_cast %swap3A_898 : i32 to index
          %swap3A_901 = arith.index_cast %select_n3A_585 : i32 to index
          %swap3A_902 = arith.constant 48 : index
          %swap3A_903 = tpu.vector_load %arg29[%swap3A_899, %swap3A_900, %swap3A_901, %swap3A_902] {strides = array<i32>} : memref<2x8x8x128xf32, #tpu.memory_space<vmem>>, vector<16xf32>,
          tpu.vector_store %arg29[%swap3A_899, %swap3A_900, %swap3A_901, %swap3A_902], %add3A_591 {strides = array<i32>} : memref<2x8x8x128xf32, #tpu.memory_space<vmem>>, vector<16xf32>,
          %swap3A_904 = arith.constant 6 : i32
          %swap3A_905 = arith.index_cast %select_n3A_571 : i32 to index
          %swap3A_906 = arith.index_cast %swap3A_904 : i32 to index
          %swap3A_907 = arith.index_cast %select_n3A_585 : i32 to index
          %swap3A_908 = arith.constant 64 : index
          %swap3A_909 = tpu.vector_load %arg29[%swap3A_905, %swap3A_906, %swap3A_907, %swap3A_908] {strides = array<i32>} : memref<2x8x8x128xf32, #tpu.memory_space<vmem>>, vector<16xf32>,
          tpu.vector_store %arg29[%swap3A_905, %swap3A_906, %swap3A_907, %swap3A_908], %add3A_591 {strides = array<i32>} : memref<2x8x8x128xf32, #tpu.memory_space<vmem>>, vector<16xf32>,
          %swap3A_910 = arith.constant 6 : i32
          %swap3A_911 = arith.index_cast %select_n3A_571 : i32 to index
          %swap3A_912 = arith.index_cast %swap3A_910 : i32 to index
          %swap3A_913 = arith.index_cast %select_n3A_585 : i32 to index
          %swap3A_914 = arith.constant 80 : index
          %swap3A_915 = tpu.vector_load %arg29[%swap3A_911, %swap3A_912, %swap3A_913, %swap3A_914] {strides = array<i32>} : memref<2x8x8x128xf32, #tpu.memory_space<vmem>>, vector<16xf32>,
          tpu.vector_store %arg29[%swap3A_911, %swap3A_912, %swap3A_913, %swap3A_914], %add3A_591 {strides = array<i32>} : memref<2x8x8x128xf32, #tpu.memory_space<vmem>>, vector<16xf32>,
          %swap3A_916 = arith.constant 6 : i32
          %swap3A_917 = arith.index_cast %select_n3A_571 : i32 to index
          %swap3A_918 = arith.index_cast %swap3A_916 : i32 to index
          %swap3A_919 = arith.index_cast %select_n3A_585 : i32 to index
          %swap3A_920 = arith.constant 96 : index
          %swap3A_921 = tpu.vector_load %arg29[%swap3A_917, %swap3A_918, %swap3A_919, %swap3A_920] {strides = array<i32>} : memref<2x8x8x128xf32, #tpu.memory_space<vmem>>, vector<16xf32>,
          tpu.vector_store %arg29[%swap3A_917, %swap3A_918, %swap3A_919, %swap3A_920], %add3A_591 {strides = array<i32>} : memref<2x8x8x128xf32, #tpu.memory_space<vmem>>, vector<16xf32>,
          %swap3A_922 = arith.constant 6 : i32
          %swap3A_923 = arith.index_cast %select_n3A_571 : i32 to index
          %swap3A_924 = arith.index_cast %swap3A_922 : i32 to index
          %swap3A_925 = arith.index_cast %select_n3A_585 : i32 to index
          %swap3A_926 = arith.constant 112 : index
          %swap3A_927 = tpu.vector_load %arg29[%swap3A_923, %swap3A_924, %swap3A_925, %swap3A_926] {strides = array<i32>} : memref<2x8x8x128xf32, #tpu.memory_space<vmem>>, vector<16xf32>,
          tpu.vector_store %arg29[%swap3A_923, %swap3A_924, %swap3A_925, %swap3A_926], %add3A_591 {strides = array<i32>} : memref<2x8x8x128xf32, #tpu.memory_space<vmem>>, vector<16xf32>,
          %swap3A_928 = arith.constant 7 : i32
          %swap3A_929 = arith.index_cast %select_n3A_571 : i32 to index
          %swap3A_930 = arith.index_cast %swap3A_928 : i32 to index
          %swap3A_931 = arith.index_cast %select_n3A_585 : i32 to index
          %swap3A_932 = arith.constant 0 : index
          %swap3A_933 = tpu.vector_load %arg29[%swap3A_929, %swap3A_930, %swap3A_931, %swap3A_932] {strides = array<i32>} : memref<2x8x8x128xf32, #tpu.memory_space<vmem>>, vector<16xf32>,
          tpu.vector_store %arg29[%swap3A_929, %swap3A_930, %swap3A_931, %swap3A_932], %add3A_591 {strides = array<i32>} : memref<2x8x8x128xf32, #tpu.memory_space<vmem>>, vector<16xf32>,
          %swap3A_934 = arith.constant 7 : i32
          %swap3A_935 = arith.index_cast %select_n3A_571 : i32 to index
          %swap3A_936 = arith.index_cast %swap3A_934 : i32 to index
          %swap3A_937 = arith.index_cast %select_n3A_585 : i32 to index
          %swap3A_938 = arith.constant 16 : index
          %swap3A_939 = tpu.vector_load %arg29[%swap3A_935, %swap3A_936, %swap3A_937, %swap3A_938] {strides = array<i32>} : memref<2x8x8x128xf32, #tpu.memory_space<vmem>>, vector<16xf32>,
          tpu.vector_store %arg29[%swap3A_935, %swap3A_936, %swap3A_937, %swap3A_938], %add3A_591 {strides = array<i32>} : memref<2x8x8x128xf32, #tpu.memory_space<vmem>>, vector<16xf32>,
          %swap3A_940 = arith.constant 7 : i32
          %swap3A_941 = arith.index_cast %select_n3A_571 : i32 to index
          %swap3A_942 = arith.index_cast %swap3A_940 : i32 to index
          %swap3A_943 = arith.index_cast %select_n3A_585 : i32 to index
          %swap3A_944 = arith.constant 32 : index
          %swap3A_945 = tpu.vector_load %arg29[%swap3A_941, %swap3A_942, %swap3A_943, %swap3A_944] {strides = array<i32>} : memref<2x8x8x128xf32, #tpu.memory_space<vmem>>, vector<16xf32>,
          tpu.vector_store %arg29[%swap3A_941, %swap3A_942, %swap3A_943, %swap3A_944], %add3A_591 {strides = array<i32>} : memref<2x8x8x128xf32, #tpu.memory_space<vmem>>, vector<16xf32>,
          %swap3A_946 = arith.constant 7 : i32
          %swap3A_947 = arith.index_cast %select_n3A_571 : i32 to index
          %swap3A_948 = arith.index_cast %swap3A_946 : i32 to index
          %swap3A_949 = arith.index_cast %select_n3A_585 : i32 to index
          %swap3A_950 = arith.constant 48 : index
          %swap3A_951 = tpu.vector_load %arg29[%swap3A_947, %swap3A_948, %swap3A_949, %swap3A_950] {strides = array<i32>} : memref<2x8x8x128xf32, #tpu.memory_space<vmem>>, vector<16xf32>,
          tpu.vector_store %arg29[%swap3A_947, %swap3A_948, %swap3A_949, %swap3A_950], %add3A_591 {strides = array<i32>} : memref<2x8x8x128xf32, #tpu.memory_space<vmem>>, vector<16xf32>,
          %swap3A_952 = arith.constant 7 : i32
          %swap3A_953 = arith.index_cast %select_n3A_571 : i32 to index
          %swap3A_954 = arith.index_cast %swap3A_952 : i32 to index
          %swap3A_955 = arith.index_cast %select_n3A_585 : i32 to index
          %swap3A_956 = arith.constant 64 : index
          %swap3A_957 = tpu.vector_load %arg29[%swap3A_953, %swap3A_954, %swap3A_955, %swap3A_956] {strides = array<i32>} : memref<2x8x8x128xf32, #tpu.memory_space<vmem>>, vector<16xf32>,
          tpu.vector_store %arg29[%swap3A_953, %swap3A_954, %swap3A_955, %swap3A_956], %add3A_591 {strides = array<i32>} : memref<2x8x8x128xf32, #tpu.memory_space<vmem>>, vector<16xf32>,
          %swap3A_958 = arith.constant 7 : i32
          %swap3A_959 = arith.index_cast %select_n3A_571 : i32 to index
          %swap3A_960 = arith.index_cast %swap3A_958 : i32 to index
          %swap3A_961 = arith.index_cast %select_n3A_585 : i32 to index
          %swap3A_962 = arith.constant 80 : index
          %swap3A_963 = tpu.vector_load %arg29[%swap3A_959, %swap3A_960, %swap3A_961, %swap3A_962] {strides = array<i32>} : memref<2x8x8x128xf32, #tpu.memory_space<vmem>>, vector<16xf32>,
          tpu.vector_store %arg29[%swap3A_959, %swap3A_960, %swap3A_961, %swap3A_962], %add3A_591 {strides = array<i32>} : memref<2x8x8x128xf32, #tpu.memory_space<vmem>>, vector<16xf32>,
          %swap3A_964 = arith.constant 7 : i32
          %swap3A_965 = arith.index_cast %select_n3A_571 : i32 to index
          %swap3A_966 = arith.index_cast %swap3A_964 : i32 to index
          %swap3A_967 = arith.index_cast %select_n3A_585 : i32 to index
          %swap3A_968 = arith.constant 96 : index
          %swap3A_969 = tpu.vector_load %arg29[%swap3A_965, %swap3A_966, %swap3A_967, %swap3A_968] {strides = array<i32>} : memref<2x8x8x128xf32, #tpu.memory_space<vmem>>, vector<16xf32>,
          tpu.vector_store %arg29[%swap3A_965, %swap3A_966, %swap3A_967, %swap3A_968], %add3A_591 {strides = array<i32>} : memref<2x8x8x128xf32, #tpu.memory_space<vmem>>, vector<16xf32>,
          %swap3A_970 = arith.constant 7 : i32
          %swap3A_971 = arith.index_cast %select_n3A_571 : i32 to index
          %swap3A_972 = arith.index_cast %swap3A_970 : i32 to index
          %swap3A_973 = arith.index_cast %select_n3A_585 : i32 to index
          %swap3A_974 = arith.constant 112 : index
          %swap3A_975 = tpu.vector_load %arg29[%swap3A_971, %swap3A_972, %swap3A_973, %swap3A_974] {strides = array<i32>} : memref<2x8x8x128xf32, #tpu.memory_space<vmem>>, vector<16xf32>,
          tpu.vector_store %arg29[%swap3A_971, %swap3A_972, %swap3A_973, %swap3A_974], %add3A_591 {strides = array<i32>} : memref<2x8x8x128xf32, #tpu.memory_space<vmem>>, vector<16xf32>,
          %get3A_976 = arith.index_cast %add3A_547 : i32 to index
          %get3A_977 = arith.constant 0 : index
          %get3A_978 = tpu.vector_load %arg18[%get3A_976, %get3A_977] {strides = array<i32>} : memref<128x16xi32, #tpu.memory_space<vmem>>, vector<16xi32>,
          %get3A_979 = arith.index_cast %add3A_547 : i32 to index
          %get3A_980 = arith.constant 0 : index
          %get3A_981 = tpu.vector_load %arg22[%get3A_979, %get3A_980] {strides = array<i32>} : memref<128x16xf32, #tpu.memory_space<vmem>>, vector<16xf32>,
          %get3A_982 = arith.index_cast %add3A_547 : i32 to index
          %get3A_983 = arith.constant 0 : index
          %get3A_984 = tpu.vector_load %arg26[%get3A_982, %get3A_983] {strides = array<i32>} : memref<128x16xi32, #tpu.memory_space<vmem>>, vector<16xi32>,
          %add3A_985 = arith.constant 256 : i32
          %add3A_986 = arith.addi %add3A_985, %add3A_547 : i32
          %broadcast_in_dim3A_987 = vector.broadcast %add3A_986 : i32 to vector<16xi32>
          %gather3A_988 = tpu.vector_load_idx %arg27[%broadcast_in_dim3A_987] : memref<512xf32, #tpu.memory_space<vmem>>[vector<16xi32>], vector<16xf32>,
          %lt3A_989 = arith.constant 1024 : i32
          %lt3A_990 = vector.broadcast %lt3A_989 : i32 to vector<16xi32>
          %lt3A_991 = arith.cmpi slt, %get3A_978, %lt3A_990 : vector<16xi32>
          %min3A = arith.constant 1023 : i32
          %min3A_992 = vector.broadcast %min3A : i32 to vector<16xi32>
          %min3A_993 = arith.minsi %get3A_978, %min3A_992 : vector<16xi32>
          %shift_right_arithmetic3A = arith.constant 7 : i32
          %shift_right_arithmetic3A_994 = vector.broadcast %shift_right_arithmetic3A : i32 to vector<16xi32>
          %shift_right_arithmetic3A_995 = arith.shrsi %min3A_993, %shift_right_arithmetic3A_994 : vector<16xi32>
          %and3A_996 = arith.constant 127 : i32
          %and3A_997 = vector.broadcast %and3A_996 : i32 to vector<16xi32>
          %and3A_998 = arith.andi %min3A_993, %and3A_997 : vector<16xi32>
          %add3A_999 = arith.addf %gather3A_988, %get3A_981 : vector<16xf32>
          tpu.vector_store_idx %arg29[%broadcast_in_dim3A_586, %shift_right_arithmetic3A_995, %broadcast_in_dim3A_587, %and3A_998], %add3A_999 masked %lt3A_991 : memref<2x8x8x128xf32, #tpu.memory_space<vmem>>[vector<16xi32>, vector<16xi32>, vector<16xi32>, vector<16xi32>], vector<16xf32>, vector<16xi1>
          tpu.vector_store_idx %arg31[%broadcast_in_dim3A_586, %shift_right_arithmetic3A_995, %broadcast_in_dim3A_587, %and3A_998], %get3A_984 masked %lt3A_991 : memref<2x8x8x128xi32, #tpu.memory_space<vmem>>[vector<16xi32>, vector<16xi32>, vector<16xi32>, vector<16xi32>], vector<16xi32>, vector<16xi1>
          %get3A_1000 = arith.index_cast %add3A_547 : i32 to index
          %get3A_1001 = arith.constant 0 : index
          %get3A_1002 = tpu.vector_load %arg17[%get3A_1000, %get3A_1001] {strides = array<i32>} : memref<128x16xi32, #tpu.memory_space<vmem>>, vector<16xi32>,
          %get3A_1003 = arith.index_cast %add3A_547 : i32 to index
          %get3A_1004 = arith.constant 0 : index
          %get3A_1005 = tpu.vector_load %arg21[%get3A_1003, %get3A_1004] {strides = array<i32>} : memref<128x16xf32, #tpu.memory_space<vmem>>, vector<16xf32>,
          %get3A_1006 = arith.index_cast %add3A_547 : i32 to index
          %get3A_1007 = arith.constant 0 : index
          %get3A_1008 = tpu.vector_load %arg25[%get3A_1006, %get3A_1007] {strides = array<i32>} : memref<128x16xi32, #tpu.memory_space<vmem>>, vector<16xi32>,
          %add3A_1009 = arith.constant 128 : i32
          %add3A_1010 = arith.addi %add3A_1009, %add3A_547 : i32
          %broadcast_in_dim3A_1011 = vector.broadcast %add3A_1010 : i32 to vector<16xi32>
          %gather3A_1012 = tpu.vector_load_idx %arg27[%broadcast_in_dim3A_1011] : memref<512xf32, #tpu.memory_space<vmem>>[vector<16xi32>], vector<16xf32>,
          %lt3A_1013 = arith.constant 1024 : i32
          %lt3A_1014 = vector.broadcast %lt3A_1013 : i32 to vector<16xi32>
          %lt3A_1015 = arith.cmpi slt, %get3A_1002, %lt3A_1014 : vector<16xi32>
          %min3A_1016 = arith.constant 1023 : i32
          %min3A_1017 = vector.broadcast %min3A_1016 : i32 to vector<16xi32>
          %min3A_1018 = arith.minsi %get3A_1002, %min3A_1017 : vector<16xi32>
          %shift_right_arithmetic3A_1019 = arith.constant 7 : i32
          %shift_right_arithmetic3A_1020 = vector.broadcast %shift_right_arithmetic3A_1019 : i32 to vector<16xi32>
          %shift_right_arithmetic3A_1021 = arith.shrsi %min3A_1018, %shift_right_arithmetic3A_1020 : vector<16xi32>
          %and3A_1022 = arith.constant 127 : i32
          %and3A_1023 = vector.broadcast %and3A_1022 : i32 to vector<16xi32>
          %and3A_1024 = arith.andi %min3A_1018, %and3A_1023 : vector<16xi32>
          %add3A_1025 = arith.addf %gather3A_1012, %get3A_1005 : vector<16xf32>
          tpu.vector_store_idx %arg29[%broadcast_in_dim3A_586, %shift_right_arithmetic3A_1021, %broadcast_in_dim3A_587, %and3A_1024], %add3A_1025 masked %lt3A_1015 : memref<2x8x8x128xf32, #tpu.memory_space<vmem>>[vector<16xi32>, vector<16xi32>, vector<16xi32>, vector<16xi32>], vector<16xf32>, vector<16xi1>
          tpu.vector_store_idx %arg31[%broadcast_in_dim3A_586, %shift_right_arithmetic3A_1021, %broadcast_in_dim3A_587, %and3A_1024], %get3A_1008 masked %lt3A_1015 : memref<2x8x8x128xi32, #tpu.memory_space<vmem>>[vector<16xi32>, vector<16xi32>, vector<16xi32>, vector<16xi32>], vector<16xi32>, vector<16xi1>
          %get3A_1026 = arith.index_cast %add3A_547 : i32 to index
          %get3A_1027 = arith.constant 0 : index
          %get3A_1028 = tpu.vector_load %arg16[%get3A_1026, %get3A_1027] {strides = array<i32>} : memref<128x16xi32, #tpu.memory_space<vmem>>, vector<16xi32>,
          %get3A_1029 = arith.index_cast %add3A_547 : i32 to index
          %get3A_1030 = arith.constant 0 : index
          %get3A_1031 = tpu.vector_load %arg20[%get3A_1029, %get3A_1030] {strides = array<i32>} : memref<128x16xf32, #tpu.memory_space<vmem>>, vector<16xf32>,
          %get3A_1032 = arith.index_cast %add3A_547 : i32 to index
          %get3A_1033 = arith.constant 0 : index
          %get3A_1034 = tpu.vector_load %arg24[%get3A_1032, %get3A_1033] {strides = array<i32>} : memref<128x16xi32, #tpu.memory_space<vmem>>, vector<16xi32>,
          %add3A_1035 = arith.constant 0 : i32
          %add3A_1036 = arith.addi %add3A_1035, %add3A_547 : i32
          %broadcast_in_dim3A_1037 = vector.broadcast %add3A_1036 : i32 to vector<16xi32>
          %gather3A_1038 = tpu.vector_load_idx %arg27[%broadcast_in_dim3A_1037] : memref<512xf32, #tpu.memory_space<vmem>>[vector<16xi32>], vector<16xf32>,
          %lt3A_1039 = arith.constant 1024 : i32
          %lt3A_1040 = vector.broadcast %lt3A_1039 : i32 to vector<16xi32>
          %lt3A_1041 = arith.cmpi slt, %get3A_1028, %lt3A_1040 : vector<16xi32>
          %min3A_1042 = arith.constant 1023 : i32
          %min3A_1043 = vector.broadcast %min3A_1042 : i32 to vector<16xi32>
          %min3A_1044 = arith.minsi %get3A_1028, %min3A_1043 : vector<16xi32>
          %shift_right_arithmetic3A_1045 = arith.constant 7 : i32
          %shift_right_arithmetic3A_1046 = vector.broadcast %shift_right_arithmetic3A_1045 : i32 to vector<16xi32>
          %shift_right_arithmetic3A_1047 = arith.shrsi %min3A_1044, %shift_right_arithmetic3A_1046 : vector<16xi32>
          %and3A_1048 = arith.constant 127 : i32
          %and3A_1049 = vector.broadcast %and3A_1048 : i32 to vector<16xi32>
          %and3A_1050 = arith.andi %min3A_1044, %and3A_1049 : vector<16xi32>
          %add3A_1051 = arith.addf %gather3A_1038, %get3A_1031 : vector<16xf32>
          tpu.vector_store_idx %arg29[%broadcast_in_dim3A_586, %shift_right_arithmetic3A_1047, %broadcast_in_dim3A_587, %and3A_1050], %add3A_1051 masked %lt3A_1041 : memref<2x8x8x128xf32, #tpu.memory_space<vmem>>[vector<16xi32>, vector<16xi32>, vector<16xi32>, vector<16xi32>], vector<16xf32>, vector<16xi1>
          tpu.vector_store_idx %arg31[%broadcast_in_dim3A_586, %shift_right_arithmetic3A_1047, %broadcast_in_dim3A_587, %and3A_1050], %get3A_1034 masked %lt3A_1041 : memref<2x8x8x128xi32, #tpu.memory_space<vmem>>[vector<16xi32>, vector<16xi32>, vector<16xi32>, vector<16xi32>], vector<16xi32>, vector<16xi1>
          %get3A_1052 = arith.index_cast %add3A_547 : i32 to index
          %get3A_1053 = arith.constant 0 : index
          %get3A_1054 = tpu.vector_load %arg15[%get3A_1052, %get3A_1053] {strides = array<i32>} : memref<128x16xi32, #tpu.memory_space<vmem>>, vector<16xi32>,
          %get3A_1055 = arith.index_cast %add3A_547 : i32 to index
          %get3A_1056 = arith.constant 0 : index
          %get3A_1057 = tpu.vector_load %arg19[%get3A_1055, %get3A_1056] {strides = array<i32>} : memref<128x16xf32, #tpu.memory_space<vmem>>, vector<16xf32>,
          %get3A_1058 = arith.index_cast %add3A_547 : i32 to index
          %get3A_1059 = arith.constant 0 : index
          %get3A_1060 = tpu.vector_load %arg23[%get3A_1058, %get3A_1059] {strides = array<i32>} : memref<128x16xi32, #tpu.memory_space<vmem>>, vector<16xi32>,
          %lt3A_1061 = arith.constant 1024 : i32
          %lt3A_1062 = vector.broadcast %lt3A_1061 : i32 to vector<16xi32>
          %lt3A_1063 = arith.cmpi slt, %get3A_1054, %lt3A_1062 : vector<16xi32>
          %min3A_1064 = arith.constant 1023 : i32
          %min3A_1065 = vector.broadcast %min3A_1064 : i32 to vector<16xi32>
          %min3A_1066 = arith.minsi %get3A_1054, %min3A_1065 : vector<16xi32>
          %shift_right_arithmetic3A_1067 = arith.constant 7 : i32
          %shift_right_arithmetic3A_1068 = vector.broadcast %shift_right_arithmetic3A_1067 : i32 to vector<16xi32>
          %shift_right_arithmetic3A_1069 = arith.shrsi %min3A_1066, %shift_right_arithmetic3A_1068 : vector<16xi32>
          %and3A_1070 = arith.constant 127 : i32
          %and3A_1071 = vector.broadcast %and3A_1070 : i32 to vector<16xi32>
          %and3A_1072 = arith.andi %min3A_1066, %and3A_1071 : vector<16xi32>
          %add3A_1073 = arith.addf %broadcast_in_dim3A_3, %get3A_1057 : vector<16xf32>
          tpu.vector_store_idx %arg29[%broadcast_in_dim3A_586, %shift_right_arithmetic3A_1069, %broadcast_in_dim3A_587, %and3A_1072], %add3A_1073 masked %lt3A_1063 : memref<2x8x8x128xf32, #tpu.memory_space<vmem>>[vector<16xi32>, vector<16xi32>, vector<16xi32>, vector<16xi32>], vector<16xf32>, vector<16xi1>
          tpu.vector_store_idx %arg31[%broadcast_in_dim3A_586, %shift_right_arithmetic3A_1069, %broadcast_in_dim3A_587, %and3A_1072], %get3A_1060 masked %lt3A_1063 : memref<2x8x8x128xi32, #tpu.memory_space<vmem>>[vector<16xi32>, vector<16xi32>, vector<16xi32>, vector<16xi32>], vector<16xi32>, vector<16xi1>
        }
        %scan3A_399 = arith.constant 16 : i32
        %mul3A_400 = arith.constant 16 : i32
        %mul3A_401 = arith.muli %add3A_392, %mul3A_400 : i32
        %add3A_402 = arith.addi %add3A_22, %mul3A_401 : i32
        %jit3A = arith.constant 8 : i32
        %div3A = arith.divsi %add3A_402, %jit3A : i32
        %sign3A = arith.constant 0 : i32
        %sign3A_403 = arith.cmpi sgt, %add3A_402, %sign3A : i32
        %sign3A_404 = arith.extui %sign3A_403 : i1 to i32
        %sign3A_405 = arith.constant 0 : i32
        %sign3A_406 = arith.cmpi slt, %add3A_402, %sign3A_405 : i32
        %sign3A_407 = arith.extui %sign3A_406 : i1 to i32
        %sign3A_408 = arith.subi %sign3A_404, %sign3A_407 : i32
        %sign3A_409 = arith.constant 0 : i32
        %sign3A_410 = arith.cmpi sgt, %jit3A, %sign3A_409 : i32
        %sign3A_411 = arith.extui %sign3A_410 : i1 to i32
        %sign3A_412 = arith.constant 0 : i32
        %sign3A_413 = arith.cmpi slt, %jit3A, %sign3A_412 : i32
        %sign3A_414 = arith.extui %sign3A_413 : i1 to i32
        %sign3A_415 = arith.subi %sign3A_411, %sign3A_414 : i32
        %ne3A = arith.cmpi ne, %sign3A_408, %sign3A_415 : i32
        %rem3A = arith.remsi %add3A_402, %jit3A : i32
        %ne3A_416 = arith.constant 0 : i32
        %ne3A_417 = arith.cmpi ne, %rem3A, %ne3A_416 : i32
        %and3A = arith.andi %ne3A, %ne3A_417 : i1
        %sub3A = arith.constant 1 : i32
        %sub3A_418 = arith.subi %div3A, %sub3A : i32
        %select_n3A = arith.select %and3A, %sub3A_418, %div3A : i32
        %dma_start3A_419 = arith.constant 0 : i32
        %dma_start3A_420 = arith.constant 0 : i32
        %dma_start3A_421 = arith.constant 0 : i32
        %dma_start3A_422 = tpu.memref_slice %arg9[%select_n3A, %dma_start3A_419, %dma_start3A_420, %dma_start3A_421] : memref<2048x8x8x128xf32, #tpu.memory_space<hbm>> -> memref<2x8x8x128xf32, #tpu.memory_space<hbm>>
        %dma_start3A_423 = arith.constant 0 : i32
        %dma_start3A_424 = arith.constant 0 : i32
        %dma_start3A_425 = arith.constant 0 : i32
        %dma_start3A_426 = tpu.memref_slice %arg9[%select_n3A, %dma_start3A_423, %dma_start3A_424, %dma_start3A_425] : memref<2048x8x8x128xf32, #tpu.memory_space<hbm>> -> memref<2x8x8x128xf32, #tpu.memory_space<hbm>>
        tpu.enqueue_dma source(%arg29 : memref<2x8x8x128xf32, #tpu.memory_space<vmem>>) target(%dma_start3A_426 : memref<2x8x8x128xf32, #tpu.memory_space<hbm>>) target_semaphore(%arg36 : memref<!tpu.dma_semaphore, #tpu.memory_space<semaphore_mem>>)
        %jit3A_427 = arith.constant 8 : i32
        %div3A_428 = arith.divsi %add3A_402, %jit3A_427 : i32
        %sign3A_429 = arith.constant 0 : i32
        %sign3A_430 = arith.cmpi sgt, %add3A_402, %sign3A_429 : i32
        %sign3A_431 = arith.extui %sign3A_430 : i1 to i32
        %sign3A_432 = arith.constant 0 : i32
        %sign3A_433 = arith.cmpi slt, %add3A_402, %sign3A_432 : i32
        %sign3A_434 = arith.extui %sign3A_433 : i1 to i32
        %sign3A_435 = arith.subi %sign3A_431, %sign3A_434 : i32
        %sign3A_436 = arith.constant 0 : i32
        %sign3A_437 = arith.cmpi sgt, %jit3A_427, %sign3A_436 : i32
        %sign3A_438 = arith.extui %sign3A_437 : i1 to i32
        %sign3A_439 = arith.constant 0 : i32
        %sign3A_440 = arith.cmpi slt, %jit3A_427, %sign3A_439 : i32
        %sign3A_441 = arith.extui %sign3A_440 : i1 to i32
        %sign3A_442 = arith.subi %sign3A_438, %sign3A_441 : i32
        %ne3A_443 = arith.cmpi ne, %sign3A_435, %sign3A_442 : i32
        %rem3A_444 = arith.remsi %add3A_402, %jit3A_427 : i32
        %ne3A_445 = arith.constant 0 : i32
        %ne3A_446 = arith.cmpi ne, %rem3A_444, %ne3A_445 : i32
        %and3A_447 = arith.andi %ne3A_443, %ne3A_446 : i1
        %sub3A_448 = arith.constant 1 : i32
        %sub3A_449 = arith.subi %div3A_428, %sub3A_448 : i32
        %select_n3A_450 = arith.select %and3A_447, %sub3A_449, %div3A_428 : i32
        %dma_start3A_451 = arith.constant 0 : i32
        %dma_start3A_452 = arith.constant 0 : i32
        %dma_start3A_453 = arith.constant 0 : i32
        %dma_start3A_454 = tpu.memref_slice %arg10[%select_n3A_450, %dma_start3A_451, %dma_start3A_452, %dma_start3A_453] : memref<2048x8x8x128xi32, #tpu.memory_space<hbm>> -> memref<2x8x8x128xi32, #tpu.memory_space<hbm>>
        %dma_start3A_455 = arith.constant 0 : i32
        %dma_start3A_456 = arith.constant 0 : i32
        %dma_start3A_457 = arith.constant 0 : i32
        %dma_start3A_458 = tpu.memref_slice %arg10[%select_n3A_450, %dma_start3A_455, %dma_start3A_456, %dma_start3A_457] : memref<2048x8x8x128xi32, #tpu.memory_space<hbm>> -> memref<2x8x8x128xi32, #tpu.memory_space<hbm>>
        tpu.enqueue_dma source(%arg31 : memref<2x8x8x128xi32, #tpu.memory_space<vmem>>) target(%dma_start3A_458 : memref<2x8x8x128xi32, #tpu.memory_space<hbm>>) target_semaphore(%arg36 : memref<!tpu.dma_semaphore, #tpu.memory_space<semaphore_mem>>)
        %mul3A_459 = arith.constant 2 : i32
        %mul3A_460 = arith.muli %add3A_388, %mul3A_459 : i32
        %add3A_461 = arith.constant 1 : i32
        %add3A_462 = arith.addi %mul3A_460, %add3A_461 : i32
        %gt3A_463 = arith.constant 0 : i32
        %gt3A_464 = arith.cmpi sgt, %add3A_388, %gt3A_463 : i32
        %convert_element_type3A_465 = arith.extui %gt3A_464 : i1 to i32
        %cond3A_466 = arith.constant 0 : i32
        %cond3A_467 = arith.cmpi ne, %convert_element_type3A_465, %cond3A_466 : i32
        scf.if %cond3A_467 {
          %dma_wait3A_540 = arith.constant 0 : i32
          %dma_wait3A_541 = arith.constant 0 : i32
          %dma_wait3A_542 = arith.constant 0 : i32
          %dma_wait3A_543 = arith.constant 0 : i32
          %dma_wait3A_544 = tpu.memref_slice %arg9[%dma_wait3A_540, %dma_wait3A_541, %dma_wait3A_542, %dma_wait3A_543] : memref<2048x8x8x128xf32, #tpu.memory_space<hbm>> -> memref<2x8x8x128xf32, #tpu.memory_space<hbm>>
          %dma_wait3A_545 = arith.constant 0 : i32
          %dma_wait3A_546 = arith.constant 0 : i32
          %dma_wait3A_547 = arith.constant 0 : i32
          %dma_wait3A_548 = arith.constant 0 : i32
          %dma_wait3A_549 = tpu.memref_slice %arg9[%dma_wait3A_545, %dma_wait3A_546, %dma_wait3A_547, %dma_wait3A_548] : memref<2048x8x8x128xf32, #tpu.memory_space<hbm>> -> memref<2x8x8x128xf32, #tpu.memory_space<hbm>>
          tpu.wait_dma2 semaphore(%arg37 : memref<!tpu.dma_semaphore, #tpu.memory_space<semaphore_mem>>) src(%dma_wait3A_549 : memref<2x8x8x128xf32, #tpu.memory_space<hbm>>) dst(%arg30 : memref<2x8x8x128xf32, #tpu.memory_space<vmem>>)
          %dma_wait3A_550 = arith.constant 0 : i32
          %dma_wait3A_551 = arith.constant 0 : i32
          %dma_wait3A_552 = arith.constant 0 : i32
          %dma_wait3A_553 = arith.constant 0 : i32
          %dma_wait3A_554 = tpu.memref_slice %arg10[%dma_wait3A_550, %dma_wait3A_551, %dma_wait3A_552, %dma_wait3A_553] : memref<2048x8x8x128xi32, #tpu.memory_space<hbm>> -> memref<2x8x8x128xi32, #tpu.memory_space<hbm>>
          %dma_wait3A_555 = arith.constant 0 : i32
          %dma_wait3A_556 = arith.constant 0 : i32
          %dma_wait3A_557 = arith.constant 0 : i32
          %dma_wait3A_558 = arith.constant 0 : i32
          %dma_wait3A_559 = tpu.memref_slice %arg10[%dma_wait3A_555, %dma_wait3A_556, %dma_wait3A_557, %dma_wait3A_558] : memref<2048x8x8x128xi32, #tpu.memory_space<hbm>> -> memref<2x8x8x128xi32, #tpu.memory_space<hbm>>
          tpu.wait_dma2 semaphore(%arg37 : memref<!tpu.dma_semaphore, #tpu.memory_space<semaphore_mem>>) src(%dma_wait3A_559 : memref<2x8x8x128xi32, #tpu.memory_space<hbm>>) dst(%arg32 : memref<2x8x8x128xi32, #tpu.memory_space<vmem>>)
          %sub3A_560 = arith.constant 1 : i32
          %sub3A_561 = arith.subi %add3A_388, %sub3A_560 : i32
          %mul3A_562 = arith.constant 2 : i32
          %mul3A_563 = arith.muli %sub3A_561, %mul3A_562 : i32
          %add3A_564 = arith.constant 1 : i32
          %add3A_565 = arith.addi %mul3A_563, %add3A_564 : i32
          %scan3A_566 = arith.constant 0 : i32
          %scan3A_567 = arith.constant 16 : i32
          %scan3A_568 = arith.addi %scan3A_566, %scan3A_567 : i32
          %scan3A_569 = arith.constant 1 : i32
          scf.for %scan3A_571 = %scan3A_566 to %scan3A_568 step %scan3A_569  : i32 {
            %mul3A_572 = arith.constant 1 : i32
            %mul3A_573 = arith.muli %scan3A_571, %mul3A_572 : i32
            %add3A_574 = arith.constant 0 : i32
            %add3A_575 = arith.addi %add3A_574, %mul3A_573 : i32
            %mul3A_576 = arith.constant 16 : i32
            %mul3A_577 = arith.muli %add3A_565, %mul3A_576 : i32
            %add3A_578 = arith.addi %mul3A_577, %add3A_575 : i32
            %jit3A_579 = arith.constant 8 : i32
            %div3A_580 = arith.divsi %add3A_575, %jit3A_579 : i32
            %sign3A_581 = arith.constant 0 : i32
            %sign3A_582 = arith.cmpi sgt, %add3A_575, %sign3A_581 : i32
            %sign3A_583 = arith.extui %sign3A_582 : i1 to i32
            %sign3A_584 = arith.constant 0 : i32
            %sign3A_585 = arith.cmpi slt, %add3A_575, %sign3A_584 : i32
            %sign3A_586 = arith.extui %sign3A_585 : i1 to i32
            %sign3A_587 = arith.subi %sign3A_583, %sign3A_586 : i32
            %sign3A_588 = arith.constant 0 : i32
            %sign3A_589 = arith.cmpi sgt, %jit3A_579, %sign3A_588 : i32
            %sign3A_590 = arith.extui %sign3A_589 : i1 to i32
            %sign3A_591 = arith.constant 0 : i32
            %sign3A_592 = arith.cmpi slt, %jit3A_579, %sign3A_591 : i32
            %sign3A_593 = arith.extui %sign3A_592 : i1 to i32
            %sign3A_594 = arith.subi %sign3A_590, %sign3A_593 : i32
            %ne3A_595 = arith.cmpi ne, %sign3A_587, %sign3A_594 : i32
            %rem3A_596 = arith.remsi %add3A_575, %jit3A_579 : i32
            %ne3A_597 = arith.constant 0 : i32
            %ne3A_598 = arith.cmpi ne, %rem3A_596, %ne3A_597 : i32
            %and3A_599 = arith.andi %ne3A_595, %ne3A_598 : i1
            %sub3A_600 = arith.constant 1 : i32
            %sub3A_601 = arith.subi %div3A_580, %sub3A_600 : i32
            %select_n3A_602 = arith.select %and3A_599, %sub3A_601, %div3A_580 : i32
            %broadcast_in_dim3A_603 = vector.broadcast %select_n3A_602 : i32 to vector<16xi32>
            %jit3A_604 = arith.constant 8 : i32
            %eq3A = arith.constant 0 : i32
            %eq3A_605 = arith.cmpi eq, %jit3A_604, %eq3A : i32
            %jit3A_606 = arith.constant 1 : i32
            %select_n3A_607 = arith.select %eq3A_605, %jit3A_606, %jit3A_604 : i32
            %rem3A_608 = arith.remsi %add3A_575, %select_n3A_607 : i32
            %ne3A_609 = arith.constant 0 : i32
            %ne3A_610 = arith.cmpi ne, %rem3A_608, %ne3A_609 : i32
            %lt3A = arith.constant 0 : i32
            %lt3A_611 = arith.cmpi slt, %rem3A_608, %lt3A : i32
            %lt3A_612 = arith.constant 0 : i32
            %lt3A_613 = arith.cmpi slt, %select_n3A_607, %lt3A_612 : i32
            %ne3A_614 = arith.xori %lt3A_611, %lt3A_613 : i1
            %and3A_615 = arith.andi %ne3A_614, %ne3A_610 : i1
            %add3A_616 = arith.addi %rem3A_608, %select_n3A_607 : i32
            %select_n3A_617 = arith.select %and3A_615, %add3A_616, %rem3A_608 : i32
            %broadcast_in_dim3A_618 = vector.broadcast %select_n3A_617 : i32 to vector<16xi32>
            %get3A_619 = arith.index_cast %add3A_578 : i32 to index
            %get3A_620 = arith.constant 0 : index
            %get3A_621 = tpu.vector_load %arg15[%get3A_619, %get3A_620] {strides = array<i32>} : memref<128x16xi32, #tpu.memory_space<vmem>>, vector<16xi32>,
            %lt3A_622 = arith.constant 1024 : i32
            %lt3A_623 = vector.broadcast %lt3A_622 : i32 to vector<16xi32>
            %lt3A_624 = arith.cmpi slt, %get3A_621, %lt3A_623 : vector<16xi32>
            %min3A = arith.constant 1023 : i32
            %min3A_625 = vector.broadcast %min3A : i32 to vector<16xi32>
            %min3A_626 = arith.minsi %get3A_621, %min3A_625 : vector<16xi32>
            %shift_right_arithmetic3A = arith.constant 7 : i32
            %shift_right_arithmetic3A_627 = vector.broadcast %shift_right_arithmetic3A : i32 to vector<16xi32>
            %shift_right_arithmetic3A_628 = arith.shrsi %min3A_626, %shift_right_arithmetic3A_627 : vector<16xi32>
            %and3A_629 = arith.constant 127 : i32
            %and3A_630 = vector.broadcast %and3A_629 : i32 to vector<16xi32>
            %and3A_631 = arith.andi %min3A_626, %and3A_630 : vector<16xi32>
            tpu.vector_store_idx %arg32[%broadcast_in_dim3A_603, %shift_right_arithmetic3A_628, %broadcast_in_dim3A_618, %and3A_631], %broadcast_in_dim3A_5 masked %lt3A_624 : memref<2x8x8x128xi32, #tpu.memory_space<vmem>>[vector<16xi32>, vector<16xi32>, vector<16xi32>, vector<16xi32>], vector<16xi32>, vector<16xi1>
            %get3A_632 = arith.index_cast %add3A_578 : i32 to index
            %get3A_633 = arith.constant 0 : index
            %get3A_634 = tpu.vector_load %arg16[%get3A_632, %get3A_633] {strides = array<i32>} : memref<128x16xi32, #tpu.memory_space<vmem>>, vector<16xi32>,
            %lt3A_635 = arith.constant 1024 : i32
            %lt3A_636 = vector.broadcast %lt3A_635 : i32 to vector<16xi32>
            %lt3A_637 = arith.cmpi slt, %get3A_634, %lt3A_636 : vector<16xi32>
            %min3A_638 = arith.constant 1023 : i32
            %min3A_639 = vector.broadcast %min3A_638 : i32 to vector<16xi32>
            %min3A_640 = arith.minsi %get3A_634, %min3A_639 : vector<16xi32>
            %shift_right_arithmetic3A_641 = arith.constant 7 : i32
            %shift_right_arithmetic3A_642 = vector.broadcast %shift_right_arithmetic3A_641 : i32 to vector<16xi32>
            %shift_right_arithmetic3A_643 = arith.shrsi %min3A_640, %shift_right_arithmetic3A_642 : vector<16xi32>
            %and3A_644 = arith.constant 127 : i32
            %and3A_645 = vector.broadcast %and3A_644 : i32 to vector<16xi32>
            %and3A_646 = arith.andi %min3A_640, %and3A_645 : vector<16xi32>
            tpu.vector_store_idx %arg32[%broadcast_in_dim3A_603, %shift_right_arithmetic3A_643, %broadcast_in_dim3A_618, %and3A_646], %broadcast_in_dim3A_5 masked %lt3A_637 : memref<2x8x8x128xi32, #tpu.memory_space<vmem>>[vector<16xi32>, vector<16xi32>, vector<16xi32>, vector<16xi32>], vector<16xi32>, vector<16xi1>
            %get3A_647 = arith.index_cast %add3A_578 : i32 to index
            %get3A_648 = arith.constant 0 : index
            %get3A_649 = tpu.vector_load %arg17[%get3A_647, %get3A_648] {strides = array<i32>} : memref<128x16xi32, #tpu.memory_space<vmem>>, vector<16xi32>,
            %lt3A_650 = arith.constant 1024 : i32
            %lt3A_651 = vector.broadcast %lt3A_650 : i32 to vector<16xi32>
            %lt3A_652 = arith.cmpi slt, %get3A_649, %lt3A_651 : vector<16xi32>
            %min3A_653 = arith.constant 1023 : i32
            %min3A_654 = vector.broadcast %min3A_653 : i32 to vector<16xi32>
            %min3A_655 = arith.minsi %get3A_649, %min3A_654 : vector<16xi32>
            %shift_right_arithmetic3A_656 = arith.constant 7 : i32
            %shift_right_arithmetic3A_657 = vector.broadcast %shift_right_arithmetic3A_656 : i32 to vector<16xi32>
            %shift_right_arithmetic3A_658 = arith.shrsi %min3A_655, %shift_right_arithmetic3A_657 : vector<16xi32>
            %and3A_659 = arith.constant 127 : i32
            %and3A_660 = vector.broadcast %and3A_659 : i32 to vector<16xi32>
            %and3A_661 = arith.andi %min3A_655, %and3A_660 : vector<16xi32>
            tpu.vector_store_idx %arg32[%broadcast_in_dim3A_603, %shift_right_arithmetic3A_658, %broadcast_in_dim3A_618, %and3A_661], %broadcast_in_dim3A_5 masked %lt3A_652 : memref<2x8x8x128xi32, #tpu.memory_space<vmem>>[vector<16xi32>, vector<16xi32>, vector<16xi32>, vector<16xi32>], vector<16xi32>, vector<16xi1>
            %get3A_662 = arith.index_cast %add3A_578 : i32 to index
            %get3A_663 = arith.constant 0 : index
            %get3A_664 = tpu.vector_load %arg18[%get3A_662, %get3A_663] {strides = array<i32>} : memref<128x16xi32, #tpu.memory_space<vmem>>, vector<16xi32>,
            %lt3A_665 = arith.constant 1024 : i32
            %lt3A_666 = vector.broadcast %lt3A_665 : i32 to vector<16xi32>
            %lt3A_667 = arith.cmpi slt, %get3A_664, %lt3A_666 : vector<16xi32>
            %min3A_668 = arith.constant 1023 : i32
            %min3A_669 = vector.broadcast %min3A_668 : i32 to vector<16xi32>
            %min3A_670 = arith.minsi %get3A_664, %min3A_669 : vector<16xi32>
            %shift_right_arithmetic3A_671 = arith.constant 7 : i32
            %shift_right_arithmetic3A_672 = vector.broadcast %shift_right_arithmetic3A_671 : i32 to vector<16xi32>
            %shift_right_arithmetic3A_673 = arith.shrsi %min3A_670, %shift_right_arithmetic3A_672 : vector<16xi32>
            %and3A_674 = arith.constant 127 : i32
            %and3A_675 = vector.broadcast %and3A_674 : i32 to vector<16xi32>
            %and3A_676 = arith.andi %min3A_670, %and3A_675 : vector<16xi32>
            tpu.vector_store_idx %arg32[%broadcast_in_dim3A_603, %shift_right_arithmetic3A_673, %broadcast_in_dim3A_618, %and3A_676], %broadcast_in_dim3A_5 masked %lt3A_667 : memref<2x8x8x128xi32, #tpu.memory_space<vmem>>[vector<16xi32>, vector<16xi32>, vector<16xi32>, vector<16xi32>], vector<16xi32>, vector<16xi1>
          }
          %scan3A_570 = arith.constant 16 : i32
        } else {
        }
        %scan3A_468 = arith.constant 0 : i32
        %scan3A_469 = arith.constant 16 : i32
        %scan3A_470 = arith.addi %scan3A_468, %scan3A_469 : i32
        %scan3A_471 = arith.constant 1 : i32
        scf.for %scan3A_540 = %scan3A_468 to %scan3A_470 step %scan3A_471  : i32 {
          %mul3A_541 = arith.constant 1 : i32
          %mul3A_542 = arith.muli %scan3A_540, %mul3A_541 : i32
          %add3A_543 = arith.constant 0 : i32
          %add3A_544 = arith.addi %add3A_543, %mul3A_542 : i32
          %mul3A_545 = arith.constant 16 : i32
          %mul3A_546 = arith.muli %add3A_462, %mul3A_545 : i32
          %add3A_547 = arith.addi %mul3A_546, %add3A_544 : i32
          %jit3A_548 = arith.constant 8 : i32
          %div3A_549 = arith.divsi %add3A_544, %jit3A_548 : i32
          %sign3A_550 = arith.constant 0 : i32
          %sign3A_551 = arith.cmpi sgt, %add3A_544, %sign3A_550 : i32
          %sign3A_552 = arith.extui %sign3A_551 : i1 to i32
          %sign3A_553 = arith.constant 0 : i32
          %sign3A_554 = arith.cmpi slt, %add3A_544, %sign3A_553 : i32
          %sign3A_555 = arith.extui %sign3A_554 : i1 to i32
          %sign3A_556 = arith.subi %sign3A_552, %sign3A_555 : i32
          %sign3A_557 = arith.constant 0 : i32
          %sign3A_558 = arith.cmpi sgt, %jit3A_548, %sign3A_557 : i32
          %sign3A_559 = arith.extui %sign3A_558 : i1 to i32
          %sign3A_560 = arith.constant 0 : i32
          %sign3A_561 = arith.cmpi slt, %jit3A_548, %sign3A_560 : i32
          %sign3A_562 = arith.extui %sign3A_561 : i1 to i32
          %sign3A_563 = arith.subi %sign3A_559, %sign3A_562 : i32
          %ne3A_564 = arith.cmpi ne, %sign3A_556, %sign3A_563 : i32
          %rem3A_565 = arith.remsi %add3A_544, %jit3A_548 : i32
          %ne3A_566 = arith.constant 0 : i32
          %ne3A_567 = arith.cmpi ne, %rem3A_565, %ne3A_566 : i32
          %and3A_568 = arith.andi %ne3A_564, %ne3A_567 : i1
          %sub3A_569 = arith.constant 1 : i32
          %sub3A_570 = arith.subi %div3A_549, %sub3A_569 : i32
          %select_n3A_571 = arith.select %and3A_568, %sub3A_570, %div3A_549 : i32
          %jit3A_572 = arith.constant 8 : i32
          %eq3A = arith.constant 0 : i32
          %eq3A_573 = arith.cmpi eq, %jit3A_572, %eq3A : i32
          %jit3A_574 = arith.constant 1 : i32
          %select_n3A_575 = arith.select %eq3A_573, %jit3A_574, %jit3A_572 : i32
          %rem3A_576 = arith.remsi %add3A_544, %select_n3A_575 : i32
          %ne3A_577 = arith.constant 0 : i32
          %ne3A_578 = arith.cmpi ne, %rem3A_576, %ne3A_577 : i32
          %lt3A = arith.constant 0 : i32
          %lt3A_579 = arith.cmpi slt, %rem3A_576, %lt3A : i32
          %lt3A_580 = arith.constant 0 : i32
          %lt3A_581 = arith.cmpi slt, %select_n3A_575, %lt3A_580 : i32
          %ne3A_582 = arith.xori %lt3A_579, %lt3A_581 : i1
          %and3A_583 = arith.andi %ne3A_582, %ne3A_578 : i1
          %add3A_584 = arith.addi %rem3A_576, %select_n3A_575 : i32
          %select_n3A_585 = arith.select %and3A_583, %add3A_584, %rem3A_576 : i32
          %broadcast_in_dim3A_586 = vector.broadcast %select_n3A_571 : i32 to vector<16xi32>
          %broadcast_in_dim3A_587 = vector.broadcast %select_n3A_585 : i32 to vector<16xi32>
          %add3A_588 = arith.constant 384 : i32
          %add3A_589 = arith.addi %add3A_588, %add3A_547 : i32
          %broadcast_in_dim3A_590 = vector.broadcast %add3A_589 : i32 to vector<16xi32>
          %gather3A = tpu.vector_load_idx %arg27[%broadcast_in_dim3A_590] : memref<512xf32, #tpu.memory_space<vmem>>[vector<16xi32>], vector<16xf32>,
          %add3A_591 = arith.addf %gather3A, %get3A_328 : vector<16xf32>
          %swap3A_592 = arith.constant 0 : i32
          %swap3A_593 = arith.index_cast %select_n3A_571 : i32 to index
          %swap3A_594 = arith.index_cast %swap3A_592 : i32 to index
          %swap3A_595 = arith.index_cast %select_n3A_585 : i32 to index
          %swap3A_596 = arith.constant 0 : index
          %swap3A_597 = tpu.vector_load %arg30[%swap3A_593, %swap3A_594, %swap3A_595, %swap3A_596] {strides = array<i32>} : memref<2x8x8x128xf32, #tpu.memory_space<vmem>>, vector<16xf32>,
          tpu.vector_store %arg30[%swap3A_593, %swap3A_594, %swap3A_595, %swap3A_596], %add3A_591 {strides = array<i32>} : memref<2x8x8x128xf32, #tpu.memory_space<vmem>>, vector<16xf32>,
          %swap3A_598 = arith.constant 0 : i32
          %swap3A_599 = arith.index_cast %select_n3A_571 : i32 to index
          %swap3A_600 = arith.index_cast %swap3A_598 : i32 to index
          %swap3A_601 = arith.index_cast %select_n3A_585 : i32 to index
          %swap3A_602 = arith.constant 16 : index
          %swap3A_603 = tpu.vector_load %arg30[%swap3A_599, %swap3A_600, %swap3A_601, %swap3A_602] {strides = array<i32>} : memref<2x8x8x128xf32, #tpu.memory_space<vmem>>, vector<16xf32>,
          tpu.vector_store %arg30[%swap3A_599, %swap3A_600, %swap3A_601, %swap3A_602], %add3A_591 {strides = array<i32>} : memref<2x8x8x128xf32, #tpu.memory_space<vmem>>, vector<16xf32>,
          %swap3A_604 = arith.constant 0 : i32
          %swap3A_605 = arith.index_cast %select_n3A_571 : i32 to index
          %swap3A_606 = arith.index_cast %swap3A_604 : i32 to index
          %swap3A_607 = arith.index_cast %select_n3A_585 : i32 to index
          %swap3A_608 = arith.constant 32 : index
          %swap3A_609 = tpu.vector_load %arg30[%swap3A_605, %swap3A_606, %swap3A_607, %swap3A_608] {strides = array<i32>} : memref<2x8x8x128xf32, #tpu.memory_space<vmem>>, vector<16xf32>,
          tpu.vector_store %arg30[%swap3A_605, %swap3A_606, %swap3A_607, %swap3A_608], %add3A_591 {strides = array<i32>} : memref<2x8x8x128xf32, #tpu.memory_space<vmem>>, vector<16xf32>,
          %swap3A_610 = arith.constant 0 : i32
          %swap3A_611 = arith.index_cast %select_n3A_571 : i32 to index
          %swap3A_612 = arith.index_cast %swap3A_610 : i32 to index
          %swap3A_613 = arith.index_cast %select_n3A_585 : i32 to index
          %swap3A_614 = arith.constant 48 : index
          %swap3A_615 = tpu.vector_load %arg30[%swap3A_611, %swap3A_612, %swap3A_613, %swap3A_614] {strides = array<i32>} : memref<2x8x8x128xf32, #tpu.memory_space<vmem>>, vector<16xf32>,
          tpu.vector_store %arg30[%swap3A_611, %swap3A_612, %swap3A_613, %swap3A_614], %add3A_591 {strides = array<i32>} : memref<2x8x8x128xf32, #tpu.memory_space<vmem>>, vector<16xf32>,
          %swap3A_616 = arith.constant 0 : i32
          %swap3A_617 = arith.index_cast %select_n3A_571 : i32 to index
          %swap3A_618 = arith.index_cast %swap3A_616 : i32 to index
          %swap3A_619 = arith.index_cast %select_n3A_585 : i32 to index
          %swap3A_620 = arith.constant 64 : index
          %swap3A_621 = tpu.vector_load %arg30[%swap3A_617, %swap3A_618, %swap3A_619, %swap3A_620] {strides = array<i32>} : memref<2x8x8x128xf32, #tpu.memory_space<vmem>>, vector<16xf32>,
          tpu.vector_store %arg30[%swap3A_617, %swap3A_618, %swap3A_619, %swap3A_620], %add3A_591 {strides = array<i32>} : memref<2x8x8x128xf32, #tpu.memory_space<vmem>>, vector<16xf32>,
          %swap3A_622 = arith.constant 0 : i32
          %swap3A_623 = arith.index_cast %select_n3A_571 : i32 to index
          %swap3A_624 = arith.index_cast %swap3A_622 : i32 to index
          %swap3A_625 = arith.index_cast %select_n3A_585 : i32 to index
          %swap3A_626 = arith.constant 80 : index
          %swap3A_627 = tpu.vector_load %arg30[%swap3A_623, %swap3A_624, %swap3A_625, %swap3A_626] {strides = array<i32>} : memref<2x8x8x128xf32, #tpu.memory_space<vmem>>, vector<16xf32>,
          tpu.vector_store %arg30[%swap3A_623, %swap3A_624, %swap3A_625, %swap3A_626], %add3A_591 {strides = array<i32>} : memref<2x8x8x128xf32, #tpu.memory_space<vmem>>, vector<16xf32>,
          %swap3A_628 = arith.constant 0 : i32
          %swap3A_629 = arith.index_cast %select_n3A_571 : i32 to index
          %swap3A_630 = arith.index_cast %swap3A_628 : i32 to index
          %swap3A_631 = arith.index_cast %select_n3A_585 : i32 to index
          %swap3A_632 = arith.constant 96 : index
          %swap3A_633 = tpu.vector_load %arg30[%swap3A_629, %swap3A_630, %swap3A_631, %swap3A_632] {strides = array<i32>} : memref<2x8x8x128xf32, #tpu.memory_space<vmem>>, vector<16xf32>,
          tpu.vector_store %arg30[%swap3A_629, %swap3A_630, %swap3A_631, %swap3A_632], %add3A_591 {strides = array<i32>} : memref<2x8x8x128xf32, #tpu.memory_space<vmem>>, vector<16xf32>,
          %swap3A_634 = arith.constant 0 : i32
          %swap3A_635 = arith.index_cast %select_n3A_571 : i32 to index
          %swap3A_636 = arith.index_cast %swap3A_634 : i32 to index
          %swap3A_637 = arith.index_cast %select_n3A_585 : i32 to index
          %swap3A_638 = arith.constant 112 : index
          %swap3A_639 = tpu.vector_load %arg30[%swap3A_635, %swap3A_636, %swap3A_637, %swap3A_638] {strides = array<i32>} : memref<2x8x8x128xf32, #tpu.memory_space<vmem>>, vector<16xf32>,
          tpu.vector_store %arg30[%swap3A_635, %swap3A_636, %swap3A_637, %swap3A_638], %add3A_591 {strides = array<i32>} : memref<2x8x8x128xf32, #tpu.memory_space<vmem>>, vector<16xf32>,
          %swap3A_640 = arith.constant 1 : i32
          %swap3A_641 = arith.index_cast %select_n3A_571 : i32 to index
          %swap3A_642 = arith.index_cast %swap3A_640 : i32 to index
          %swap3A_643 = arith.index_cast %select_n3A_585 : i32 to index
          %swap3A_644 = arith.constant 0 : index
          %swap3A_645 = tpu.vector_load %arg30[%swap3A_641, %swap3A_642, %swap3A_643, %swap3A_644] {strides = array<i32>} : memref<2x8x8x128xf32, #tpu.memory_space<vmem>>, vector<16xf32>,
          tpu.vector_store %arg30[%swap3A_641, %swap3A_642, %swap3A_643, %swap3A_644], %add3A_591 {strides = array<i32>} : memref<2x8x8x128xf32, #tpu.memory_space<vmem>>, vector<16xf32>,
          %swap3A_646 = arith.constant 1 : i32
          %swap3A_647 = arith.index_cast %select_n3A_571 : i32 to index
          %swap3A_648 = arith.index_cast %swap3A_646 : i32 to index
          %swap3A_649 = arith.index_cast %select_n3A_585 : i32 to index
          %swap3A_650 = arith.constant 16 : index
          %swap3A_651 = tpu.vector_load %arg30[%swap3A_647, %swap3A_648, %swap3A_649, %swap3A_650] {strides = array<i32>} : memref<2x8x8x128xf32, #tpu.memory_space<vmem>>, vector<16xf32>,
          tpu.vector_store %arg30[%swap3A_647, %swap3A_648, %swap3A_649, %swap3A_650], %add3A_591 {strides = array<i32>} : memref<2x8x8x128xf32, #tpu.memory_space<vmem>>, vector<16xf32>,
          %swap3A_652 = arith.constant 1 : i32
          %swap3A_653 = arith.index_cast %select_n3A_571 : i32 to index
          %swap3A_654 = arith.index_cast %swap3A_652 : i32 to index
          %swap3A_655 = arith.index_cast %select_n3A_585 : i32 to index
          %swap3A_656 = arith.constant 32 : index
          %swap3A_657 = tpu.vector_load %arg30[%swap3A_653, %swap3A_654, %swap3A_655, %swap3A_656] {strides = array<i32>} : memref<2x8x8x128xf32, #tpu.memory_space<vmem>>, vector<16xf32>,
          tpu.vector_store %arg30[%swap3A_653, %swap3A_654, %swap3A_655, %swap3A_656], %add3A_591 {strides = array<i32>} : memref<2x8x8x128xf32, #tpu.memory_space<vmem>>, vector<16xf32>,
          %swap3A_658 = arith.constant 1 : i32
          %swap3A_659 = arith.index_cast %select_n3A_571 : i32 to index
          %swap3A_660 = arith.index_cast %swap3A_658 : i32 to index
          %swap3A_661 = arith.index_cast %select_n3A_585 : i32 to index
          %swap3A_662 = arith.constant 48 : index
          %swap3A_663 = tpu.vector_load %arg30[%swap3A_659, %swap3A_660, %swap3A_661, %swap3A_662] {strides = array<i32>} : memref<2x8x8x128xf32, #tpu.memory_space<vmem>>, vector<16xf32>,
          tpu.vector_store %arg30[%swap3A_659, %swap3A_660, %swap3A_661, %swap3A_662], %add3A_591 {strides = array<i32>} : memref<2x8x8x128xf32, #tpu.memory_space<vmem>>, vector<16xf32>,
          %swap3A_664 = arith.constant 1 : i32
          %swap3A_665 = arith.index_cast %select_n3A_571 : i32 to index
          %swap3A_666 = arith.index_cast %swap3A_664 : i32 to index
          %swap3A_667 = arith.index_cast %select_n3A_585 : i32 to index
          %swap3A_668 = arith.constant 64 : index
          %swap3A_669 = tpu.vector_load %arg30[%swap3A_665, %swap3A_666, %swap3A_667, %swap3A_668] {strides = array<i32>} : memref<2x8x8x128xf32, #tpu.memory_space<vmem>>, vector<16xf32>,
          tpu.vector_store %arg30[%swap3A_665, %swap3A_666, %swap3A_667, %swap3A_668], %add3A_591 {strides = array<i32>} : memref<2x8x8x128xf32, #tpu.memory_space<vmem>>, vector<16xf32>,
          %swap3A_670 = arith.constant 1 : i32
          %swap3A_671 = arith.index_cast %select_n3A_571 : i32 to index
          %swap3A_672 = arith.index_cast %swap3A_670 : i32 to index
          %swap3A_673 = arith.index_cast %select_n3A_585 : i32 to index
          %swap3A_674 = arith.constant 80 : index
          %swap3A_675 = tpu.vector_load %arg30[%swap3A_671, %swap3A_672, %swap3A_673, %swap3A_674] {strides = array<i32>} : memref<2x8x8x128xf32, #tpu.memory_space<vmem>>, vector<16xf32>,
          tpu.vector_store %arg30[%swap3A_671, %swap3A_672, %swap3A_673, %swap3A_674], %add3A_591 {strides = array<i32>} : memref<2x8x8x128xf32, #tpu.memory_space<vmem>>, vector<16xf32>,
          %swap3A_676 = arith.constant 1 : i32
          %swap3A_677 = arith.index_cast %select_n3A_571 : i32 to index
          %swap3A_678 = arith.index_cast %swap3A_676 : i32 to index
          %swap3A_679 = arith.index_cast %select_n3A_585 : i32 to index
          %swap3A_680 = arith.constant 96 : index
          %swap3A_681 = tpu.vector_load %arg30[%swap3A_677, %swap3A_678, %swap3A_679, %swap3A_680] {strides = array<i32>} : memref<2x8x8x128xf32, #tpu.memory_space<vmem>>, vector<16xf32>,
          tpu.vector_store %arg30[%swap3A_677, %swap3A_678, %swap3A_679, %swap3A_680], %add3A_591 {strides = array<i32>} : memref<2x8x8x128xf32, #tpu.memory_space<vmem>>, vector<16xf32>,
          %swap3A_682 = arith.constant 1 : i32
          %swap3A_683 = arith.index_cast %select_n3A_571 : i32 to index
          %swap3A_684 = arith.index_cast %swap3A_682 : i32 to index
          %swap3A_685 = arith.index_cast %select_n3A_585 : i32 to index
          %swap3A_686 = arith.constant 112 : index
          %swap3A_687 = tpu.vector_load %arg30[%swap3A_683, %swap3A_684, %swap3A_685, %swap3A_686] {strides = array<i32>} : memref<2x8x8x128xf32, #tpu.memory_space<vmem>>, vector<16xf32>,
          tpu.vector_store %arg30[%swap3A_683, %swap3A_684, %swap3A_685, %swap3A_686], %add3A_591 {strides = array<i32>} : memref<2x8x8x128xf32, #tpu.memory_space<vmem>>, vector<16xf32>,
          %swap3A_688 = arith.constant 2 : i32
          %swap3A_689 = arith.index_cast %select_n3A_571 : i32 to index
          %swap3A_690 = arith.index_cast %swap3A_688 : i32 to index
          %swap3A_691 = arith.index_cast %select_n3A_585 : i32 to index
          %swap3A_692 = arith.constant 0 : index
          %swap3A_693 = tpu.vector_load %arg30[%swap3A_689, %swap3A_690, %swap3A_691, %swap3A_692] {strides = array<i32>} : memref<2x8x8x128xf32, #tpu.memory_space<vmem>>, vector<16xf32>,
          tpu.vector_store %arg30[%swap3A_689, %swap3A_690, %swap3A_691, %swap3A_692], %add3A_591 {strides = array<i32>} : memref<2x8x8x128xf32, #tpu.memory_space<vmem>>, vector<16xf32>,
          %swap3A_694 = arith.constant 2 : i32
          %swap3A_695 = arith.index_cast %select_n3A_571 : i32 to index
          %swap3A_696 = arith.index_cast %swap3A_694 : i32 to index
          %swap3A_697 = arith.index_cast %select_n3A_585 : i32 to index
          %swap3A_698 = arith.constant 16 : index
          %swap3A_699 = tpu.vector_load %arg30[%swap3A_695, %swap3A_696, %swap3A_697, %swap3A_698] {strides = array<i32>} : memref<2x8x8x128xf32, #tpu.memory_space<vmem>>, vector<16xf32>,
          tpu.vector_store %arg30[%swap3A_695, %swap3A_696, %swap3A_697, %swap3A_698], %add3A_591 {strides = array<i32>} : memref<2x8x8x128xf32, #tpu.memory_space<vmem>>, vector<16xf32>,
          %swap3A_700 = arith.constant 2 : i32
          %swap3A_701 = arith.index_cast %select_n3A_571 : i32 to index
          %swap3A_702 = arith.index_cast %swap3A_700 : i32 to index
          %swap3A_703 = arith.index_cast %select_n3A_585 : i32 to index
          %swap3A_704 = arith.constant 32 : index
          %swap3A_705 = tpu.vector_load %arg30[%swap3A_701, %swap3A_702, %swap3A_703, %swap3A_704] {strides = array<i32>} : memref<2x8x8x128xf32, #tpu.memory_space<vmem>>, vector<16xf32>,
          tpu.vector_store %arg30[%swap3A_701, %swap3A_702, %swap3A_703, %swap3A_704], %add3A_591 {strides = array<i32>} : memref<2x8x8x128xf32, #tpu.memory_space<vmem>>, vector<16xf32>,
          %swap3A_706 = arith.constant 2 : i32
          %swap3A_707 = arith.index_cast %select_n3A_571 : i32 to index
          %swap3A_708 = arith.index_cast %swap3A_706 : i32 to index
          %swap3A_709 = arith.index_cast %select_n3A_585 : i32 to index
          %swap3A_710 = arith.constant 48 : index
          %swap3A_711 = tpu.vector_load %arg30[%swap3A_707, %swap3A_708, %swap3A_709, %swap3A_710] {strides = array<i32>} : memref<2x8x8x128xf32, #tpu.memory_space<vmem>>, vector<16xf32>,
          tpu.vector_store %arg30[%swap3A_707, %swap3A_708, %swap3A_709, %swap3A_710], %add3A_591 {strides = array<i32>} : memref<2x8x8x128xf32, #tpu.memory_space<vmem>>, vector<16xf32>,
          %swap3A_712 = arith.constant 2 : i32
          %swap3A_713 = arith.index_cast %select_n3A_571 : i32 to index
          %swap3A_714 = arith.index_cast %swap3A_712 : i32 to index
          %swap3A_715 = arith.index_cast %select_n3A_585 : i32 to index
          %swap3A_716 = arith.constant 64 : index
          %swap3A_717 = tpu.vector_load %arg30[%swap3A_713, %swap3A_714, %swap3A_715, %swap3A_716] {strides = array<i32>} : memref<2x8x8x128xf32, #tpu.memory_space<vmem>>, vector<16xf32>,
          tpu.vector_store %arg30[%swap3A_713, %swap3A_714, %swap3A_715, %swap3A_716], %add3A_591 {strides = array<i32>} : memref<2x8x8x128xf32, #tpu.memory_space<vmem>>, vector<16xf32>,
          %swap3A_718 = arith.constant 2 : i32
          %swap3A_719 = arith.index_cast %select_n3A_571 : i32 to index
          %swap3A_720 = arith.index_cast %swap3A_718 : i32 to index
          %swap3A_721 = arith.index_cast %select_n3A_585 : i32 to index
          %swap3A_722 = arith.constant 80 : index
          %swap3A_723 = tpu.vector_load %arg30[%swap3A_719, %swap3A_720, %swap3A_721, %swap3A_722] {strides = array<i32>} : memref<2x8x8x128xf32, #tpu.memory_space<vmem>>, vector<16xf32>,
          tpu.vector_store %arg30[%swap3A_719, %swap3A_720, %swap3A_721, %swap3A_722], %add3A_591 {strides = array<i32>} : memref<2x8x8x128xf32, #tpu.memory_space<vmem>>, vector<16xf32>,
          %swap3A_724 = arith.constant 2 : i32
          %swap3A_725 = arith.index_cast %select_n3A_571 : i32 to index
          %swap3A_726 = arith.index_cast %swap3A_724 : i32 to index
          %swap3A_727 = arith.index_cast %select_n3A_585 : i32 to index
          %swap3A_728 = arith.constant 96 : index
          %swap3A_729 = tpu.vector_load %arg30[%swap3A_725, %swap3A_726, %swap3A_727, %swap3A_728] {strides = array<i32>} : memref<2x8x8x128xf32, #tpu.memory_space<vmem>>, vector<16xf32>,
          tpu.vector_store %arg30[%swap3A_725, %swap3A_726, %swap3A_727, %swap3A_728], %add3A_591 {strides = array<i32>} : memref<2x8x8x128xf32, #tpu.memory_space<vmem>>, vector<16xf32>,
          %swap3A_730 = arith.constant 2 : i32
          %swap3A_731 = arith.index_cast %select_n3A_571 : i32 to index
          %swap3A_732 = arith.index_cast %swap3A_730 : i32 to index
          %swap3A_733 = arith.index_cast %select_n3A_585 : i32 to index
          %swap3A_734 = arith.constant 112 : index
          %swap3A_735 = tpu.vector_load %arg30[%swap3A_731, %swap3A_732, %swap3A_733, %swap3A_734] {strides = array<i32>} : memref<2x8x8x128xf32, #tpu.memory_space<vmem>>, vector<16xf32>,
          tpu.vector_store %arg30[%swap3A_731, %swap3A_732, %swap3A_733, %swap3A_734], %add3A_591 {strides = array<i32>} : memref<2x8x8x128xf32, #tpu.memory_space<vmem>>, vector<16xf32>,
          %swap3A_736 = arith.constant 3 : i32
          %swap3A_737 = arith.index_cast %select_n3A_571 : i32 to index
          %swap3A_738 = arith.index_cast %swap3A_736 : i32 to index
          %swap3A_739 = arith.index_cast %select_n3A_585 : i32 to index
          %swap3A_740 = arith.constant 0 : index
          %swap3A_741 = tpu.vector_load %arg30[%swap3A_737, %swap3A_738, %swap3A_739, %swap3A_740] {strides = array<i32>} : memref<2x8x8x128xf32, #tpu.memory_space<vmem>>, vector<16xf32>,
          tpu.vector_store %arg30[%swap3A_737, %swap3A_738, %swap3A_739, %swap3A_740], %add3A_591 {strides = array<i32>} : memref<2x8x8x128xf32, #tpu.memory_space<vmem>>, vector<16xf32>,
          %swap3A_742 = arith.constant 3 : i32
          %swap3A_743 = arith.index_cast %select_n3A_571 : i32 to index
          %swap3A_744 = arith.index_cast %swap3A_742 : i32 to index
          %swap3A_745 = arith.index_cast %select_n3A_585 : i32 to index
          %swap3A_746 = arith.constant 16 : index
          %swap3A_747 = tpu.vector_load %arg30[%swap3A_743, %swap3A_744, %swap3A_745, %swap3A_746] {strides = array<i32>} : memref<2x8x8x128xf32, #tpu.memory_space<vmem>>, vector<16xf32>,
          tpu.vector_store %arg30[%swap3A_743, %swap3A_744, %swap3A_745, %swap3A_746], %add3A_591 {strides = array<i32>} : memref<2x8x8x128xf32, #tpu.memory_space<vmem>>, vector<16xf32>,
          %swap3A_748 = arith.constant 3 : i32
          %swap3A_749 = arith.index_cast %select_n3A_571 : i32 to index
          %swap3A_750 = arith.index_cast %swap3A_748 : i32 to index
          %swap3A_751 = arith.index_cast %select_n3A_585 : i32 to index
          %swap3A_752 = arith.constant 32 : index
          %swap3A_753 = tpu.vector_load %arg30[%swap3A_749, %swap3A_750, %swap3A_751, %swap3A_752] {strides = array<i32>} : memref<2x8x8x128xf32, #tpu.memory_space<vmem>>, vector<16xf32>,
          tpu.vector_store %arg30[%swap3A_749, %swap3A_750, %swap3A_751, %swap3A_752], %add3A_591 {strides = array<i32>} : memref<2x8x8x128xf32, #tpu.memory_space<vmem>>, vector<16xf32>,
          %swap3A_754 = arith.constant 3 : i32
          %swap3A_755 = arith.index_cast %select_n3A_571 : i32 to index
          %swap3A_756 = arith.index_cast %swap3A_754 : i32 to index
          %swap3A_757 = arith.index_cast %select_n3A_585 : i32 to index
          %swap3A_758 = arith.constant 48 : index
          %swap3A_759 = tpu.vector_load %arg30[%swap3A_755, %swap3A_756, %swap3A_757, %swap3A_758] {strides = array<i32>} : memref<2x8x8x128xf32, #tpu.memory_space<vmem>>, vector<16xf32>,
          tpu.vector_store %arg30[%swap3A_755, %swap3A_756, %swap3A_757, %swap3A_758], %add3A_591 {strides = array<i32>} : memref<2x8x8x128xf32, #tpu.memory_space<vmem>>, vector<16xf32>,
          %swap3A_760 = arith.constant 3 : i32
          %swap3A_761 = arith.index_cast %select_n3A_571 : i32 to index
          %swap3A_762 = arith.index_cast %swap3A_760 : i32 to index
          %swap3A_763 = arith.index_cast %select_n3A_585 : i32 to index
          %swap3A_764 = arith.constant 64 : index
          %swap3A_765 = tpu.vector_load %arg30[%swap3A_761, %swap3A_762, %swap3A_763, %swap3A_764] {strides = array<i32>} : memref<2x8x8x128xf32, #tpu.memory_space<vmem>>, vector<16xf32>,
          tpu.vector_store %arg30[%swap3A_761, %swap3A_762, %swap3A_763, %swap3A_764], %add3A_591 {strides = array<i32>} : memref<2x8x8x128xf32, #tpu.memory_space<vmem>>, vector<16xf32>,
          %swap3A_766 = arith.constant 3 : i32
          %swap3A_767 = arith.index_cast %select_n3A_571 : i32 to index
          %swap3A_768 = arith.index_cast %swap3A_766 : i32 to index
          %swap3A_769 = arith.index_cast %select_n3A_585 : i32 to index
          %swap3A_770 = arith.constant 80 : index
          %swap3A_771 = tpu.vector_load %arg30[%swap3A_767, %swap3A_768, %swap3A_769, %swap3A_770] {strides = array<i32>} : memref<2x8x8x128xf32, #tpu.memory_space<vmem>>, vector<16xf32>,
          tpu.vector_store %arg30[%swap3A_767, %swap3A_768, %swap3A_769, %swap3A_770], %add3A_591 {strides = array<i32>} : memref<2x8x8x128xf32, #tpu.memory_space<vmem>>, vector<16xf32>,
          %swap3A_772 = arith.constant 3 : i32
          %swap3A_773 = arith.index_cast %select_n3A_571 : i32 to index
          %swap3A_774 = arith.index_cast %swap3A_772 : i32 to index
          %swap3A_775 = arith.index_cast %select_n3A_585 : i32 to index
          %swap3A_776 = arith.constant 96 : index
          %swap3A_777 = tpu.vector_load %arg30[%swap3A_773, %swap3A_774, %swap3A_775, %swap3A_776] {strides = array<i32>} : memref<2x8x8x128xf32, #tpu.memory_space<vmem>>, vector<16xf32>,
          tpu.vector_store %arg30[%swap3A_773, %swap3A_774, %swap3A_775, %swap3A_776], %add3A_591 {strides = array<i32>} : memref<2x8x8x128xf32, #tpu.memory_space<vmem>>, vector<16xf32>,
          %swap3A_778 = arith.constant 3 : i32
          %swap3A_779 = arith.index_cast %select_n3A_571 : i32 to index
          %swap3A_780 = arith.index_cast %swap3A_778 : i32 to index
          %swap3A_781 = arith.index_cast %select_n3A_585 : i32 to index
          %swap3A_782 = arith.constant 112 : index
          %swap3A_783 = tpu.vector_load %arg30[%swap3A_779, %swap3A_780, %swap3A_781, %swap3A_782] {strides = array<i32>} : memref<2x8x8x128xf32, #tpu.memory_space<vmem>>, vector<16xf32>,
          tpu.vector_store %arg30[%swap3A_779, %swap3A_780, %swap3A_781, %swap3A_782], %add3A_591 {strides = array<i32>} : memref<2x8x8x128xf32, #tpu.memory_space<vmem>>, vector<16xf32>,
          %swap3A_784 = arith.constant 4 : i32
          %swap3A_785 = arith.index_cast %select_n3A_571 : i32 to index
          %swap3A_786 = arith.index_cast %swap3A_784 : i32 to index
          %swap3A_787 = arith.index_cast %select_n3A_585 : i32 to index
          %swap3A_788 = arith.constant 0 : index
          %swap3A_789 = tpu.vector_load %arg30[%swap3A_785, %swap3A_786, %swap3A_787, %swap3A_788] {strides = array<i32>} : memref<2x8x8x128xf32, #tpu.memory_space<vmem>>, vector<16xf32>,
          tpu.vector_store %arg30[%swap3A_785, %swap3A_786, %swap3A_787, %swap3A_788], %add3A_591 {strides = array<i32>} : memref<2x8x8x128xf32, #tpu.memory_space<vmem>>, vector<16xf32>,
          %swap3A_790 = arith.constant 4 : i32
          %swap3A_791 = arith.index_cast %select_n3A_571 : i32 to index
          %swap3A_792 = arith.index_cast %swap3A_790 : i32 to index
          %swap3A_793 = arith.index_cast %select_n3A_585 : i32 to index
          %swap3A_794 = arith.constant 16 : index
          %swap3A_795 = tpu.vector_load %arg30[%swap3A_791, %swap3A_792, %swap3A_793, %swap3A_794] {strides = array<i32>} : memref<2x8x8x128xf32, #tpu.memory_space<vmem>>, vector<16xf32>,
          tpu.vector_store %arg30[%swap3A_791, %swap3A_792, %swap3A_793, %swap3A_794], %add3A_591 {strides = array<i32>} : memref<2x8x8x128xf32, #tpu.memory_space<vmem>>, vector<16xf32>,
          %swap3A_796 = arith.constant 4 : i32
          %swap3A_797 = arith.index_cast %select_n3A_571 : i32 to index
          %swap3A_798 = arith.index_cast %swap3A_796 : i32 to index
          %swap3A_799 = arith.index_cast %select_n3A_585 : i32 to index
          %swap3A_800 = arith.constant 32 : index
          %swap3A_801 = tpu.vector_load %arg30[%swap3A_797, %swap3A_798, %swap3A_799, %swap3A_800] {strides = array<i32>} : memref<2x8x8x128xf32, #tpu.memory_space<vmem>>, vector<16xf32>,
          tpu.vector_store %arg30[%swap3A_797, %swap3A_798, %swap3A_799, %swap3A_800], %add3A_591 {strides = array<i32>} : memref<2x8x8x128xf32, #tpu.memory_space<vmem>>, vector<16xf32>,
          %swap3A_802 = arith.constant 4 : i32
          %swap3A_803 = arith.index_cast %select_n3A_571 : i32 to index
          %swap3A_804 = arith.index_cast %swap3A_802 : i32 to index
          %swap3A_805 = arith.index_cast %select_n3A_585 : i32 to index
          %swap3A_806 = arith.constant 48 : index
          %swap3A_807 = tpu.vector_load %arg30[%swap3A_803, %swap3A_804, %swap3A_805, %swap3A_806] {strides = array<i32>} : memref<2x8x8x128xf32, #tpu.memory_space<vmem>>, vector<16xf32>,
          tpu.vector_store %arg30[%swap3A_803, %swap3A_804, %swap3A_805, %swap3A_806], %add3A_591 {strides = array<i32>} : memref<2x8x8x128xf32, #tpu.memory_space<vmem>>, vector<16xf32>,
          %swap3A_808 = arith.constant 4 : i32
          %swap3A_809 = arith.index_cast %select_n3A_571 : i32 to index
          %swap3A_810 = arith.index_cast %swap3A_808 : i32 to index
          %swap3A_811 = arith.index_cast %select_n3A_585 : i32 to index
          %swap3A_812 = arith.constant 64 : index
          %swap3A_813 = tpu.vector_load %arg30[%swap3A_809, %swap3A_810, %swap3A_811, %swap3A_812] {strides = array<i32>} : memref<2x8x8x128xf32, #tpu.memory_space<vmem>>, vector<16xf32>,
          tpu.vector_store %arg30[%swap3A_809, %swap3A_810, %swap3A_811, %swap3A_812], %add3A_591 {strides = array<i32>} : memref<2x8x8x128xf32, #tpu.memory_space<vmem>>, vector<16xf32>,
          %swap3A_814 = arith.constant 4 : i32
          %swap3A_815 = arith.index_cast %select_n3A_571 : i32 to index
          %swap3A_816 = arith.index_cast %swap3A_814 : i32 to index
          %swap3A_817 = arith.index_cast %select_n3A_585 : i32 to index
          %swap3A_818 = arith.constant 80 : index
          %swap3A_819 = tpu.vector_load %arg30[%swap3A_815, %swap3A_816, %swap3A_817, %swap3A_818] {strides = array<i32>} : memref<2x8x8x128xf32, #tpu.memory_space<vmem>>, vector<16xf32>,
          tpu.vector_store %arg30[%swap3A_815, %swap3A_816, %swap3A_817, %swap3A_818], %add3A_591 {strides = array<i32>} : memref<2x8x8x128xf32, #tpu.memory_space<vmem>>, vector<16xf32>,
          %swap3A_820 = arith.constant 4 : i32
          %swap3A_821 = arith.index_cast %select_n3A_571 : i32 to index
          %swap3A_822 = arith.index_cast %swap3A_820 : i32 to index
          %swap3A_823 = arith.index_cast %select_n3A_585 : i32 to index
          %swap3A_824 = arith.constant 96 : index
          %swap3A_825 = tpu.vector_load %arg30[%swap3A_821, %swap3A_822, %swap3A_823, %swap3A_824] {strides = array<i32>} : memref<2x8x8x128xf32, #tpu.memory_space<vmem>>, vector<16xf32>,
          tpu.vector_store %arg30[%swap3A_821, %swap3A_822, %swap3A_823, %swap3A_824], %add3A_591 {strides = array<i32>} : memref<2x8x8x128xf32, #tpu.memory_space<vmem>>, vector<16xf32>,
          %swap3A_826 = arith.constant 4 : i32
          %swap3A_827 = arith.index_cast %select_n3A_571 : i32 to index
          %swap3A_828 = arith.index_cast %swap3A_826 : i32 to index
          %swap3A_829 = arith.index_cast %select_n3A_585 : i32 to index
          %swap3A_830 = arith.constant 112 : index
          %swap3A_831 = tpu.vector_load %arg30[%swap3A_827, %swap3A_828, %swap3A_829, %swap3A_830] {strides = array<i32>} : memref<2x8x8x128xf32, #tpu.memory_space<vmem>>, vector<16xf32>,
          tpu.vector_store %arg30[%swap3A_827, %swap3A_828, %swap3A_829, %swap3A_830], %add3A_591 {strides = array<i32>} : memref<2x8x8x128xf32, #tpu.memory_space<vmem>>, vector<16xf32>,
          %swap3A_832 = arith.constant 5 : i32
          %swap3A_833 = arith.index_cast %select_n3A_571 : i32 to index
          %swap3A_834 = arith.index_cast %swap3A_832 : i32 to index
          %swap3A_835 = arith.index_cast %select_n3A_585 : i32 to index
          %swap3A_836 = arith.constant 0 : index
          %swap3A_837 = tpu.vector_load %arg30[%swap3A_833, %swap3A_834, %swap3A_835, %swap3A_836] {strides = array<i32>} : memref<2x8x8x128xf32, #tpu.memory_space<vmem>>, vector<16xf32>,
          tpu.vector_store %arg30[%swap3A_833, %swap3A_834, %swap3A_835, %swap3A_836], %add3A_591 {strides = array<i32>} : memref<2x8x8x128xf32, #tpu.memory_space<vmem>>, vector<16xf32>,
          %swap3A_838 = arith.constant 5 : i32
          %swap3A_839 = arith.index_cast %select_n3A_571 : i32 to index
          %swap3A_840 = arith.index_cast %swap3A_838 : i32 to index
          %swap3A_841 = arith.index_cast %select_n3A_585 : i32 to index
          %swap3A_842 = arith.constant 16 : index
          %swap3A_843 = tpu.vector_load %arg30[%swap3A_839, %swap3A_840, %swap3A_841, %swap3A_842] {strides = array<i32>} : memref<2x8x8x128xf32, #tpu.memory_space<vmem>>, vector<16xf32>,
          tpu.vector_store %arg30[%swap3A_839, %swap3A_840, %swap3A_841, %swap3A_842], %add3A_591 {strides = array<i32>} : memref<2x8x8x128xf32, #tpu.memory_space<vmem>>, vector<16xf32>,
          %swap3A_844 = arith.constant 5 : i32
          %swap3A_845 = arith.index_cast %select_n3A_571 : i32 to index
          %swap3A_846 = arith.index_cast %swap3A_844 : i32 to index
          %swap3A_847 = arith.index_cast %select_n3A_585 : i32 to index
          %swap3A_848 = arith.constant 32 : index
          %swap3A_849 = tpu.vector_load %arg30[%swap3A_845, %swap3A_846, %swap3A_847, %swap3A_848] {strides = array<i32>} : memref<2x8x8x128xf32, #tpu.memory_space<vmem>>, vector<16xf32>,
          tpu.vector_store %arg30[%swap3A_845, %swap3A_846, %swap3A_847, %swap3A_848], %add3A_591 {strides = array<i32>} : memref<2x8x8x128xf32, #tpu.memory_space<vmem>>, vector<16xf32>,
          %swap3A_850 = arith.constant 5 : i32
          %swap3A_851 = arith.index_cast %select_n3A_571 : i32 to index
          %swap3A_852 = arith.index_cast %swap3A_850 : i32 to index
          %swap3A_853 = arith.index_cast %select_n3A_585 : i32 to index
          %swap3A_854 = arith.constant 48 : index
          %swap3A_855 = tpu.vector_load %arg30[%swap3A_851, %swap3A_852, %swap3A_853, %swap3A_854] {strides = array<i32>} : memref<2x8x8x128xf32, #tpu.memory_space<vmem>>, vector<16xf32>,
          tpu.vector_store %arg30[%swap3A_851, %swap3A_852, %swap3A_853, %swap3A_854], %add3A_591 {strides = array<i32>} : memref<2x8x8x128xf32, #tpu.memory_space<vmem>>, vector<16xf32>,
          %swap3A_856 = arith.constant 5 : i32
          %swap3A_857 = arith.index_cast %select_n3A_571 : i32 to index
          %swap3A_858 = arith.index_cast %swap3A_856 : i32 to index
          %swap3A_859 = arith.index_cast %select_n3A_585 : i32 to index
          %swap3A_860 = arith.constant 64 : index
          %swap3A_861 = tpu.vector_load %arg30[%swap3A_857, %swap3A_858, %swap3A_859, %swap3A_860] {strides = array<i32>} : memref<2x8x8x128xf32, #tpu.memory_space<vmem>>, vector<16xf32>,
          tpu.vector_store %arg30[%swap3A_857, %swap3A_858, %swap3A_859, %swap3A_860], %add3A_591 {strides = array<i32>} : memref<2x8x8x128xf32, #tpu.memory_space<vmem>>, vector<16xf32>,
          %swap3A_862 = arith.constant 5 : i32
          %swap3A_863 = arith.index_cast %select_n3A_571 : i32 to index
          %swap3A_864 = arith.index_cast %swap3A_862 : i32 to index
          %swap3A_865 = arith.index_cast %select_n3A_585 : i32 to index
          %swap3A_866 = arith.constant 80 : index
          %swap3A_867 = tpu.vector_load %arg30[%swap3A_863, %swap3A_864, %swap3A_865, %swap3A_866] {strides = array<i32>} : memref<2x8x8x128xf32, #tpu.memory_space<vmem>>, vector<16xf32>,
          tpu.vector_store %arg30[%swap3A_863, %swap3A_864, %swap3A_865, %swap3A_866], %add3A_591 {strides = array<i32>} : memref<2x8x8x128xf32, #tpu.memory_space<vmem>>, vector<16xf32>,
          %swap3A_868 = arith.constant 5 : i32
          %swap3A_869 = arith.index_cast %select_n3A_571 : i32 to index
          %swap3A_870 = arith.index_cast %swap3A_868 : i32 to index
          %swap3A_871 = arith.index_cast %select_n3A_585 : i32 to index
          %swap3A_872 = arith.constant 96 : index
          %swap3A_873 = tpu.vector_load %arg30[%swap3A_869, %swap3A_870, %swap3A_871, %swap3A_872] {strides = array<i32>} : memref<2x8x8x128xf32, #tpu.memory_space<vmem>>, vector<16xf32>,
          tpu.vector_store %arg30[%swap3A_869, %swap3A_870, %swap3A_871, %swap3A_872], %add3A_591 {strides = array<i32>} : memref<2x8x8x128xf32, #tpu.memory_space<vmem>>, vector<16xf32>,
          %swap3A_874 = arith.constant 5 : i32
          %swap3A_875 = arith.index_cast %select_n3A_571 : i32 to index
          %swap3A_876 = arith.index_cast %swap3A_874 : i32 to index
          %swap3A_877 = arith.index_cast %select_n3A_585 : i32 to index
          %swap3A_878 = arith.constant 112 : index
          %swap3A_879 = tpu.vector_load %arg30[%swap3A_875, %swap3A_876, %swap3A_877, %swap3A_878] {strides = array<i32>} : memref<2x8x8x128xf32, #tpu.memory_space<vmem>>, vector<16xf32>,
          tpu.vector_store %arg30[%swap3A_875, %swap3A_876, %swap3A_877, %swap3A_878], %add3A_591 {strides = array<i32>} : memref<2x8x8x128xf32, #tpu.memory_space<vmem>>, vector<16xf32>,
          %swap3A_880 = arith.constant 6 : i32
          %swap3A_881 = arith.index_cast %select_n3A_571 : i32 to index
          %swap3A_882 = arith.index_cast %swap3A_880 : i32 to index
          %swap3A_883 = arith.index_cast %select_n3A_585 : i32 to index
          %swap3A_884 = arith.constant 0 : index
          %swap3A_885 = tpu.vector_load %arg30[%swap3A_881, %swap3A_882, %swap3A_883, %swap3A_884] {strides = array<i32>} : memref<2x8x8x128xf32, #tpu.memory_space<vmem>>, vector<16xf32>,
          tpu.vector_store %arg30[%swap3A_881, %swap3A_882, %swap3A_883, %swap3A_884], %add3A_591 {strides = array<i32>} : memref<2x8x8x128xf32, #tpu.memory_space<vmem>>, vector<16xf32>,
          %swap3A_886 = arith.constant 6 : i32
          %swap3A_887 = arith.index_cast %select_n3A_571 : i32 to index
          %swap3A_888 = arith.index_cast %swap3A_886 : i32 to index
          %swap3A_889 = arith.index_cast %select_n3A_585 : i32 to index
          %swap3A_890 = arith.constant 16 : index
          %swap3A_891 = tpu.vector_load %arg30[%swap3A_887, %swap3A_888, %swap3A_889, %swap3A_890] {strides = array<i32>} : memref<2x8x8x128xf32, #tpu.memory_space<vmem>>, vector<16xf32>,
          tpu.vector_store %arg30[%swap3A_887, %swap3A_888, %swap3A_889, %swap3A_890], %add3A_591 {strides = array<i32>} : memref<2x8x8x128xf32, #tpu.memory_space<vmem>>, vector<16xf32>,
          %swap3A_892 = arith.constant 6 : i32
          %swap3A_893 = arith.index_cast %select_n3A_571 : i32 to index
          %swap3A_894 = arith.index_cast %swap3A_892 : i32 to index
          %swap3A_895 = arith.index_cast %select_n3A_585 : i32 to index
          %swap3A_896 = arith.constant 32 : index
          %swap3A_897 = tpu.vector_load %arg30[%swap3A_893, %swap3A_894, %swap3A_895, %swap3A_896] {strides = array<i32>} : memref<2x8x8x128xf32, #tpu.memory_space<vmem>>, vector<16xf32>,
          tpu.vector_store %arg30[%swap3A_893, %swap3A_894, %swap3A_895, %swap3A_896], %add3A_591 {strides = array<i32>} : memref<2x8x8x128xf32, #tpu.memory_space<vmem>>, vector<16xf32>,
          %swap3A_898 = arith.constant 6 : i32
          %swap3A_899 = arith.index_cast %select_n3A_571 : i32 to index
          %swap3A_900 = arith.index_cast %swap3A_898 : i32 to index
          %swap3A_901 = arith.index_cast %select_n3A_585 : i32 to index
          %swap3A_902 = arith.constant 48 : index
          %swap3A_903 = tpu.vector_load %arg30[%swap3A_899, %swap3A_900, %swap3A_901, %swap3A_902] {strides = array<i32>} : memref<2x8x8x128xf32, #tpu.memory_space<vmem>>, vector<16xf32>,
          tpu.vector_store %arg30[%swap3A_899, %swap3A_900, %swap3A_901, %swap3A_902], %add3A_591 {strides = array<i32>} : memref<2x8x8x128xf32, #tpu.memory_space<vmem>>, vector<16xf32>,
          %swap3A_904 = arith.constant 6 : i32
          %swap3A_905 = arith.index_cast %select_n3A_571 : i32 to index
          %swap3A_906 = arith.index_cast %swap3A_904 : i32 to index
          %swap3A_907 = arith.index_cast %select_n3A_585 : i32 to index
          %swap3A_908 = arith.constant 64 : index
          %swap3A_909 = tpu.vector_load %arg30[%swap3A_905, %swap3A_906, %swap3A_907, %swap3A_908] {strides = array<i32>} : memref<2x8x8x128xf32, #tpu.memory_space<vmem>>, vector<16xf32>,
          tpu.vector_store %arg30[%swap3A_905, %swap3A_906, %swap3A_907, %swap3A_908], %add3A_591 {strides = array<i32>} : memref<2x8x8x128xf32, #tpu.memory_space<vmem>>, vector<16xf32>,
          %swap3A_910 = arith.constant 6 : i32
          %swap3A_911 = arith.index_cast %select_n3A_571 : i32 to index
          %swap3A_912 = arith.index_cast %swap3A_910 : i32 to index
          %swap3A_913 = arith.index_cast %select_n3A_585 : i32 to index
          %swap3A_914 = arith.constant 80 : index
          %swap3A_915 = tpu.vector_load %arg30[%swap3A_911, %swap3A_912, %swap3A_913, %swap3A_914] {strides = array<i32>} : memref<2x8x8x128xf32, #tpu.memory_space<vmem>>, vector<16xf32>,
          tpu.vector_store %arg30[%swap3A_911, %swap3A_912, %swap3A_913, %swap3A_914], %add3A_591 {strides = array<i32>} : memref<2x8x8x128xf32, #tpu.memory_space<vmem>>, vector<16xf32>,
          %swap3A_916 = arith.constant 6 : i32
          %swap3A_917 = arith.index_cast %select_n3A_571 : i32 to index
          %swap3A_918 = arith.index_cast %swap3A_916 : i32 to index
          %swap3A_919 = arith.index_cast %select_n3A_585 : i32 to index
          %swap3A_920 = arith.constant 96 : index
          %swap3A_921 = tpu.vector_load %arg30[%swap3A_917, %swap3A_918, %swap3A_919, %swap3A_920] {strides = array<i32>} : memref<2x8x8x128xf32, #tpu.memory_space<vmem>>, vector<16xf32>,
          tpu.vector_store %arg30[%swap3A_917, %swap3A_918, %swap3A_919, %swap3A_920], %add3A_591 {strides = array<i32>} : memref<2x8x8x128xf32, #tpu.memory_space<vmem>>, vector<16xf32>,
          %swap3A_922 = arith.constant 6 : i32
          %swap3A_923 = arith.index_cast %select_n3A_571 : i32 to index
          %swap3A_924 = arith.index_cast %swap3A_922 : i32 to index
          %swap3A_925 = arith.index_cast %select_n3A_585 : i32 to index
          %swap3A_926 = arith.constant 112 : index
          %swap3A_927 = tpu.vector_load %arg30[%swap3A_923, %swap3A_924, %swap3A_925, %swap3A_926] {strides = array<i32>} : memref<2x8x8x128xf32, #tpu.memory_space<vmem>>, vector<16xf32>,
          tpu.vector_store %arg30[%swap3A_923, %swap3A_924, %swap3A_925, %swap3A_926], %add3A_591 {strides = array<i32>} : memref<2x8x8x128xf32, #tpu.memory_space<vmem>>, vector<16xf32>,
          %swap3A_928 = arith.constant 7 : i32
          %swap3A_929 = arith.index_cast %select_n3A_571 : i32 to index
          %swap3A_930 = arith.index_cast %swap3A_928 : i32 to index
          %swap3A_931 = arith.index_cast %select_n3A_585 : i32 to index
          %swap3A_932 = arith.constant 0 : index
          %swap3A_933 = tpu.vector_load %arg30[%swap3A_929, %swap3A_930, %swap3A_931, %swap3A_932] {strides = array<i32>} : memref<2x8x8x128xf32, #tpu.memory_space<vmem>>, vector<16xf32>,
          tpu.vector_store %arg30[%swap3A_929, %swap3A_930, %swap3A_931, %swap3A_932], %add3A_591 {strides = array<i32>} : memref<2x8x8x128xf32, #tpu.memory_space<vmem>>, vector<16xf32>,
          %swap3A_934 = arith.constant 7 : i32
          %swap3A_935 = arith.index_cast %select_n3A_571 : i32 to index
          %swap3A_936 = arith.index_cast %swap3A_934 : i32 to index
          %swap3A_937 = arith.index_cast %select_n3A_585 : i32 to index
          %swap3A_938 = arith.constant 16 : index
          %swap3A_939 = tpu.vector_load %arg30[%swap3A_935, %swap3A_936, %swap3A_937, %swap3A_938] {strides = array<i32>} : memref<2x8x8x128xf32, #tpu.memory_space<vmem>>, vector<16xf32>,
          tpu.vector_store %arg30[%swap3A_935, %swap3A_936, %swap3A_937, %swap3A_938], %add3A_591 {strides = array<i32>} : memref<2x8x8x128xf32, #tpu.memory_space<vmem>>, vector<16xf32>,
          %swap3A_940 = arith.constant 7 : i32
          %swap3A_941 = arith.index_cast %select_n3A_571 : i32 to index
          %swap3A_942 = arith.index_cast %swap3A_940 : i32 to index
          %swap3A_943 = arith.index_cast %select_n3A_585 : i32 to index
          %swap3A_944 = arith.constant 32 : index
          %swap3A_945 = tpu.vector_load %arg30[%swap3A_941, %swap3A_942, %swap3A_943, %swap3A_944] {strides = array<i32>} : memref<2x8x8x128xf32, #tpu.memory_space<vmem>>, vector<16xf32>,
          tpu.vector_store %arg30[%swap3A_941, %swap3A_942, %swap3A_943, %swap3A_944], %add3A_591 {strides = array<i32>} : memref<2x8x8x128xf32, #tpu.memory_space<vmem>>, vector<16xf32>,
          %swap3A_946 = arith.constant 7 : i32
          %swap3A_947 = arith.index_cast %select_n3A_571 : i32 to index
          %swap3A_948 = arith.index_cast %swap3A_946 : i32 to index
          %swap3A_949 = arith.index_cast %select_n3A_585 : i32 to index
          %swap3A_950 = arith.constant 48 : index
          %swap3A_951 = tpu.vector_load %arg30[%swap3A_947, %swap3A_948, %swap3A_949, %swap3A_950] {strides = array<i32>} : memref<2x8x8x128xf32, #tpu.memory_space<vmem>>, vector<16xf32>,
          tpu.vector_store %arg30[%swap3A_947, %swap3A_948, %swap3A_949, %swap3A_950], %add3A_591 {strides = array<i32>} : memref<2x8x8x128xf32, #tpu.memory_space<vmem>>, vector<16xf32>,
          %swap3A_952 = arith.constant 7 : i32
          %swap3A_953 = arith.index_cast %select_n3A_571 : i32 to index
          %swap3A_954 = arith.index_cast %swap3A_952 : i32 to index
          %swap3A_955 = arith.index_cast %select_n3A_585 : i32 to index
          %swap3A_956 = arith.constant 64 : index
          %swap3A_957 = tpu.vector_load %arg30[%swap3A_953, %swap3A_954, %swap3A_955, %swap3A_956] {strides = array<i32>} : memref<2x8x8x128xf32, #tpu.memory_space<vmem>>, vector<16xf32>,
          tpu.vector_store %arg30[%swap3A_953, %swap3A_954, %swap3A_955, %swap3A_956], %add3A_591 {strides = array<i32>} : memref<2x8x8x128xf32, #tpu.memory_space<vmem>>, vector<16xf32>,
          %swap3A_958 = arith.constant 7 : i32
          %swap3A_959 = arith.index_cast %select_n3A_571 : i32 to index
          %swap3A_960 = arith.index_cast %swap3A_958 : i32 to index
          %swap3A_961 = arith.index_cast %select_n3A_585 : i32 to index
          %swap3A_962 = arith.constant 80 : index
          %swap3A_963 = tpu.vector_load %arg30[%swap3A_959, %swap3A_960, %swap3A_961, %swap3A_962] {strides = array<i32>} : memref<2x8x8x128xf32, #tpu.memory_space<vmem>>, vector<16xf32>,
          tpu.vector_store %arg30[%swap3A_959, %swap3A_960, %swap3A_961, %swap3A_962], %add3A_591 {strides = array<i32>} : memref<2x8x8x128xf32, #tpu.memory_space<vmem>>, vector<16xf32>,
          %swap3A_964 = arith.constant 7 : i32
          %swap3A_965 = arith.index_cast %select_n3A_571 : i32 to index
          %swap3A_966 = arith.index_cast %swap3A_964 : i32 to index
          %swap3A_967 = arith.index_cast %select_n3A_585 : i32 to index
          %swap3A_968 = arith.constant 96 : index
          %swap3A_969 = tpu.vector_load %arg30[%swap3A_965, %swap3A_966, %swap3A_967, %swap3A_968] {strides = array<i32>} : memref<2x8x8x128xf32, #tpu.memory_space<vmem>>, vector<16xf32>,
          tpu.vector_store %arg30[%swap3A_965, %swap3A_966, %swap3A_967, %swap3A_968], %add3A_591 {strides = array<i32>} : memref<2x8x8x128xf32, #tpu.memory_space<vmem>>, vector<16xf32>,
          %swap3A_970 = arith.constant 7 : i32
          %swap3A_971 = arith.index_cast %select_n3A_571 : i32 to index
          %swap3A_972 = arith.index_cast %swap3A_970 : i32 to index
          %swap3A_973 = arith.index_cast %select_n3A_585 : i32 to index
          %swap3A_974 = arith.constant 112 : index
          %swap3A_975 = tpu.vector_load %arg30[%swap3A_971, %swap3A_972, %swap3A_973, %swap3A_974] {strides = array<i32>} : memref<2x8x8x128xf32, #tpu.memory_space<vmem>>, vector<16xf32>,
          tpu.vector_store %arg30[%swap3A_971, %swap3A_972, %swap3A_973, %swap3A_974], %add3A_591 {strides = array<i32>} : memref<2x8x8x128xf32, #tpu.memory_space<vmem>>, vector<16xf32>,
          %get3A_976 = arith.index_cast %add3A_547 : i32 to index
          %get3A_977 = arith.constant 0 : index
          %get3A_978 = tpu.vector_load %arg18[%get3A_976, %get3A_977] {strides = array<i32>} : memref<128x16xi32, #tpu.memory_space<vmem>>, vector<16xi32>,
          %get3A_979 = arith.index_cast %add3A_547 : i32 to index
          %get3A_980 = arith.constant 0 : index
          %get3A_981 = tpu.vector_load %arg22[%get3A_979, %get3A_980] {strides = array<i32>} : memref<128x16xf32, #tpu.memory_space<vmem>>, vector<16xf32>,
          %get3A_982 = arith.index_cast %add3A_547 : i32 to index
          %get3A_983 = arith.constant 0 : index
          %get3A_984 = tpu.vector_load %arg26[%get3A_982, %get3A_983] {strides = array<i32>} : memref<128x16xi32, #tpu.memory_space<vmem>>, vector<16xi32>,
          %add3A_985 = arith.constant 256 : i32
          %add3A_986 = arith.addi %add3A_985, %add3A_547 : i32
          %broadcast_in_dim3A_987 = vector.broadcast %add3A_986 : i32 to vector<16xi32>
          %gather3A_988 = tpu.vector_load_idx %arg27[%broadcast_in_dim3A_987] : memref<512xf32, #tpu.memory_space<vmem>>[vector<16xi32>], vector<16xf32>,
          %lt3A_989 = arith.constant 1024 : i32
          %lt3A_990 = vector.broadcast %lt3A_989 : i32 to vector<16xi32>
          %lt3A_991 = arith.cmpi slt, %get3A_978, %lt3A_990 : vector<16xi32>
          %min3A = arith.constant 1023 : i32
          %min3A_992 = vector.broadcast %min3A : i32 to vector<16xi32>
          %min3A_993 = arith.minsi %get3A_978, %min3A_992 : vector<16xi32>
          %shift_right_arithmetic3A = arith.constant 7 : i32
          %shift_right_arithmetic3A_994 = vector.broadcast %shift_right_arithmetic3A : i32 to vector<16xi32>
          %shift_right_arithmetic3A_995 = arith.shrsi %min3A_993, %shift_right_arithmetic3A_994 : vector<16xi32>
          %and3A_996 = arith.constant 127 : i32
          %and3A_997 = vector.broadcast %and3A_996 : i32 to vector<16xi32>
          %and3A_998 = arith.andi %min3A_993, %and3A_997 : vector<16xi32>
          %add3A_999 = arith.addf %gather3A_988, %get3A_981 : vector<16xf32>
          tpu.vector_store_idx %arg30[%broadcast_in_dim3A_586, %shift_right_arithmetic3A_995, %broadcast_in_dim3A_587, %and3A_998], %add3A_999 masked %lt3A_991 : memref<2x8x8x128xf32, #tpu.memory_space<vmem>>[vector<16xi32>, vector<16xi32>, vector<16xi32>, vector<16xi32>], vector<16xf32>, vector<16xi1>
          tpu.vector_store_idx %arg32[%broadcast_in_dim3A_586, %shift_right_arithmetic3A_995, %broadcast_in_dim3A_587, %and3A_998], %get3A_984 masked %lt3A_991 : memref<2x8x8x128xi32, #tpu.memory_space<vmem>>[vector<16xi32>, vector<16xi32>, vector<16xi32>, vector<16xi32>], vector<16xi32>, vector<16xi1>
          %get3A_1000 = arith.index_cast %add3A_547 : i32 to index
          %get3A_1001 = arith.constant 0 : index
          %get3A_1002 = tpu.vector_load %arg17[%get3A_1000, %get3A_1001] {strides = array<i32>} : memref<128x16xi32, #tpu.memory_space<vmem>>, vector<16xi32>,
          %get3A_1003 = arith.index_cast %add3A_547 : i32 to index
          %get3A_1004 = arith.constant 0 : index
          %get3A_1005 = tpu.vector_load %arg21[%get3A_1003, %get3A_1004] {strides = array<i32>} : memref<128x16xf32, #tpu.memory_space<vmem>>, vector<16xf32>,
          %get3A_1006 = arith.index_cast %add3A_547 : i32 to index
          %get3A_1007 = arith.constant 0 : index
          %get3A_1008 = tpu.vector_load %arg25[%get3A_1006, %get3A_1007] {strides = array<i32>} : memref<128x16xi32, #tpu.memory_space<vmem>>, vector<16xi32>,
          %add3A_1009 = arith.constant 128 : i32
          %add3A_1010 = arith.addi %add3A_1009, %add3A_547 : i32
          %broadcast_in_dim3A_1011 = vector.broadcast %add3A_1010 : i32 to vector<16xi32>
          %gather3A_1012 = tpu.vector_load_idx %arg27[%broadcast_in_dim3A_1011] : memref<512xf32, #tpu.memory_space<vmem>>[vector<16xi32>], vector<16xf32>,
          %lt3A_1013 = arith.constant 1024 : i32
          %lt3A_1014 = vector.broadcast %lt3A_1013 : i32 to vector<16xi32>
          %lt3A_1015 = arith.cmpi slt, %get3A_1002, %lt3A_1014 : vector<16xi32>
          %min3A_1016 = arith.constant 1023 : i32
          %min3A_1017 = vector.broadcast %min3A_1016 : i32 to vector<16xi32>
          %min3A_1018 = arith.minsi %get3A_1002, %min3A_1017 : vector<16xi32>
          %shift_right_arithmetic3A_1019 = arith.constant 7 : i32
          %shift_right_arithmetic3A_1020 = vector.broadcast %shift_right_arithmetic3A_1019 : i32 to vector<16xi32>
          %shift_right_arithmetic3A_1021 = arith.shrsi %min3A_1018, %shift_right_arithmetic3A_1020 : vector<16xi32>
          %and3A_1022 = arith.constant 127 : i32
          %and3A_1023 = vector.broadcast %and3A_1022 : i32 to vector<16xi32>
          %and3A_1024 = arith.andi %min3A_1018, %and3A_1023 : vector<16xi32>
          %add3A_1025 = arith.addf %gather3A_1012, %get3A_1005 : vector<16xf32>
          tpu.vector_store_idx %arg30[%broadcast_in_dim3A_586, %shift_right_arithmetic3A_1021, %broadcast_in_dim3A_587, %and3A_1024], %add3A_1025 masked %lt3A_1015 : memref<2x8x8x128xf32, #tpu.memory_space<vmem>>[vector<16xi32>, vector<16xi32>, vector<16xi32>, vector<16xi32>], vector<16xf32>, vector<16xi1>
          tpu.vector_store_idx %arg32[%broadcast_in_dim3A_586, %shift_right_arithmetic3A_1021, %broadcast_in_dim3A_587, %and3A_1024], %get3A_1008 masked %lt3A_1015 : memref<2x8x8x128xi32, #tpu.memory_space<vmem>>[vector<16xi32>, vector<16xi32>, vector<16xi32>, vector<16xi32>], vector<16xi32>, vector<16xi1>
          %get3A_1026 = arith.index_cast %add3A_547 : i32 to index
          %get3A_1027 = arith.constant 0 : index
          %get3A_1028 = tpu.vector_load %arg16[%get3A_1026, %get3A_1027] {strides = array<i32>} : memref<128x16xi32, #tpu.memory_space<vmem>>, vector<16xi32>,
          %get3A_1029 = arith.index_cast %add3A_547 : i32 to index
          %get3A_1030 = arith.constant 0 : index
          %get3A_1031 = tpu.vector_load %arg20[%get3A_1029, %get3A_1030] {strides = array<i32>} : memref<128x16xf32, #tpu.memory_space<vmem>>, vector<16xf32>,
          %get3A_1032 = arith.index_cast %add3A_547 : i32 to index
          %get3A_1033 = arith.constant 0 : index
          %get3A_1034 = tpu.vector_load %arg24[%get3A_1032, %get3A_1033] {strides = array<i32>} : memref<128x16xi32, #tpu.memory_space<vmem>>, vector<16xi32>,
          %add3A_1035 = arith.constant 0 : i32
          %add3A_1036 = arith.addi %add3A_1035, %add3A_547 : i32
          %broadcast_in_dim3A_1037 = vector.broadcast %add3A_1036 : i32 to vector<16xi32>
          %gather3A_1038 = tpu.vector_load_idx %arg27[%broadcast_in_dim3A_1037] : memref<512xf32, #tpu.memory_space<vmem>>[vector<16xi32>], vector<16xf32>,
          %lt3A_1039 = arith.constant 1024 : i32
          %lt3A_1040 = vector.broadcast %lt3A_1039 : i32 to vector<16xi32>
          %lt3A_1041 = arith.cmpi slt, %get3A_1028, %lt3A_1040 : vector<16xi32>
          %min3A_1042 = arith.constant 1023 : i32
          %min3A_1043 = vector.broadcast %min3A_1042 : i32 to vector<16xi32>
          %min3A_1044 = arith.minsi %get3A_1028, %min3A_1043 : vector<16xi32>
          %shift_right_arithmetic3A_1045 = arith.constant 7 : i32
          %shift_right_arithmetic3A_1046 = vector.broadcast %shift_right_arithmetic3A_1045 : i32 to vector<16xi32>
          %shift_right_arithmetic3A_1047 = arith.shrsi %min3A_1044, %shift_right_arithmetic3A_1046 : vector<16xi32>
          %and3A_1048 = arith.constant 127 : i32
          %and3A_1049 = vector.broadcast %and3A_1048 : i32 to vector<16xi32>
          %and3A_1050 = arith.andi %min3A_1044, %and3A_1049 : vector<16xi32>
          %add3A_1051 = arith.addf %gather3A_1038, %get3A_1031 : vector<16xf32>
          tpu.vector_store_idx %arg30[%broadcast_in_dim3A_586, %shift_right_arithmetic3A_1047, %broadcast_in_dim3A_587, %and3A_1050], %add3A_1051 masked %lt3A_1041 : memref<2x8x8x128xf32, #tpu.memory_space<vmem>>[vector<16xi32>, vector<16xi32>, vector<16xi32>, vector<16xi32>], vector<16xf32>, vector<16xi1>
          tpu.vector_store_idx %arg32[%broadcast_in_dim3A_586, %shift_right_arithmetic3A_1047, %broadcast_in_dim3A_587, %and3A_1050], %get3A_1034 masked %lt3A_1041 : memref<2x8x8x128xi32, #tpu.memory_space<vmem>>[vector<16xi32>, vector<16xi32>, vector<16xi32>, vector<16xi32>], vector<16xi32>, vector<16xi1>
          %get3A_1052 = arith.index_cast %add3A_547 : i32 to index
          %get3A_1053 = arith.constant 0 : index
          %get3A_1054 = tpu.vector_load %arg15[%get3A_1052, %get3A_1053] {strides = array<i32>} : memref<128x16xi32, #tpu.memory_space<vmem>>, vector<16xi32>,
          %get3A_1055 = arith.index_cast %add3A_547 : i32 to index
          %get3A_1056 = arith.constant 0 : index
          %get3A_1057 = tpu.vector_load %arg19[%get3A_1055, %get3A_1056] {strides = array<i32>} : memref<128x16xf32, #tpu.memory_space<vmem>>, vector<16xf32>,
          %get3A_1058 = arith.index_cast %add3A_547 : i32 to index
          %get3A_1059 = arith.constant 0 : index
          %get3A_1060 = tpu.vector_load %arg23[%get3A_1058, %get3A_1059] {strides = array<i32>} : memref<128x16xi32, #tpu.memory_space<vmem>>, vector<16xi32>,
          %lt3A_1061 = arith.constant 1024 : i32
          %lt3A_1062 = vector.broadcast %lt3A_1061 : i32 to vector<16xi32>
          %lt3A_1063 = arith.cmpi slt, %get3A_1054, %lt3A_1062 : vector<16xi32>
          %min3A_1064 = arith.constant 1023 : i32
          %min3A_1065 = vector.broadcast %min3A_1064 : i32 to vector<16xi32>
          %min3A_1066 = arith.minsi %get3A_1054, %min3A_1065 : vector<16xi32>
          %shift_right_arithmetic3A_1067 = arith.constant 7 : i32
          %shift_right_arithmetic3A_1068 = vector.broadcast %shift_right_arithmetic3A_1067 : i32 to vector<16xi32>
          %shift_right_arithmetic3A_1069 = arith.shrsi %min3A_1066, %shift_right_arithmetic3A_1068 : vector<16xi32>
          %and3A_1070 = arith.constant 127 : i32
          %and3A_1071 = vector.broadcast %and3A_1070 : i32 to vector<16xi32>
          %and3A_1072 = arith.andi %min3A_1066, %and3A_1071 : vector<16xi32>
          %add3A_1073 = arith.addf %broadcast_in_dim3A_3, %get3A_1057 : vector<16xf32>
          tpu.vector_store_idx %arg30[%broadcast_in_dim3A_586, %shift_right_arithmetic3A_1069, %broadcast_in_dim3A_587, %and3A_1072], %add3A_1073 masked %lt3A_1063 : memref<2x8x8x128xf32, #tpu.memory_space<vmem>>[vector<16xi32>, vector<16xi32>, vector<16xi32>, vector<16xi32>], vector<16xf32>, vector<16xi1>
          tpu.vector_store_idx %arg32[%broadcast_in_dim3A_586, %shift_right_arithmetic3A_1069, %broadcast_in_dim3A_587, %and3A_1072], %get3A_1060 masked %lt3A_1063 : memref<2x8x8x128xi32, #tpu.memory_space<vmem>>[vector<16xi32>, vector<16xi32>, vector<16xi32>, vector<16xi32>], vector<16xi32>, vector<16xi1>
        }
        %scan3A_472 = arith.constant 16 : i32
        %mul3A_473 = arith.constant 16 : i32
        %mul3A_474 = arith.muli %add3A_462, %mul3A_473 : i32
        %add3A_475 = arith.addi %add3A_22, %mul3A_474 : i32
        %jit3A_476 = arith.constant 8 : i32
        %div3A_477 = arith.divsi %add3A_475, %jit3A_476 : i32
        %sign3A_478 = arith.constant 0 : i32
        %sign3A_479 = arith.cmpi sgt, %add3A_475, %sign3A_478 : i32
        %sign3A_480 = arith.extui %sign3A_479 : i1 to i32
        %sign3A_481 = arith.constant 0 : i32
        %sign3A_482 = arith.cmpi slt, %add3A_475, %sign3A_481 : i32
        %sign3A_483 = arith.extui %sign3A_482 : i1 to i32
        %sign3A_484 = arith.subi %sign3A_480, %sign3A_483 : i32
        %sign3A_485 = arith.constant 0 : i32
        %sign3A_486 = arith.cmpi sgt, %jit3A_476, %sign3A_485 : i32
        %sign3A_487 = arith.extui %sign3A_486 : i1 to i32
        %sign3A_488 = arith.constant 0 : i32
        %sign3A_489 = arith.cmpi slt, %jit3A_476, %sign3A_488 : i32
        %sign3A_490 = arith.extui %sign3A_489 : i1 to i32
        %sign3A_491 = arith.subi %sign3A_487, %sign3A_490 : i32
        %ne3A_492 = arith.cmpi ne, %sign3A_484, %sign3A_491 : i32
        %rem3A_493 = arith.remsi %add3A_475, %jit3A_476 : i32
        %ne3A_494 = arith.constant 0 : i32
        %ne3A_495 = arith.cmpi ne, %rem3A_493, %ne3A_494 : i32
        %and3A_496 = arith.andi %ne3A_492, %ne3A_495 : i1
        %sub3A_497 = arith.constant 1 : i32
        %sub3A_498 = arith.subi %div3A_477, %sub3A_497 : i32
        %select_n3A_499 = arith.select %and3A_496, %sub3A_498, %div3A_477 : i32
        %dma_start3A_500 = arith.constant 0 : i32
        %dma_start3A_501 = arith.constant 0 : i32
        %dma_start3A_502 = arith.constant 0 : i32
        %dma_start3A_503 = tpu.memref_slice %arg9[%select_n3A_499, %dma_start3A_500, %dma_start3A_501, %dma_start3A_502] : memref<2048x8x8x128xf32, #tpu.memory_space<hbm>> -> memref<2x8x8x128xf32, #tpu.memory_space<hbm>>
        %dma_start3A_504 = arith.constant 0 : i32
        %dma_start3A_505 = arith.constant 0 : i32
        %dma_start3A_506 = arith.constant 0 : i32
        %dma_start3A_507 = tpu.memref_slice %arg9[%select_n3A_499, %dma_start3A_504, %dma_start3A_505, %dma_start3A_506] : memref<2048x8x8x128xf32, #tpu.memory_space<hbm>> -> memref<2x8x8x128xf32, #tpu.memory_space<hbm>>
        tpu.enqueue_dma source(%arg30 : memref<2x8x8x128xf32, #tpu.memory_space<vmem>>) target(%dma_start3A_507 : memref<2x8x8x128xf32, #tpu.memory_space<hbm>>) target_semaphore(%arg37 : memref<!tpu.dma_semaphore, #tpu.memory_space<semaphore_mem>>)
        %jit3A_508 = arith.constant 8 : i32
        %div3A_509 = arith.divsi %add3A_475, %jit3A_508 : i32
        %sign3A_510 = arith.constant 0 : i32
        %sign3A_511 = arith.cmpi sgt, %add3A_475, %sign3A_510 : i32
        %sign3A_512 = arith.extui %sign3A_511 : i1 to i32
        %sign3A_513 = arith.constant 0 : i32
        %sign3A_514 = arith.cmpi slt, %add3A_475, %sign3A_513 : i32
        %sign3A_515 = arith.extui %sign3A_514 : i1 to i32
        %sign3A_516 = arith.subi %sign3A_512, %sign3A_515 : i32
        %sign3A_517 = arith.constant 0 : i32
        %sign3A_518 = arith.cmpi sgt, %jit3A_508, %sign3A_517 : i32
        %sign3A_519 = arith.extui %sign3A_518 : i1 to i32
        %sign3A_520 = arith.constant 0 : i32
        %sign3A_521 = arith.cmpi slt, %jit3A_508, %sign3A_520 : i32
        %sign3A_522 = arith.extui %sign3A_521 : i1 to i32
        %sign3A_523 = arith.subi %sign3A_519, %sign3A_522 : i32
        %ne3A_524 = arith.cmpi ne, %sign3A_516, %sign3A_523 : i32
        %rem3A_525 = arith.remsi %add3A_475, %jit3A_508 : i32
        %ne3A_526 = arith.constant 0 : i32
        %ne3A_527 = arith.cmpi ne, %rem3A_525, %ne3A_526 : i32
        %and3A_528 = arith.andi %ne3A_524, %ne3A_527 : i1
        %sub3A_529 = arith.constant 1 : i32
        %sub3A_530 = arith.subi %div3A_509, %sub3A_529 : i32
        %select_n3A_531 = arith.select %and3A_528, %sub3A_530, %div3A_509 : i32
        %dma_start3A_532 = arith.constant 0 : i32
        %dma_start3A_533 = arith.constant 0 : i32
        %dma_start3A_534 = arith.constant 0 : i32
        %dma_start3A_535 = tpu.memref_slice %arg10[%select_n3A_531, %dma_start3A_532, %dma_start3A_533, %dma_start3A_534] : memref<2048x8x8x128xi32, #tpu.memory_space<hbm>> -> memref<2x8x8x128xi32, #tpu.memory_space<hbm>>
        %dma_start3A_536 = arith.constant 0 : i32
        %dma_start3A_537 = arith.constant 0 : i32
        %dma_start3A_538 = arith.constant 0 : i32
        %dma_start3A_539 = tpu.memref_slice %arg10[%select_n3A_531, %dma_start3A_536, %dma_start3A_537, %dma_start3A_538] : memref<2048x8x8x128xi32, #tpu.memory_space<hbm>> -> memref<2x8x8x128xi32, #tpu.memory_space<hbm>>
        tpu.enqueue_dma source(%arg32 : memref<2x8x8x128xi32, #tpu.memory_space<vmem>>) target(%dma_start3A_539 : memref<2x8x8x128xi32, #tpu.memory_space<hbm>>) target_semaphore(%arg37 : memref<!tpu.dma_semaphore, #tpu.memory_space<semaphore_mem>>)
      }
      %scan3A_333 = arith.constant 4 : i32
      %dma_wait3A_334 = arith.constant 0 : i32
      %dma_wait3A_335 = arith.constant 0 : i32
      %dma_wait3A_336 = arith.constant 0 : i32
      %dma_wait3A_337 = arith.constant 0 : i32
      %dma_wait3A_338 = tpu.memref_slice %arg9[%dma_wait3A_334, %dma_wait3A_335, %dma_wait3A_336, %dma_wait3A_337] : memref<2048x8x8x128xf32, #tpu.memory_space<hbm>> -> memref<2x8x8x128xf32, #tpu.memory_space<hbm>>
      %dma_wait3A_339 = arith.constant 0 : i32
      %dma_wait3A_340 = arith.constant 0 : i32
      %dma_wait3A_341 = arith.constant 0 : i32
      %dma_wait3A_342 = arith.constant 0 : i32
      %dma_wait3A_343 = tpu.memref_slice %arg9[%dma_wait3A_339, %dma_wait3A_340, %dma_wait3A_341, %dma_wait3A_342] : memref<2048x8x8x128xf32, #tpu.memory_space<hbm>> -> memref<2x8x8x128xf32, #tpu.memory_space<hbm>>
      tpu.wait_dma2 semaphore(%arg36 : memref<!tpu.dma_semaphore, #tpu.memory_space<semaphore_mem>>) src(%dma_wait3A_343 : memref<2x8x8x128xf32, #tpu.memory_space<hbm>>) dst(%arg29 : memref<2x8x8x128xf32, #tpu.memory_space<vmem>>)
      %dma_wait3A_344 = arith.constant 0 : i32
      %dma_wait3A_345 = arith.constant 0 : i32
      %dma_wait3A_346 = arith.constant 0 : i32
      %dma_wait3A_347 = arith.constant 0 : i32
      %dma_wait3A_348 = tpu.memref_slice %arg10[%dma_wait3A_344, %dma_wait3A_345, %dma_wait3A_346, %dma_wait3A_347] : memref<2048x8x8x128xi32, #tpu.memory_space<hbm>> -> memref<2x8x8x128xi32, #tpu.memory_space<hbm>>
      %dma_wait3A_349 = arith.constant 0 : i32
      %dma_wait3A_350 = arith.constant 0 : i32
      %dma_wait3A_351 = arith.constant 0 : i32
      %dma_wait3A_352 = arith.constant 0 : i32
      %dma_wait3A_353 = tpu.memref_slice %arg10[%dma_wait3A_349, %dma_wait3A_350, %dma_wait3A_351, %dma_wait3A_352] : memref<2048x8x8x128xi32, #tpu.memory_space<hbm>> -> memref<2x8x8x128xi32, #tpu.memory_space<hbm>>
      tpu.wait_dma2 semaphore(%arg36 : memref<!tpu.dma_semaphore, #tpu.memory_space<semaphore_mem>>) src(%dma_wait3A_353 : memref<2x8x8x128xi32, #tpu.memory_space<hbm>>) dst(%arg31 : memref<2x8x8x128xi32, #tpu.memory_space<vmem>>)
      %scan3A_354 = arith.constant 0 : i32
      %scan3A_355 = arith.constant 16 : i32
      %scan3A_356 = arith.addi %scan3A_354, %scan3A_355 : i32
      %scan3A_357 = arith.constant 1 : i32
      scf.for %scan3A_384 = %scan3A_354 to %scan3A_356 step %scan3A_357  : i32 {
        %mul3A_385 = arith.constant 1 : i32
        %mul3A_386 = arith.muli %scan3A_384, %mul3A_385 : i32
        %add3A_387 = arith.constant 0 : i32
        %add3A_388 = arith.addi %add3A_387, %mul3A_386 : i32
        %add3A_389 = arith.constant 96 : i32
        %add3A_390 = arith.addi %add3A_389, %add3A_388 : i32
        %jit3A = arith.constant 8 : i32
        %div3A = arith.divsi %add3A_388, %jit3A : i32
        %sign3A = arith.constant 0 : i32
        %sign3A_391 = arith.cmpi sgt, %add3A_388, %sign3A : i32
        %sign3A_392 = arith.extui %sign3A_391 : i1 to i32
        %sign3A_393 = arith.constant 0 : i32
        %sign3A_394 = arith.cmpi slt, %add3A_388, %sign3A_393 : i32
        %sign3A_395 = arith.extui %sign3A_394 : i1 to i32
        %sign3A_396 = arith.subi %sign3A_392, %sign3A_395 : i32
        %sign3A_397 = arith.constant 0 : i32
        %sign3A_398 = arith.cmpi sgt, %jit3A, %sign3A_397 : i32
        %sign3A_399 = arith.extui %sign3A_398 : i1 to i32
        %sign3A_400 = arith.constant 0 : i32
        %sign3A_401 = arith.cmpi slt, %jit3A, %sign3A_400 : i32
        %sign3A_402 = arith.extui %sign3A_401 : i1 to i32
        %sign3A_403 = arith.subi %sign3A_399, %sign3A_402 : i32
        %ne3A = arith.cmpi ne, %sign3A_396, %sign3A_403 : i32
        %rem3A = arith.remsi %add3A_388, %jit3A : i32
        %ne3A_404 = arith.constant 0 : i32
        %ne3A_405 = arith.cmpi ne, %rem3A, %ne3A_404 : i32
        %and3A = arith.andi %ne3A, %ne3A_405 : i1
        %sub3A = arith.constant 1 : i32
        %sub3A_406 = arith.subi %div3A, %sub3A : i32
        %select_n3A = arith.select %and3A, %sub3A_406, %div3A : i32
        %broadcast_in_dim3A_407 = vector.broadcast %select_n3A : i32 to vector<16xi32>
        %jit3A_408 = arith.constant 8 : i32
        %eq3A = arith.constant 0 : i32
        %eq3A_409 = arith.cmpi eq, %jit3A_408, %eq3A : i32
        %jit3A_410 = arith.constant 1 : i32
        %select_n3A_411 = arith.select %eq3A_409, %jit3A_410, %jit3A_408 : i32
        %rem3A_412 = arith.remsi %add3A_388, %select_n3A_411 : i32
        %ne3A_413 = arith.constant 0 : i32
        %ne3A_414 = arith.cmpi ne, %rem3A_412, %ne3A_413 : i32
        %lt3A = arith.constant 0 : i32
        %lt3A_415 = arith.cmpi slt, %rem3A_412, %lt3A : i32
        %lt3A_416 = arith.constant 0 : i32
        %lt3A_417 = arith.cmpi slt, %select_n3A_411, %lt3A_416 : i32
        %ne3A_418 = arith.xori %lt3A_415, %lt3A_417 : i1
        %and3A_419 = arith.andi %ne3A_418, %ne3A_414 : i1
        %add3A_420 = arith.addi %rem3A_412, %select_n3A_411 : i32
        %select_n3A_421 = arith.select %and3A_419, %add3A_420, %rem3A_412 : i32
        %broadcast_in_dim3A_422 = vector.broadcast %select_n3A_421 : i32 to vector<16xi32>
        %get3A_423 = arith.index_cast %add3A_390 : i32 to index
        %get3A_424 = arith.constant 0 : index
        %get3A_425 = tpu.vector_load %arg15[%get3A_423, %get3A_424] {strides = array<i32>} : memref<128x16xi32, #tpu.memory_space<vmem>>, vector<16xi32>,
        %lt3A_426 = arith.constant 1024 : i32
        %lt3A_427 = vector.broadcast %lt3A_426 : i32 to vector<16xi32>
        %lt3A_428 = arith.cmpi slt, %get3A_425, %lt3A_427 : vector<16xi32>
        %min3A = arith.constant 1023 : i32
        %min3A_429 = vector.broadcast %min3A : i32 to vector<16xi32>
        %min3A_430 = arith.minsi %get3A_425, %min3A_429 : vector<16xi32>
        %shift_right_arithmetic3A = arith.constant 7 : i32
        %shift_right_arithmetic3A_431 = vector.broadcast %shift_right_arithmetic3A : i32 to vector<16xi32>
        %shift_right_arithmetic3A_432 = arith.shrsi %min3A_430, %shift_right_arithmetic3A_431 : vector<16xi32>
        %and3A_433 = arith.constant 127 : i32
        %and3A_434 = vector.broadcast %and3A_433 : i32 to vector<16xi32>
        %and3A_435 = arith.andi %min3A_430, %and3A_434 : vector<16xi32>
        tpu.vector_store_idx %arg31[%broadcast_in_dim3A_407, %shift_right_arithmetic3A_432, %broadcast_in_dim3A_422, %and3A_435], %broadcast_in_dim3A_5 masked %lt3A_428 : memref<2x8x8x128xi32, #tpu.memory_space<vmem>>[vector<16xi32>, vector<16xi32>, vector<16xi32>, vector<16xi32>], vector<16xi32>, vector<16xi1>
        %get3A_436 = arith.index_cast %add3A_390 : i32 to index
        %get3A_437 = arith.constant 0 : index
        %get3A_438 = tpu.vector_load %arg16[%get3A_436, %get3A_437] {strides = array<i32>} : memref<128x16xi32, #tpu.memory_space<vmem>>, vector<16xi32>,
        %lt3A_439 = arith.constant 1024 : i32
        %lt3A_440 = vector.broadcast %lt3A_439 : i32 to vector<16xi32>
        %lt3A_441 = arith.cmpi slt, %get3A_438, %lt3A_440 : vector<16xi32>
        %min3A_442 = arith.constant 1023 : i32
        %min3A_443 = vector.broadcast %min3A_442 : i32 to vector<16xi32>
        %min3A_444 = arith.minsi %get3A_438, %min3A_443 : vector<16xi32>
        %shift_right_arithmetic3A_445 = arith.constant 7 : i32
        %shift_right_arithmetic3A_446 = vector.broadcast %shift_right_arithmetic3A_445 : i32 to vector<16xi32>
        %shift_right_arithmetic3A_447 = arith.shrsi %min3A_444, %shift_right_arithmetic3A_446 : vector<16xi32>
        %and3A_448 = arith.constant 127 : i32
        %and3A_449 = vector.broadcast %and3A_448 : i32 to vector<16xi32>
        %and3A_450 = arith.andi %min3A_444, %and3A_449 : vector<16xi32>
        tpu.vector_store_idx %arg31[%broadcast_in_dim3A_407, %shift_right_arithmetic3A_447, %broadcast_in_dim3A_422, %and3A_450], %broadcast_in_dim3A_5 masked %lt3A_441 : memref<2x8x8x128xi32, #tpu.memory_space<vmem>>[vector<16xi32>, vector<16xi32>, vector<16xi32>, vector<16xi32>], vector<16xi32>, vector<16xi1>
        %get3A_451 = arith.index_cast %add3A_390 : i32 to index
        %get3A_452 = arith.constant 0 : index
        %get3A_453 = tpu.vector_load %arg17[%get3A_451, %get3A_452] {strides = array<i32>} : memref<128x16xi32, #tpu.memory_space<vmem>>, vector<16xi32>,
        %lt3A_454 = arith.constant 1024 : i32
        %lt3A_455 = vector.broadcast %lt3A_454 : i32 to vector<16xi32>
        %lt3A_456 = arith.cmpi slt, %get3A_453, %lt3A_455 : vector<16xi32>
        %min3A_457 = arith.constant 1023 : i32
        %min3A_458 = vector.broadcast %min3A_457 : i32 to vector<16xi32>
        %min3A_459 = arith.minsi %get3A_453, %min3A_458 : vector<16xi32>
        %shift_right_arithmetic3A_460 = arith.constant 7 : i32
        %shift_right_arithmetic3A_461 = vector.broadcast %shift_right_arithmetic3A_460 : i32 to vector<16xi32>
        %shift_right_arithmetic3A_462 = arith.shrsi %min3A_459, %shift_right_arithmetic3A_461 : vector<16xi32>
        %and3A_463 = arith.constant 127 : i32
        %and3A_464 = vector.broadcast %and3A_463 : i32 to vector<16xi32>
        %and3A_465 = arith.andi %min3A_459, %and3A_464 : vector<16xi32>
        tpu.vector_store_idx %arg31[%broadcast_in_dim3A_407, %shift_right_arithmetic3A_462, %broadcast_in_dim3A_422, %and3A_465], %broadcast_in_dim3A_5 masked %lt3A_456 : memref<2x8x8x128xi32, #tpu.memory_space<vmem>>[vector<16xi32>, vector<16xi32>, vector<16xi32>, vector<16xi32>], vector<16xi32>, vector<16xi1>
        %get3A_466 = arith.index_cast %add3A_390 : i32 to index
        %get3A_467 = arith.constant 0 : index
        %get3A_468 = tpu.vector_load %arg18[%get3A_466, %get3A_467] {strides = array<i32>} : memref<128x16xi32, #tpu.memory_space<vmem>>, vector<16xi32>,
        %lt3A_469 = arith.constant 1024 : i32
        %lt3A_470 = vector.broadcast %lt3A_469 : i32 to vector<16xi32>
        %lt3A_471 = arith.cmpi slt, %get3A_468, %lt3A_470 : vector<16xi32>
        %min3A_472 = arith.constant 1023 : i32
        %min3A_473 = vector.broadcast %min3A_472 : i32 to vector<16xi32>
        %min3A_474 = arith.minsi %get3A_468, %min3A_473 : vector<16xi32>
        %shift_right_arithmetic3A_475 = arith.constant 7 : i32
        %shift_right_arithmetic3A_476 = vector.broadcast %shift_right_arithmetic3A_475 : i32 to vector<16xi32>
        %shift_right_arithmetic3A_477 = arith.shrsi %min3A_474, %shift_right_arithmetic3A_476 : vector<16xi32>
        %and3A_478 = arith.constant 127 : i32
        %and3A_479 = vector.broadcast %and3A_478 : i32 to vector<16xi32>
        %and3A_480 = arith.andi %min3A_474, %and3A_479 : vector<16xi32>
        tpu.vector_store_idx %arg31[%broadcast_in_dim3A_407, %shift_right_arithmetic3A_477, %broadcast_in_dim3A_422, %and3A_480], %broadcast_in_dim3A_5 masked %lt3A_471 : memref<2x8x8x128xi32, #tpu.memory_space<vmem>>[vector<16xi32>, vector<16xi32>, vector<16xi32>, vector<16xi32>], vector<16xi32>, vector<16xi1>
      }
      %scan3A_358 = arith.constant 16 : i32
      %dma_wait3A_359 = arith.constant 0 : i32
      %dma_wait3A_360 = arith.constant 0 : i32
      %dma_wait3A_361 = arith.constant 0 : i32
      %dma_wait3A_362 = arith.constant 0 : i32
      %dma_wait3A_363 = tpu.memref_slice %arg9[%dma_wait3A_359, %dma_wait3A_360, %dma_wait3A_361, %dma_wait3A_362] : memref<2048x8x8x128xf32, #tpu.memory_space<hbm>> -> memref<2x8x8x128xf32, #tpu.memory_space<hbm>>
      %dma_wait3A_364 = arith.constant 0 : i32
      %dma_wait3A_365 = arith.constant 0 : i32
      %dma_wait3A_366 = arith.constant 0 : i32
      %dma_wait3A_367 = arith.constant 0 : i32
      %dma_wait3A_368 = tpu.memref_slice %arg9[%dma_wait3A_364, %dma_wait3A_365, %dma_wait3A_366, %dma_wait3A_367] : memref<2048x8x8x128xf32, #tpu.memory_space<hbm>> -> memref<2x8x8x128xf32, #tpu.memory_space<hbm>>
      tpu.wait_dma2 semaphore(%arg37 : memref<!tpu.dma_semaphore, #tpu.memory_space<semaphore_mem>>) src(%dma_wait3A_368 : memref<2x8x8x128xf32, #tpu.memory_space<hbm>>) dst(%arg30 : memref<2x8x8x128xf32, #tpu.memory_space<vmem>>)
      %dma_wait3A_369 = arith.constant 0 : i32
      %dma_wait3A_370 = arith.constant 0 : i32
      %dma_wait3A_371 = arith.constant 0 : i32
      %dma_wait3A_372 = arith.constant 0 : i32
      %dma_wait3A_373 = tpu.memref_slice %arg10[%dma_wait3A_369, %dma_wait3A_370, %dma_wait3A_371, %dma_wait3A_372] : memref<2048x8x8x128xi32, #tpu.memory_space<hbm>> -> memref<2x8x8x128xi32, #tpu.memory_space<hbm>>
      %dma_wait3A_374 = arith.constant 0 : i32
      %dma_wait3A_375 = arith.constant 0 : i32
      %dma_wait3A_376 = arith.constant 0 : i32
      %dma_wait3A_377 = arith.constant 0 : i32
      %dma_wait3A_378 = tpu.memref_slice %arg10[%dma_wait3A_374, %dma_wait3A_375, %dma_wait3A_376, %dma_wait3A_377] : memref<2048x8x8x128xi32, #tpu.memory_space<hbm>> -> memref<2x8x8x128xi32, #tpu.memory_space<hbm>>
      tpu.wait_dma2 semaphore(%arg37 : memref<!tpu.dma_semaphore, #tpu.memory_space<semaphore_mem>>) src(%dma_wait3A_378 : memref<2x8x8x128xi32, #tpu.memory_space<hbm>>) dst(%arg32 : memref<2x8x8x128xi32, #tpu.memory_space<vmem>>)
      %scan3A_379 = arith.constant 0 : i32
      %scan3A_380 = arith.constant 16 : i32
      %scan3A_381 = arith.addi %scan3A_379, %scan3A_380 : i32
      %scan3A_382 = arith.constant 1 : i32
      scf.for %scan3A_384 = %scan3A_379 to %scan3A_381 step %scan3A_382  : i32 {
        %mul3A_385 = arith.constant 1 : i32
        %mul3A_386 = arith.muli %scan3A_384, %mul3A_385 : i32
        %add3A_387 = arith.constant 0 : i32
        %add3A_388 = arith.addi %add3A_387, %mul3A_386 : i32
        %add3A_389 = arith.constant 112 : i32
        %add3A_390 = arith.addi %add3A_389, %add3A_388 : i32
        %jit3A = arith.constant 8 : i32
        %div3A = arith.divsi %add3A_388, %jit3A : i32
        %sign3A = arith.constant 0 : i32
        %sign3A_391 = arith.cmpi sgt, %add3A_388, %sign3A : i32
        %sign3A_392 = arith.extui %sign3A_391 : i1 to i32
        %sign3A_393 = arith.constant 0 : i32
        %sign3A_394 = arith.cmpi slt, %add3A_388, %sign3A_393 : i32
        %sign3A_395 = arith.extui %sign3A_394 : i1 to i32
        %sign3A_396 = arith.subi %sign3A_392, %sign3A_395 : i32
        %sign3A_397 = arith.constant 0 : i32
        %sign3A_398 = arith.cmpi sgt, %jit3A, %sign3A_397 : i32
        %sign3A_399 = arith.extui %sign3A_398 : i1 to i32
        %sign3A_400 = arith.constant 0 : i32
        %sign3A_401 = arith.cmpi slt, %jit3A, %sign3A_400 : i32
        %sign3A_402 = arith.extui %sign3A_401 : i1 to i32
        %sign3A_403 = arith.subi %sign3A_399, %sign3A_402 : i32
        %ne3A = arith.cmpi ne, %sign3A_396, %sign3A_403 : i32
        %rem3A = arith.remsi %add3A_388, %jit3A : i32
        %ne3A_404 = arith.constant 0 : i32
        %ne3A_405 = arith.cmpi ne, %rem3A, %ne3A_404 : i32
        %and3A = arith.andi %ne3A, %ne3A_405 : i1
        %sub3A = arith.constant 1 : i32
        %sub3A_406 = arith.subi %div3A, %sub3A : i32
        %select_n3A = arith.select %and3A, %sub3A_406, %div3A : i32
        %broadcast_in_dim3A_407 = vector.broadcast %select_n3A : i32 to vector<16xi32>
        %jit3A_408 = arith.constant 8 : i32
        %eq3A = arith.constant 0 : i32
        %eq3A_409 = arith.cmpi eq, %jit3A_408, %eq3A : i32
        %jit3A_410 = arith.constant 1 : i32
        %select_n3A_411 = arith.select %eq3A_409, %jit3A_410, %jit3A_408 : i32
        %rem3A_412 = arith.remsi %add3A_388, %select_n3A_411 : i32
        %ne3A_413 = arith.constant 0 : i32
        %ne3A_414 = arith.cmpi ne, %rem3A_412, %ne3A_413 : i32
        %lt3A = arith.constant 0 : i32
        %lt3A_415 = arith.cmpi slt, %rem3A_412, %lt3A : i32
        %lt3A_416 = arith.constant 0 : i32
        %lt3A_417 = arith.cmpi slt, %select_n3A_411, %lt3A_416 : i32
        %ne3A_418 = arith.xori %lt3A_415, %lt3A_417 : i1
        %and3A_419 = arith.andi %ne3A_418, %ne3A_414 : i1
        %add3A_420 = arith.addi %rem3A_412, %select_n3A_411 : i32
        %select_n3A_421 = arith.select %and3A_419, %add3A_420, %rem3A_412 : i32
        %broadcast_in_dim3A_422 = vector.broadcast %select_n3A_421 : i32 to vector<16xi32>
        %get3A_423 = arith.index_cast %add3A_390 : i32 to index
        %get3A_424 = arith.constant 0 : index
        %get3A_425 = tpu.vector_load %arg15[%get3A_423, %get3A_424] {strides = array<i32>} : memref<128x16xi32, #tpu.memory_space<vmem>>, vector<16xi32>,
        %lt3A_426 = arith.constant 1024 : i32
        %lt3A_427 = vector.broadcast %lt3A_426 : i32 to vector<16xi32>
        %lt3A_428 = arith.cmpi slt, %get3A_425, %lt3A_427 : vector<16xi32>
        %min3A = arith.constant 1023 : i32
        %min3A_429 = vector.broadcast %min3A : i32 to vector<16xi32>
        %min3A_430 = arith.minsi %get3A_425, %min3A_429 : vector<16xi32>
        %shift_right_arithmetic3A = arith.constant 7 : i32
        %shift_right_arithmetic3A_431 = vector.broadcast %shift_right_arithmetic3A : i32 to vector<16xi32>
        %shift_right_arithmetic3A_432 = arith.shrsi %min3A_430, %shift_right_arithmetic3A_431 : vector<16xi32>
        %and3A_433 = arith.constant 127 : i32
        %and3A_434 = vector.broadcast %and3A_433 : i32 to vector<16xi32>
        %and3A_435 = arith.andi %min3A_430, %and3A_434 : vector<16xi32>
        tpu.vector_store_idx %arg32[%broadcast_in_dim3A_407, %shift_right_arithmetic3A_432, %broadcast_in_dim3A_422, %and3A_435], %broadcast_in_dim3A_5 masked %lt3A_428 : memref<2x8x8x128xi32, #tpu.memory_space<vmem>>[vector<16xi32>, vector<16xi32>, vector<16xi32>, vector<16xi32>], vector<16xi32>, vector<16xi1>
        %get3A_436 = arith.index_cast %add3A_390 : i32 to index
        %get3A_437 = arith.constant 0 : index
        %get3A_438 = tpu.vector_load %arg16[%get3A_436, %get3A_437] {strides = array<i32>} : memref<128x16xi32, #tpu.memory_space<vmem>>, vector<16xi32>,
        %lt3A_439 = arith.constant 1024 : i32
        %lt3A_440 = vector.broadcast %lt3A_439 : i32 to vector<16xi32>
        %lt3A_441 = arith.cmpi slt, %get3A_438, %lt3A_440 : vector<16xi32>
        %min3A_442 = arith.constant 1023 : i32
        %min3A_443 = vector.broadcast %min3A_442 : i32 to vector<16xi32>
        %min3A_444 = arith.minsi %get3A_438, %min3A_443 : vector<16xi32>
        %shift_right_arithmetic3A_445 = arith.constant 7 : i32
        %shift_right_arithmetic3A_446 = vector.broadcast %shift_right_arithmetic3A_445 : i32 to vector<16xi32>
        %shift_right_arithmetic3A_447 = arith.shrsi %min3A_444, %shift_right_arithmetic3A_446 : vector<16xi32>
        %and3A_448 = arith.constant 127 : i32
        %and3A_449 = vector.broadcast %and3A_448 : i32 to vector<16xi32>
        %and3A_450 = arith.andi %min3A_444, %and3A_449 : vector<16xi32>
        tpu.vector_store_idx %arg32[%broadcast_in_dim3A_407, %shift_right_arithmetic3A_447, %broadcast_in_dim3A_422, %and3A_450], %broadcast_in_dim3A_5 masked %lt3A_441 : memref<2x8x8x128xi32, #tpu.memory_space<vmem>>[vector<16xi32>, vector<16xi32>, vector<16xi32>, vector<16xi32>], vector<16xi32>, vector<16xi1>
        %get3A_451 = arith.index_cast %add3A_390 : i32 to index
        %get3A_452 = arith.constant 0 : index
        %get3A_453 = tpu.vector_load %arg17[%get3A_451, %get3A_452] {strides = array<i32>} : memref<128x16xi32, #tpu.memory_space<vmem>>, vector<16xi32>,
        %lt3A_454 = arith.constant 1024 : i32
        %lt3A_455 = vector.broadcast %lt3A_454 : i32 to vector<16xi32>
        %lt3A_456 = arith.cmpi slt, %get3A_453, %lt3A_455 : vector<16xi32>
        %min3A_457 = arith.constant 1023 : i32
        %min3A_458 = vector.broadcast %min3A_457 : i32 to vector<16xi32>
        %min3A_459 = arith.minsi %get3A_453, %min3A_458 : vector<16xi32>
        %shift_right_arithmetic3A_460 = arith.constant 7 : i32
        %shift_right_arithmetic3A_461 = vector.broadcast %shift_right_arithmetic3A_460 : i32 to vector<16xi32>
        %shift_right_arithmetic3A_462 = arith.shrsi %min3A_459, %shift_right_arithmetic3A_461 : vector<16xi32>
        %and3A_463 = arith.constant 127 : i32
        %and3A_464 = vector.broadcast %and3A_463 : i32 to vector<16xi32>
        %and3A_465 = arith.andi %min3A_459, %and3A_464 : vector<16xi32>
        tpu.vector_store_idx %arg32[%broadcast_in_dim3A_407, %shift_right_arithmetic3A_462, %broadcast_in_dim3A_422, %and3A_465], %broadcast_in_dim3A_5 masked %lt3A_456 : memref<2x8x8x128xi32, #tpu.memory_space<vmem>>[vector<16xi32>, vector<16xi32>, vector<16xi32>, vector<16xi32>], vector<16xi32>, vector<16xi1>
        %get3A_466 = arith.index_cast %add3A_390 : i32 to index
        %get3A_467 = arith.constant 0 : index
        %get3A_468 = tpu.vector_load %arg18[%get3A_466, %get3A_467] {strides = array<i32>} : memref<128x16xi32, #tpu.memory_space<vmem>>, vector<16xi32>,
        %lt3A_469 = arith.constant 1024 : i32
        %lt3A_470 = vector.broadcast %lt3A_469 : i32 to vector<16xi32>
        %lt3A_471 = arith.cmpi slt, %get3A_468, %lt3A_470 : vector<16xi32>
        %min3A_472 = arith.constant 1023 : i32
        %min3A_473 = vector.broadcast %min3A_472 : i32 to vector<16xi32>
        %min3A_474 = arith.minsi %get3A_468, %min3A_473 : vector<16xi32>
        %shift_right_arithmetic3A_475 = arith.constant 7 : i32
        %shift_right_arithmetic3A_476 = vector.broadcast %shift_right_arithmetic3A_475 : i32 to vector<16xi32>
        %shift_right_arithmetic3A_477 = arith.shrsi %min3A_474, %shift_right_arithmetic3A_476 : vector<16xi32>
        %and3A_478 = arith.constant 127 : i32
        %and3A_479 = vector.broadcast %and3A_478 : i32 to vector<16xi32>
        %and3A_480 = arith.andi %min3A_474, %and3A_479 : vector<16xi32>
        tpu.vector_store_idx %arg32[%broadcast_in_dim3A_407, %shift_right_arithmetic3A_477, %broadcast_in_dim3A_422, %and3A_480], %broadcast_in_dim3A_5 masked %lt3A_471 : memref<2x8x8x128xi32, #tpu.memory_space<vmem>>[vector<16xi32>, vector<16xi32>, vector<16xi32>, vector<16xi32>], vector<16xi32>, vector<16xi1>
      }
      %scan3A_383 = arith.constant 16 : i32
    }
    %scan3A_14 = arith.constant 4 : i32
    return
  }
}

</mosaic_0001>

<sc_bundles>
// kernel: kernel.3.cloned.1.call-start
scs
__scs_entry_jumppad:
0x0: {  	(pc) =	sbr.rel $0x88, $3  }
0x1: {  	(tag) =	ssettag $0x0;
	lr =	simm.s32 $0x1  }
0x2: {  	[smem:$0x3F9A] =	sst lr;
	_ =	strace $0xD0000000  }
0x3: {  	_ = 	snop  }
0x4: {  	_ = 	snop  }
0x5: {  	_ = 	snop  }
0x6: {  	_ = 	snop  }
0x7: {  	_ = 	snop  }
__scs_overlays_trampoline_lowered:
0x8: {  	[smem:$0x3FA9] =	sst s0  }
0x9: {  	[smem:$0x3FAA] =	sst s1  }
0xa: {  	[smem:$0x3FAB] =	sst s2  }
0xb: {  	[smem:$0x3FAC] =	sst s3  }
0xc: {  	[smem:$0x3FAD] =	sst s4  }
0xd: {  	[smem:$0x3FAE] =	sst s5  }
0xe: {  	[smem:$0x3FAF] =	sst s6  }
0xf: {  	[smem:$0x3FB0] =	sst s7  }
0x10: {  	[smem:$0x3FB1] =	sst s8  }
0x11: {  	[smem:$0x3FB2] =	sst s9;
	s0 =	simm.s32 @!p0 $0x0  }
0x12: {  	s1 =	sld [smem:$0x3F98];
	s0 =	simm.s32 @p0 $0x1  }
0x13: {  	[smem:$0x3FB3] =	sst s0;
	s0 =	simm.s32 @!p1 $0x0  }
0x14: {  	s2 =	sld [smem:$0x3F97];
	s0 =	simm.s32 @p1 $0x1  }
0x15: {  	[smem:$0x3FB4] =	sst s0;
	s0 =	simm.s32 @!p2 $0x0  }
0x16: {  	s3 =	sld [smem:$0x3FDB];
	s0 =	simm.s32 @p2 $0x1  }
0x17: {  	s4 =	simm.s32 $0x1BF5;
	[smem:$0x3FB6] =	sst s0  }
0x18: {  	s0 =	sld [smem:$0x3F99];
	_ =	swait.ge [sflag:s4], $0x0  }
0x19: {  	s7 =	sld [smem:$0x3F9A]  }
0x1a: {  	s8 =	sadd.s32 $0xFFFFE003, lr  }
0x1b: {  	s9 =	sadd.s32 $0xFFFFFEF7, lr;
	s5 =	simm.s32 $0xFFFFFFFF;
	p2 =	slt.u32 s8, $0xFFFFF086  }
0x1c: {  	p1 =	slt.u32 s9, $0xF7A;
	s5 =	simm.s32 @!p2 $0x0  }
0x1d: {  	s5 =	simm.s32 @p1 $0x1;
	p0 =	seq.s32 s7, s2  }
0x1e: {  	s7 =	smul.u32 @!p0 $0xF7A, s2;
	p2 =	seq.s32 @!p0 s5, $0x0  }
0x1f: {  	s9 =	smul.u32 $0xF7A, s1;
	s8 =	simm.s32 @!p0 $0x1BF5;
	p2 =	por !p2, p0  }
0x20: {  	[sflag:s8] =	ssyncset.s32 @!p0 $0xFFFFF086;
	s6 =	sadd.s32 @!p0 s3, s7;
	s7 =	simm.s32 @!p0 $0x108  }
0x21: {  	s3 =	sadd.s32 s3, s9;
	s6 =	sadd.s32 @!p0 $0x88, s6;
	s7 =	simm.s32 @p2 $0x1082  }
0x22: {  	[simem:s7], [sflag:s8] =	dma.local @!p0 [hbm:s6], $0xF7A  }
0x23: {  	s9 =	sor.u32 $0xD0000000, s2;
	s6 =	simm.s32 $0x108;
	_ =	swait.ge @!p0 [sflag:s8], $0x0  }
0x24: {  	s3 =	sadd.s32 $0x88, s3;
	s6 =	simm.s32 @!p1 $0x1082;
	[sflag:s4] =	ssyncset.s32 $0xFFFFF086  }
0x25: {  	[simem:s6], [sflag:s4] =	dma.local [hbm:s3], $0xF7A  }
0x26: {  	[smem:$0x3F9A] =	sst s1;
	(tag) =	ssettag s2;
	_ =	strace s9  }
0x27: {  	s1 =	sld [smem:$0x3FAA]  }
0x28: {  	s2 =	sld [smem:$0x3FAB]  }
0x29: {  	s4 =	sld [smem:$0x3FAD]  }
0x2a: {  	p0 =	seq.s32 s5, $0x0;
	s5 =	sld [smem:$0x3FAE]  }
0x2b: {  	s6 =	sld [smem:$0x3FAF]  }
0x2c: {  	s7 =	sld [smem:$0x3FB0]  }
0x2d: {  	s3 =	simm.s32 $0x108;
	s8 =	sld [smem:$0x3FB1]  }
0x2e: {  	s3 =	simm.s32 @!p0 $0x1082;
	s9 =	sld [smem:$0x3FB2]  }
0x2f: {  	lr =	sadd.s32 s0, s3;
	s0 =	sld [smem:$0x3FA9]  }
0x30: {  	s3 =	sld [smem:$0x3FAC]  }
0x31: {  	[smem:$0x3FB5] =	sst s10  }
0x32: {  	s10 =	sld [smem:$0x3FB3];
	_ =	sdelay $0x3  }
0x33: {  	p0 =	seq.s32 s10, $0x1;
	s10 =	sld [smem:$0x3FB5];
	_ =	sdelay $0x3  }
0x34: {  	[smem:$0x3FB5] =	sst s10  }
0x35: {  	s10 =	sld [smem:$0x3FB4];
	_ =	sdelay $0x3  }
0x36: {  	p1 =	seq.s32 s10, $0x1;
	s10 =	sld [smem:$0x3FB5];
	_ =	sdelay $0x3  }
0x37: {  	[smem:$0x3FB5] =	sst s10  }
0x38: {  	s10 =	sld [smem:$0x3FB6]  }
0x39: {  	_ = 	snop;
	(pc) =	sbr.ind lr, $3  }
0x3a: {  	_ = 	snop  }
0x3b: {  	_ = 	snop  }
0x3c: {  	p2 =	seq.s32 s10, $0x1;
	s10 =	sld [smem:$0x3FB5]  }
0x3d: {  	_ =	shalt  }
0x3e: {  	_ =	shalt  }
0x3f: {  	_ =	shalt  }
0x40: {  	_ =	shalt  }
0x41: {  	_ =	shalt  }
0x42: {  	_ =	shalt  }
0x43: {  	_ =	shalt  }
0x44: {  	_ =	shalt  }
0x45: {  	_ =	shalt  }
0x46: {  	_ =	shalt  }
0x47: {  	_ =	shalt  }
0x48: {  	_ =	shalt  }
0x49: {  	_ =	shalt  }
0x4a: {  	_ =	shalt  }
0x4b: {  	_ =	shalt  }
0x4c: {  	_ =	shalt  }
0x4d: {  	_ =	shalt  }
0x4e: {  	_ =	shalt  }
0x4f: {  	_ =	shalt  }
0x50: {  	_ =	shalt  }
0x51: {  	_ =	shalt  }
0x52: {  	_ =	shalt  }
0x53: {  	_ =	shalt  }
0x54: {  	_ =	shalt  }
0x55: {  	_ =	shalt  }
0x56: {  	_ =	shalt  }
0x57: {  	_ =	shalt  }
0x58: {  	_ =	shalt  }
0x59: {  	_ =	shalt  }
0x5a: {  	_ =	shalt  }
0x5b: {  	_ =	shalt  }
0x5c: {  	_ =	shalt  }
0x5d: {  	_ =	shalt  }
0x5e: {  	_ =	shalt  }
0x5f: {  	_ =	shalt  }
0x60: {  	_ =	shalt  }
0x61: {  	_ =	shalt  }
0x62: {  	_ =	shalt  }
0x63: {  	_ =	shalt  }
0x64: {  	_ =	shalt  }
0x65: {  	_ =	shalt  }
0x66: {  	_ =	shalt  }
0x67: {  	_ =	shalt  }
0x68: {  	_ =	shalt  }
0x69: {  	_ =	shalt  }
0x6a: {  	_ =	shalt  }
0x6b: {  	_ =	shalt  }
0x6c: {  	_ =	shalt  }
0x6d: {  	_ =	shalt  }
0x6e: {  	_ =	shalt  }
0x6f: {  	_ =	shalt  }
0x70: {  	_ =	shalt  }
0x71: {  	_ =	shalt  }
0x72: {  	_ =	shalt  }
0x73: {  	_ =	shalt  }
0x74: {  	_ =	shalt  }
0x75: {  	_ =	shalt  }
0x76: {  	_ =	shalt  }
0x77: {  	_ =	shalt  }
0x78: {  	_ =	shalt  }
0x79: {  	_ =	shalt  }
0x7a: {  	_ =	shalt  }
0x7b: {  	_ =	shalt  }
0x7c: {  	_ =	shalt  }
0x7d: {  	_ =	shalt  }
0x7e: {  	_ =	shalt  }
0x7f: {  	_ =	shalt  }
0x80: {  	_ =	shalt  }
0x81: {  	_ =	shalt  }
0x82: {  	_ =	shalt  }
0x83: {  	_ =	shalt  }
0x84: {  	_ =	shalt  }
0x85: {  	_ =	shalt  }
0x86: {  	_ =	shalt  }
0x87: {  	_ =	shalt  }
.Lfunc_end0:
.L_simem_size_0:
called_computation_lowered:
.L_overlay_start_0:
0x88: {  	s2 =	sld [smem:$0x3FD9]  }
0x89: {  	s3 =	sld [smem:$0x3FFE];
	_ =	sdelay $0x1  }
0x8a: {  	s1 =	srdreg.scid  }
0x8b: {  	s0 =	sand.u32 $0x1, s1  }
0x8c: {  	s14 =	sshll.u32 s0, $0xA;
	s2 =	sadd.s32 s3, s2  }
0x8d: {  	s2 =	sadd.s32 s2, s14  }
0x8e: {  	[smem:$0x3FC1] =	sst s2  }
0x8f: {  	_ = 	snop  }
0x90: {  	s2 =	sld [smem:$0x3FD0]  }
0x91: {  	s15 =	sld [smem:$0x3FC9]  }
0x92: {  	s4 =	sld [smem:$0x3FC5]  }
0x93: {  	s6 =	simm.s32 $0xA;
	s7 =	simm.s32 $0x10;
	s5 =	sld [smem:$0x3FC4]  }
0x94: {  	[smem:s7], [sflag:s6] =	dma.local [hbm:s2], $0x1  }
0x95: {  	_ =	swait.eq [sflag:s6], $0x1  }
0x96: {  	[sflag:s6] =	ssyncset.done $0x0  }
0x97: {  	s16 =	sld [smem:$0x10];
	[sflag:s6] =	ssyncadd.s32 $0xFFFFFFFF  }
0x98: {  	s17 =	sld [smem:$0x11];
	(tm) =	ssettm $0x1  }
0x99: {  	s18 =	sld [smem:$0x3FFB];
	_ =	sdelay $0x3  }
0x9a: {  	_ =	strace s18  }
0x9b: {  	s7 =	sld [smem:$0x3FFC];
	_ =	sdelay $0x3  }
0x9c: {  	_ =	strace s7  }
0x9d: {  	s7 =	sld [smem:$0x3FFD];
	_ =	sdelay $0x3  }
0x9e: {  	_ =	strace s7  }
0x9f: {  	_ =	strace $0x8FFFFFFF  }
0xa0: {  	s19 =	sld [smem:$0x3FDB];
	_ =	sdelay $0x1  }
0xa1: {  	s8 =	simm.s32 $_scs_section_size  }
0xa2: {  	s9 =	simm.s32 $_size__tile_overlayer_lowered;
	s10 =	simm.s32 $_tile_overlayer_lowered  }
0xa3: {  	s22 =	simm.s32 $0x1BFF;
	s21 =	sshll.u32 s10, $0x1;
	s7 =	sadd.s32 s8, s19  }
0xa4: {  	s11 =	simm.s32 $0x0;
	s20 =	sshll.u32 s9, $0x1;
	s9 =	sadd.s32 s21, s7  }
0xa5: {  	[timem:s11], [sflag:s22] =	dma.local [hbm:s9], s20  }
0xa6: {  	_ =	swait.ge [sflag:s22], s20  }
0xa7: {  	s8 =	ssub.s32 $0x0, s20;
	[sflag:s22] =	ssyncset.done $0x0  }
0xa8: {  	[sflag:s22] =	ssyncadd.s32 s8;
	_ =	sdelay $0x1  }
0xa9: {  	s23 =	simm.s32 $0x1B8B  }
0xaa: {  	_ =	swait.ge [sflag:s23], $0x1  }
0xab: {  	[sflag:s23] =	ssyncset.done $0x0  }
0xac: {  	s25 =	simm.s32 $0x1B8E;
	s24 =	sld [smem:$0x3FFE];
	[sflag:s23] =	ssyncadd.s32 $0xFFFFFFFF  }
0xad: {  	s26 =	simm.s32 $execute0_lowered;
	[smem:$0x3FD2] =	sst s25  }
0xae: {  	s9 =	sshll.u32 s26, $0x1;
	_ =	strace $0x80000046;
	[dreg:$0x1] =	wrdreg $0xFFFFFFFF  }
0xaf: {  	s28 =	simm.s32 $_size_execute0_lowered;
	s7 =	sadd.s32 s7, s9;
	[dreg:$0x0] =	wrdreg $0x0  }
0xb0: {  	s9 =	sshll.u32 s28, $0x1;
	[dreg:$0x2] =	wrdreg s7  }
0xb1: {  	[dreg:$0x3] =	wrdreg s9  }
0xb2: {  	[dreg:$0x4] =	wrdreg $0xC0  }
0xb3: {  	_ =	task [dreg:s11], $0x5FFFF  }
0xb4: {  	[dreg:$0x1] =	wrdreg $0xFFFFFFFF  }
0xb5: {  	[dreg:$0x0] =	wrdreg $0x60  }
0xb6: {  	[dreg:$0x2] =	wrdreg s15  }
0xb7: {  	[dreg:$0x3] =	wrdreg s24  }
0xb8: {  	[dreg:$0x4] =	wrdreg s4  }
0xb9: {  	[dreg:$0x5] =	wrdreg s5  }
0xba: {  	[dreg:$0x6] =	wrdreg s16  }
0xbb: {  	[dreg:$0x7] =	wrdreg s17  }
0xbc: {  	[dreg:$0x8] =	wrdreg $0x9  }
0xbd: {  	_ =	task.clear_ibuf [dreg:s11], $0x9FFFF;
	_ =	strace $0x90000046  }
0xbe: {  	s29 =	simm.s32 $0x9;
	_ =	strace $0x80000048  }
0xbf: {  	_ =	swait.ge [sflag:s29], $0x1  }
0xc0: {  	[sflag:s29] =	ssyncadd.s32 $0xFFFFFFFF  }
0xc1: {  	_ =	strace $0x90000048  }
0xc2: {  	_ =	sfence  }
0xc3: {  	s30 =	sld [smem:$0x0];
	_ =	sdelay $0x2  }
0xc4: {  	s31 =	sshll.u32 s1, $0xD;
	s1 =	sshrl.u32 s1, $0x2  }
0xc5: {  	s3 =	sand.u32 $0x4000, s31;
	s1 =	sadd.s32 s1, s30  }
0xc6: {  	s0 =	sor.u32 s3, s0;
	s1 =	sshll.u32 s1, $0x11  }
0xc7: {  	s0 =	sor.u32 s1, s0  }
0xc8: {  	s0 =	sadd.s32 $0x8F2B, s0  }
0xc9: {  	[sflag:s0] =	ssyncadd.remote.s32 $0x1  }
0xca: {  	_ =	sfence.sel $0xFFFF  }
0xcb: {  	[dreg:$0x0] =	wrdreg $0xFFFFFFFF;
	(pc) =	sbr.abs _section_cstart, $3  }
0xcc: {  	[dreg:$0x1] =	wrdreg $0xFFFFFFFF  }
0xcd: {  	_ =	task.clear_ibuf [dreg:s11], $0x2FFFF;
	_ =	strace $0x9FFFFFFF  }
0xce: {  	(tm) =	ssettm $0x7FFFFFFF  }
0xcf: {  	_ =	shalt  }
tec
execute0_lowered:
.L_overlay_start_1:
0x0: {  	(tag) =	ssettag $0x1  }
0x1: {  	s0 =	rddreg [dreg:$0x1];
	s1 =	simm.s32 $0x0;
	s25 =	srdreg.scid  }
0x2: {  	s3 =	stileid.u32;
	s11 =	simm.s32 $0x6200;
	s13 =	simm.s32 $0x6480  }
0x3: {  	s17 =	simm.s32 $0xA480;
	[smem:$0x7FF] =	sst s1;
	s2 =	sadd.s32 $0x3D3200, s0  }
0x4: {  	s1 =	sand.u32 $0x1, s25;
	s26 =	sadd.s32 $0x44D400, s0;
	s28 =	sadd.s32 $0x4C7600, s0  }
0x5: {  	s0 =	sadd.s32 $0x2800, s0;
	_ =	strace $0x80000047;
	[dreg:$0x7] =	wrdreg s2  }
0x6: {  	s31 =	sshll.u32 s3, $0xA;
	[dreg:$0x8] =	wrdreg s26;
	s29 =	ssub.s32 $0x2, s1  }
0x7: {  	[dreg:$0x9] =	wrdreg s28;
	s1 =	sshll.u32 s1, $0x9;
	s30 =	sshrl.u32 s29, $0x1  }
0x8: {  	[dreg:$0xa] =	wrdreg s0;
	s1 =	sor.u32 s1, s31;
	s0 =	ssub.s32 s29, s30  }
0x9: {  	s18 =	simm.s32 $0x12480;
	[dreg:$0xb] =	wrdreg s1;
	s0 =	smax.u32 s0, $0x1  }
0xa: {  	v0 =	vimm.s32 $0x0;
	s2 =	simm.s32 $0x0;
	s1 =	simm.s32 $0xE480;
	[dreg:$0xc] =	wrdreg s0  }
.LBB2_1:
0xb: {  	[dreg:$0xd] =	wrdreg s2  }
0xc: {  	s3 =	simm.s32 $0x0;
	s0 =	rddreg [dreg:$0xa]  }
0xd: {  	s29 =	simm.s32 $0x16480;
	s30 =	simm.s32 $0x0;
	s4 =	simm.s32 $0x5  }
0xe: {  	[tilespmem:s29], [sflag:$0x5] =	stream.linear.gather [hbm4b:s0+s3], $0x10, $0x38;
	[tilespmem:$0x16490] =	vst v63  }
0xf: {  	s31 =	sand.u32 $0x1C00, s3;
	s0 =	sand.u32 $0x2000, s30;
	_ =	swait.ge [sflag:s4], $0x10  }
0x10: {  	s3 =	sand.u32 $0x70, s3;
	s0 =	sor.u32 s31, s0;
	[sflag:s4] =	ssyncset.done $0x0  }
0x11: {  	[sflag:s4] =	ssyncadd.s32 $0xFFFFFFF0;
	s4 =	sor.u32 s3, s0  }
0x12: {  	[tilespmem:s4+$0xE680] =	vst v0  }
0x13: {  	[tilespmem:s4+$0x12480] =	vst v0  }
0x14: {  	[tilespmem:s4+$0xE480] =	vst v0  }
0x15: {  	[tilespmem:s4+$0xE500] =	vst v0  }
0x16: {  	s2 =	simm.s32 $0x0;
	s0 =	simm.s32 $0x200;
	s3 =	simm.s32 $0x0;
	[tilespmem:s4+$0xE580] =	vst v0  }
.LBB2_2:
0x17: {  	p0 =	sne.s32 s0, $0xFE00;
	[tilespmem:s4+$0xE600] =	vst v0  }
0x18: {  	[tilespmem:s4+$0xE700] =	vst v0  }
0x19: {  	[tilespmem:s4+$0xE780] =	vst v0  }
0x1a: {  	s5 =	sadd.s32 $0x12480, s4;
	[tilespmem:s4+$0xE800] =	vst v0  }
0x1b: {  	[tilespmem:s5+$0x380] =	vst v0  }
0x1c: {  	[tilespmem:s5+$0x80] =	vst v0  }
0x1d: {  	[tilespmem:s5+$0x100] =	vst v0  }
0x1e: {  	s2 =	sadd.s32 $0x80, s2;
	s4 =	sshrl.u32 s0, $0x2;
	[tilespmem:s5+$0x180] =	vst v0  }
0x1f: {  	s3 =	sadd.s32 $0x10, s3;
	s6 =	sand.u32 $0x1C00, s2;
	s4 =	sand.u32 $0x2000, s4;
	[tilespmem:s5+$0x200] =	vst v0  }
0x20: {  	s7 =	sand.u32 $0x70, s3;
	s4 =	sor.u32 s6, s4;
	[tilespmem:s5+$0x280] =	vst v0  }
0x21: {  	s4 =	sor.u32 s7, s4;
	[tilespmem:s5+$0x300] =	vst v0  }
.Ltmp0:
0x22: {  	[tilespmem:s4+$0xE680] =	vst v0;
	(pc) =	sbr.rel @p0 .LBB2_2-.Ltmp0, $4  }
0x23: {  	[tilespmem:s4+$0x12480] =	vst v0  }
0x24: {  	[tilespmem:s4+$0xE480] =	vst v0  }
0x25: {  	[tilespmem:s4+$0xE500] =	vst v0  }
0x26: {  	s0 =	sadd.s32 $0x200, s0;
	[tilespmem:s4+$0xE580] =	vst v0  }
0x27: {  	[tilespmem:s4+$0xE600] =	vst v0  }
0x28: {  	[tilespmem:s4+$0xE700] =	vst v0  }
0x29: {  	[tilespmem:s4+$0xE780] =	vst v0  }
0x2a: {  	[tilespmem:s4+$0xE800] =	vst v0;
	s0 =	sadd.s32 $0x12480, s4  }
0x2b: {  	[tilespmem:s0+$0x380] =	vst v0  }
0x2c: {  	[tilespmem:s0+$0x80] =	vst v0  }
0x2d: {  	[tilespmem:s0+$0x100] =	vst v0  }
0x2e: {  	[tilespmem:s0+$0x180] =	vst v0  }
0x2f: {  	[tilespmem:s0+$0x200] =	vst v0  }
0x30: {  	[tilespmem:s0+$0x280] =	vst v0  }
0x31: {  	[tilespmem:s0+$0x300] =	vst v0;
	s0 =	simm.s32 $0x0  }
.LBB2_4:
0x32: {  	s21 =	sshll.u32 s0, $0x7;
	s2 =	rddreg [dreg:$0xb]  }
0x33: {  	[dreg:$0xe] =	wrdreg s0;
	s0 =	sadd.s32 s2, s21  }
0x34: {  	s3 =	rddreg [dreg:$0x0];
	s2 =	sshrl.u32 s0, $0x3  }
0x35: {  	s9 =	simm.s32 $0x0;
	s22 =	simm.s32 $0x5;
	s2 =	sadd.s32 s3, s2  }
0x36: {  	[tilespmem:s9], [sflag:$0x5] =	stream.linear.gather [hbm4b:s2+s9], $0x80, $0x38;
	[tilespmem:$0x16490] =	vst v63  }
0x37: {  	_ =	swait.ge [sflag:s22], $0x80  }
0x38: {  	s7 =	simm.s32 $0x80;
	[sflag:s22] =	ssyncset.done $0x0  }
0x39: {  	s23 =	simm.s32 $0x200;
	s4 =	rddreg [dreg:$0x7];
	[sflag:s22] =	ssyncadd.s32 $0xFFFFFF80  }
0x3a: {  	[tilespmem:s23], [sflag:$0x1] =	stream.indirect.gather [hbm4b:s4+s7], $0x10, s9, s7, $0xb8;
	[tilespmem:$0x16490] =	vst v63  }
0x3b: {  	s24 =	simm.s32 $0x2200;
	s5 =	rddreg [dreg:$0x8]  }
0x3c: {  	[tilespmem:s24], [sflag:$0x1] =	stream.indirect.gather [hbm4b:s5+s7], $0x10, s9, s7, $0xb8;
	[tilespmem:$0x16490] =	vst v63  }
0x3d: {  	s25 =	simm.s32 $0x4200;
	s6 =	rddreg [dreg:$0x9]  }
0x3e: {  	[tilespmem:s25], [sflag:$0x1] =	stream.indirect.gather [hbm4b:s6+s7], $0x10, s9, s7, $0xb8;
	[tilespmem:$0x16490] =	vst v63  }
0x3f: {  	s8 =	simm.s32 $0x6400;
	s26 =	rddreg [dreg:$0x2]  }
0x40: {  	[tilespmem:s8], [sflag:$0x2] =	stream.indirect.gather [hbm4b:s26+s7], $0x1, s9, s7, $0xb8;
	[tilespmem:$0x16490] =	vst v63  }
0x41: {  	s14 =	simm.s32 $0x2;
	s28 =	rddreg [dreg:$0x3]  }
0x42: {  	[tilespmem:s7], [sflag:$0x2] =	stream.indirect.gather [hbm4b:s28+s7], $0x1, s9, s7, $0xb8;
	[tilespmem:$0x16490] =	vst v63  }
0x43: {  	_ =	swait.ge [sflag:s14], $0x80  }
0x44: {  	[sflag:s14] =	ssyncset.done $0x0  }
0x45: {  	[sflag:s14] =	ssyncadd.s32 $0xFFFFFF80  }
0x46: {  	_ =	swait.ge [sflag:s14], $0x80  }
0x47: {  	[sflag:s14] =	ssyncset.done $0x0  }
0x48: {  	[sflag:s14] =	ssyncadd.s32 $0xFFFFFF80  }
0x49: {  	v1 =	vld [tilespmem:$0x6400]  }
0x4a: {  	v2 =	vld [tilespmem:$0x6410]  }
0x4b: {  	v3 =	vld [tilespmem:$0x6420]  }
0x4c: {  	v4 =	vld [tilespmem:$0x6430]  }
0x4d: {  	v5 =	vld [tilespmem:$0x6440]  }
0x4e: {  	v6 =	vld [tilespmem:$0x6450];
	v1 =	vadd.f32 $0.0e+00, v1  }
0x4f: {  	v7 =	vld [tilespmem:$0x6460];
	v2 =	vadd.f32 $0.0e+00, v2  }
0x50: {  	[tilespmem:$0x6200] =	vst v1;
	v1 =	vadd.f32 $0.0e+00, v3;
	v3 =	vld [tilespmem:$0x6470]  }
0x51: {  	[tilespmem:$0x6210] =	vst v2;
	v2 =	vadd.f32 $0.0e+00, v4  }
0x52: {  	[tilespmem:$0x6220] =	vst v1;
	v1 =	vadd.f32 $0.0e+00, v5  }
0x53: {  	[tilespmem:$0x6230] =	vst v2;
	v2 =	vadd.f32 $0.0e+00, v6  }
0x54: {  	[tilespmem:$0x6240] =	vst v1;
	v1 =	vadd.f32 $0.0e+00, v7  }
0x55: {  	[tilespmem:$0x6250] =	vst v2;
	v2 =	vadd.f32 $0.0e+00, v3  }
0x56: {  	[tilespmem:$0x6260] =	vst v1  }
0x57: {  	s10 =	simm.s32 $0xA00;
	[tilespmem:$0x6270] =	vst v2  }
0x58: {  	[tilespmem:s10], [sflag:$0x1] =	stream.indirect.gather [hbm4b:s4+s7], $0x10, s7, s7, $0xb8;
	[tilespmem:$0x16490] =	vst v63  }
0x59: {  	s15 =	simm.s32 $0x2A00  }
0x5a: {  	[tilespmem:s15], [sflag:$0x1] =	stream.indirect.gather [hbm4b:s5+s7], $0x10, s7, s7, $0xb8;
	[tilespmem:$0x16490] =	vst v63  }
0x5b: {  	s16 =	simm.s32 $0x4A00  }
0x5c: {  	[tilespmem:s16], [sflag:$0x1] =	stream.indirect.gather [hbm4b:s6+s7], $0x10, s7, s7, $0xb8;
	[tilespmem:$0x16490] =	vst v63  }
0x5d: {  	_ = 	snop  }
0x5e: {  	[tilespmem:s8], [sflag:$0x2] =	stream.indirect.gather [hbm4b:s26+s7], $0x1, s7, s7, $0xb8;
	[tilespmem:$0x16490] =	vst v63  }
0x5f: {  	s19 =	simm.s32 $0x100  }
0x60: {  	[tilespmem:s19], [sflag:$0x2] =	stream.indirect.gather [hbm4b:s28+s7], $0x1, s7, s7, $0xb8;
	[tilespmem:$0x16490] =	vst v63  }
0x61: {  	_ =	swait.ge [sflag:s14], $0x80  }
0x62: {  	[sflag:s14] =	ssyncset.done $0x0  }
0x63: {  	[sflag:s14] =	ssyncadd.s32 $0xFFFFFF80  }
0x64: {  	_ =	swait.ge [sflag:s14], $0x80  }
0x65: {  	[sflag:s14] =	ssyncset.done $0x0  }
0x66: {  	[sflag:s14] =	ssyncadd.s32 $0xFFFFFF80  }
0x67: {  	v1 =	vld [tilespmem:$0x6200]  }
0x68: {  	v2 =	vld [tilespmem:$0x6400]  }
0x69: {  	v3 =	vld [tilespmem:$0x6210]  }
0x6a: {  	v34 =	vld [tilespmem:$0x6410]  }
0x6b: {  	v35 =	vld [tilespmem:$0x6220]  }
0x6c: {  	v36 =	vld [tilespmem:$0x6420]  }
0x6d: {  	v37 =	vld [tilespmem:$0x6230]  }
0x6e: {  	v8 =	vld [tilespmem:$0x6430]  }
0x6f: {  	v9 =	vld [tilespmem:$0x6240]  }
0x70: {  	v10 =	vld [tilespmem:$0x6440]  }
0x71: {  	v11 =	vld [tilespmem:$0x6250]  }
0x72: {  	v12 =	vld [tilespmem:$0x6450]  }
0x73: {  	v13 =	vld [tilespmem:$0x6260]  }
0x74: {  	v38 =	vld [tilespmem:$0x6270];
	v1 =	vadd.f32 v2, v1  }
0x75: {  	v2 =	vld [tilespmem:$0x6460];
	v3 =	vadd.f32 v34, v3  }
0x76: {  	v39 =	vld [tilespmem:$0x6470];
	[tilespmem:$0x6280] =	vst v1;
	v1 =	vadd.f32 v36, v35  }
0x77: {  	[tilespmem:$0x6290] =	vst v3;
	v3 =	vadd.f32 v8, v37  }
0x78: {  	[tilespmem:$0x62A0] =	vst v1;
	v1 =	vadd.f32 v10, v9  }
0x79: {  	[tilespmem:$0x62B0] =	vst v3;
	v3 =	vadd.f32 v12, v11  }
0x7a: {  	[tilespmem:$0x62C0] =	vst v1;
	v1 =	vadd.f32 v2, v13  }
0x7b: {  	[tilespmem:$0x62D0] =	vst v3;
	v2 =	vadd.f32 v39, v38  }
0x7c: {  	[tilespmem:$0x62E0] =	vst v1  }
0x7d: {  	s12 =	simm.s32 $0x1200;
	[tilespmem:$0x62F0] =	vst v2  }
0x7e: {  	[tilespmem:s12], [sflag:$0x1] =	stream.indirect.gather [hbm4b:s4+s7], $0x10, s19, s7, $0xb8;
	[tilespmem:$0x16490] =	vst v63  }
0x7f: {  	s20 =	simm.s32 $0x3200  }
0x80: {  	[tilespmem:s20], [sflag:$0x1] =	stream.indirect.gather [hbm4b:s5+s7], $0x10, s19, s7, $0xb8;
	[tilespmem:$0x16490] =	vst v63  }
0x81: {  	s21 =	simm.s32 $0x5200  }
0x82: {  	[tilespmem:s21], [sflag:$0x1] =	stream.indirect.gather [hbm4b:s6+s7], $0x10, s19, s7, $0xb8;
	[tilespmem:$0x16490] =	vst v63  }
0x83: {  	_ = 	snop  }
0x84: {  	[tilespmem:s8], [sflag:$0x2] =	stream.indirect.gather [hbm4b:s26+s7], $0x1, s19, s7, $0xb8;
	[tilespmem:$0x16490] =	vst v63  }
0x85: {  	s22 =	simm.s32 $0x180  }
0x86: {  	[tilespmem:s22], [sflag:$0x2] =	stream.indirect.gather [hbm4b:s28+s7], $0x1, s19, s7, $0xb8;
	[tilespmem:$0x16490] =	vst v63  }
0x87: {  	_ =	swait.ge [sflag:s14], $0x80  }
0x88: {  	[sflag:s14] =	ssyncset.done $0x0  }
0x89: {  	[sflag:s14] =	ssyncadd.s32 $0xFFFFFF80  }
0x8a: {  	_ =	swait.ge [sflag:s14], $0x80  }
0x8b: {  	[sflag:s14] =	ssyncset.done $0x0  }
0x8c: {  	[sflag:s14] =	ssyncadd.s32 $0xFFFFFF80  }
0x8d: {  	v1 =	vld [tilespmem:$0x6280]  }
0x8e: {  	v2 =	vld [tilespmem:$0x6400]  }
0x8f: {  	v3 =	vld [tilespmem:$0x6290]  }
0x90: {  	v40 =	vld [tilespmem:$0x6410]  }
0x91: {  	v41 =	vld [tilespmem:$0x62A0]  }
0x92: {  	v42 =	vld [tilespmem:$0x6420]  }
0x93: {  	v43 =	vld [tilespmem:$0x62B0]  }
0x94: {  	v44 =	vld [tilespmem:$0x6430]  }
0x95: {  	v45 =	vld [tilespmem:$0x62C0]  }
0x96: {  	v46 =	vld [tilespmem:$0x6440]  }
0x97: {  	v47 =	vld [tilespmem:$0x62D0]  }
0x98: {  	v48 =	vld [tilespmem:$0x6450]  }
0x99: {  	v49 =	vld [tilespmem:$0x62E0]  }
0x9a: {  	v50 =	vld [tilespmem:$0x62F0];
	v1 =	vadd.f32 v2, v1  }
0x9b: {  	v2 =	vld [tilespmem:$0x6460];
	v3 =	vadd.f32 v40, v3  }
0x9c: {  	v51 =	vld [tilespmem:$0x6470];
	[tilespmem:$0x6300] =	vst v1;
	v1 =	vadd.f32 v42, v41  }
0x9d: {  	[tilespmem:$0x6310] =	vst v3;
	v3 =	vadd.f32 v44, v43  }
0x9e: {  	[tilespmem:$0x6320] =	vst v1;
	v1 =	vadd.f32 v46, v45  }
0x9f: {  	[tilespmem:$0x6330] =	vst v3;
	v3 =	vadd.f32 v48, v47  }
0xa0: {  	[tilespmem:$0x6340] =	vst v1;
	v1 =	vadd.f32 v2, v49  }
0xa1: {  	[tilespmem:$0x6350] =	vst v3;
	v2 =	vadd.f32 v51, v50  }
0xa2: {  	[tilespmem:$0x6360] =	vst v1  }
0xa3: {  	s23 =	simm.s32 $0x1A00;
	[tilespmem:$0x6370] =	vst v2  }
0xa4: {  	[tilespmem:s23], [sflag:$0x1] =	stream.indirect.gather [hbm4b:s4+s7], $0x10, s22, s7, $0xb8;
	[tilespmem:$0x16490] =	vst v63  }
0xa5: {  	s24 =	simm.s32 $0x3A00  }
0xa6: {  	[tilespmem:s24], [sflag:$0x1] =	stream.indirect.gather [hbm4b:s5+s7], $0x10, s22, s7, $0xb8;
	[tilespmem:$0x16490] =	vst v63  }
0xa7: {  	s25 =	simm.s32 $0x5A00  }
0xa8: {  	[tilespmem:s25], [sflag:$0x1] =	stream.indirect.gather [hbm4b:s6+s7], $0x10, s22, s7, $0xb8;
	[tilespmem:$0x16490] =	vst v63  }
0xa9: {  	_ = 	snop  }
0xaa: {  	[tilespmem:s8], [sflag:$0x2] =	stream.indirect.gather [hbm4b:s26+s7], $0x1, s22, s7, $0xb8;
	[tilespmem:$0x16490] =	vst v63  }
0xab: {  	_ =	swait.ge [sflag:s14], $0x80  }
0xac: {  	[sflag:s14] =	ssyncset.done $0x0  }
0xad: {  	[sflag:s14] =	ssyncadd.s32 $0xFFFFFF80  }
0xae: {  	v1 =	vld [tilespmem:$0x6300]  }
0xaf: {  	v2 =	vld [tilespmem:$0x6400]  }
0xb0: {  	v3 =	vld [tilespmem:$0x6310]  }
0xb1: {  	v52 =	vld [tilespmem:$0x6410]  }
0xb2: {  	v53 =	vld [tilespmem:$0x6320]  }
0xb3: {  	v54 =	vld [tilespmem:$0x6420]  }
0xb4: {  	v55 =	vld [tilespmem:$0x6330]  }
0xb5: {  	v56 =	vld [tilespmem:$0x6430]  }
0xb6: {  	v57 =	vld [tilespmem:$0x6340]  }
0xb7: {  	v58 =	vld [tilespmem:$0x6440]  }
0xb8: {  	v59 =	vld [tilespmem:$0x6350]  }
0xb9: {  	v60 =	vld [tilespmem:$0x6450]  }
0xba: {  	v61 =	vld [tilespmem:$0x6360]  }
0xbb: {  	v62 =	vld [tilespmem:$0x6370];
	v1 =	vadd.f32 v2, v1  }
0xbc: {  	v2 =	vld [tilespmem:$0x6460];
	v3 =	vadd.f32 v52, v3  }
0xbd: {  	v63 =	vld [tilespmem:$0x6470];
	[tilespmem:$0x6380] =	vst v1;
	v1 =	vadd.f32 v54, v53  }
0xbe: {  	[tilespmem:$0x6390] =	vst v3;
	v3 =	vadd.f32 v56, v55  }
0xbf: {  	[tilespmem:$0x63A0] =	vst v1;
	v1 =	vadd.f32 v58, v57  }
0xc0: {  	[tilespmem:$0x63B0] =	vst v3;
	v3 =	vadd.f32 v60, v59  }
0xc1: {  	[tilespmem:$0x63C0] =	vst v1;
	v1 =	vadd.f32 v2, v61  }
0xc2: {  	[tilespmem:$0x63D0] =	vst v3;
	v2 =	vadd.f32 v63, v62  }
0xc3: {  	[tilespmem:$0x63E0] =	vst v1  }
0xc4: {  	s26 =	simm.s32 $0x1;
	[tilespmem:$0x63F0] =	vst v2  }
0xc5: {  	_ =	swait.ge [sflag:s26], $0x800  }
0xc6: {  	[sflag:s26] =	ssyncset.done $0x0  }
0xc7: {  	[sflag:s26] =	ssyncadd.s32 $0xFFFFF800  }
0xc8: {  	_ =	swait.ge [sflag:s26], $0x800  }
0xc9: {  	[sflag:s26] =	ssyncset.done $0x0  }
0xca: {  	[sflag:s26] =	ssyncadd.s32 $0xFFFFF800  }
0xcb: {  	_ =	swait.ge [sflag:s26], $0x800  }
0xcc: {  	[sflag:s26] =	ssyncset.done $0x0  }
0xcd: {  	[sflag:s26] =	ssyncadd.s32 $0xFFFFF800  }
0xce: {  	_ =	swait.ge [sflag:s26], $0x800  }
0xcf: {  	[sflag:s26] =	ssyncset.done $0x0  }
0xd0: {  	[sflag:s26] =	ssyncadd.s32 $0xFFFFF800  }
0xd1: {  	_ =	swait.ge [sflag:s26], $0x800  }
0xd2: {  	[sflag:s26] =	ssyncset.done $0x0  }
0xd3: {  	[sflag:s26] =	ssyncadd.s32 $0xFFFFF800  }
0xd4: {  	_ =	swait.ge [sflag:s26], $0x800  }
0xd5: {  	[sflag:s26] =	ssyncset.done $0x0  }
0xd6: {  	[sflag:s26] =	ssyncadd.s32 $0xFFFFF800  }
0xd7: {  	_ =	swait.ge [sflag:s26], $0x800  }
0xd8: {  	[sflag:s26] =	ssyncset.done $0x0  }
0xd9: {  	[sflag:s26] =	ssyncadd.s32 $0xFFFFF800  }
0xda: {  	_ =	swait.ge [sflag:s26], $0x800  }
0xdb: {  	[sflag:s26] =	ssyncset.done $0x0  }
0xdc: {  	[sflag:s26] =	ssyncadd.s32 $0xFFFFF800  }
0xdd: {  	_ =	swait.ge [sflag:s26], $0x800  }
0xde: {  	[sflag:s26] =	ssyncset.done $0x0  }
0xdf: {  	[sflag:s26] =	ssyncadd.s32 $0xFFFFF800  }
0xe0: {  	s29 =	simm.s32 $0x1000;
	s31 =	simm.s32 $0x1800;
	_ =	swait.ge [sflag:s26], $0x800  }
0xe1: {  	s30 =	simm.s32 $0x2B00;
	s0 =	sshll.u32 s0, $0x7;
	[sflag:s26] =	ssyncset.done $0x0  }
0xe2: {  	s3 =	simm.s32 $0x1300;
	s2 =	simm.s32 $0x5300;
	[sflag:s26] =	ssyncadd.s32 $0xFFFFF800  }
0xe3: {  	s9 =	simm.s32 $0x4300;
	s10 =	simm.s32 $0x0;
	_ =	swait.ge [sflag:s26], $0x800  }
0xe4: {  	s15 =	simm.s32 $0x3300;
	s16 =	simm.s32 $0x0;
	[sflag:s26] =	ssyncset.done $0x0  }
0xe5: {  	s12 =	simm.s32 $0x5B00;
	s20 =	simm.s32 $0xB00;
	[sflag:s26] =	ssyncadd.s32 $0xFFFFF800  }
0xe6: {  	s28 =	simm.s32 $0x800;
	s23 =	simm.s32 $0x300;
	_ =	swait.ge [sflag:s26], $0x800  }
0xe7: {  	s24 =	simm.s32 $0x0;
	s25 =	simm.s32 $0x4B00;
	[sflag:s26] =	ssyncset.done $0x0  }
0xe8: {  	s8 =	simm.s32 $0x3B00;
	[dreg:$0xf] =	wrdreg s0;
	[sflag:s26] =	ssyncadd.s32 $0xFFFFF800  }
0xe9: {  	s7 =	simm.s32 $0x2300;
	[dreg:$0x10] =	wrdreg s28;
	s0 =	simm.s32 $0x1B00;
	v1 =	vld [tilespmem:$0x16480]  }
.LBB2_5:
0xea: {  	p0 =	seq.s32 s16, $0x0  }
.Ltmp1:
0xeb: {  	_ = 	snop;
	(pc) =	sbr.rel @p0 .LBB2_8-.Ltmp1, $2  }
0xec: {  	_ =	sdelay $0x2  }
0xed: {  	s21 =	simm.s32 $0x0;
	s14 =	simm.s32 $0x0  }
0xee: {  	s4 =	simm.s32 $0x3  }
0xef: {  	_ =	swait.ge [sflag:s4], $0x4000  }
0xf0: {  	[sflag:s4] =	ssyncset.done $0x0  }
0xf1: {  	[sflag:s4] =	ssyncadd.s32 $0xFFFFC000  }
0xf2: {  	s14 =	sshll.u32 s16, $0x5;
	s5 =	smov.u32 s31;
	_ =	swait.ge [sflag:s4], $0x4000  }
0xf3: {  	s6 =	smov.u32 s29;
	s22 =	smov.u32 s24;
	[sflag:s4] =	ssyncset.done $0x0  }
0xf4: {  	s19 =	rddreg [dreg:$0x10];
	[sflag:s4] =	ssyncadd.s32 $0xFFFFC000;
	s4 =	simm.s32 $0x0  }
.LBB2_7:
0xf5: {  	v2 =	vld [tilespmem:s22+$0x0];
	_ =	sdelay $0x4  }
0xf6: {  	vm0 =	vlt.s32 v2, $0x3FF  }
0xf7: {  	v3 =	vnsel vm0, $0x3FF, v2  }
0xf8: {  	s26 =	sshll.u32 s4, $0xA;
	v4 =	vshll.u32 v3, $0x3  }
0xf9: {  	s26 =	sand.u32 $0xFFFFE000, s26;
	v4 =	vand.u32 $0xFFFFFC00, v4  }
0xfa: {  	s28 =	sand.u32 $0x7, s4;
	v3 =	vand.u32 $0x7F, v3;
	v4 =	vadd.s32 s26, v4  }
0xfb: {  	s28 =	sshll.u32 s28, $0x7;
	vm9 =	vlt.s32 v2, $0x400;
	v2 =	vor.u32 v3, v4  }
0xfc: {  	v2 =	vor.u32 s28, v2;
	_ =	sdelay $0x4  }
0xfd: {  	[tilespmem:v2+s1+$0x0] =	vst.idx.msk vm9, v0  }
0xfe: {  	v2 =	vld [tilespmem:s19+$0x0];
	_ =	sdelay $0x4  }
0xff: {  	vm10 =	vlt.s32 v2, $0x3FF  }
0x100: {  	v3 =	vnsel vm10, $0x3FF, v2  }
0x101: {  	v61 =	vshll.u32 v3, $0x3  }
0x102: {  	v4 =	vand.u32 $0xFFFFFC00, v61  }
0x103: {  	v3 =	vand.u32 $0x7F, v3;
	v4 =	vadd.s32 s26, v4  }
0x104: {  	vm11 =	vlt.s32 v2, $0x400;
	v2 =	vor.u32 v3, v4  }
0x105: {  	v2 =	vor.u32 s28, v2;
	_ =	sdelay $0x4  }
0x106: {  	[tilespmem:v2+s1+$0x0] =	vst.idx.msk vm11, v0  }
0x107: {  	v2 =	vld [tilespmem:s6+$0x0];
	_ =	sdelay $0x4  }
0x108: {  	vm12 =	vlt.s32 v2, $0x3FF  }
0x109: {  	v3 =	vnsel vm12, $0x3FF, v2  }
0x10a: {  	v62 =	vshll.u32 v3, $0x3  }
0x10b: {  	v4 =	vand.u32 $0xFFFFFC00, v62  }
0x10c: {  	v3 =	vand.u32 $0x7F, v3;
	v4 =	vadd.s32 s26, v4  }
0x10d: {  	vm13 =	vlt.s32 v2, $0x400;
	v2 =	vor.u32 v3, v4  }
0x10e: {  	v2 =	vor.u32 s28, v2;
	_ =	sdelay $0x4  }
0x10f: {  	[tilespmem:v2+s1+$0x0] =	vst.idx.msk vm13, v0  }
0x110: {  	v2 =	vld [tilespmem:s5+$0x0];
	_ =	sdelay $0x4  }
0x111: {  	vm14 =	vlt.s32 v2, $0x3FF  }
0x112: {  	v3 =	vnsel vm14, $0x3FF, v2  }
0x113: {  	v63 =	vshll.u32 v3, $0x3  }
0x114: {  	v4 =	vand.u32 $0xFFFFFC00, v63  }
0x115: {  	v3 =	vand.u32 $0x7F, v3;
	v4 =	vadd.s32 s26, v4  }
0x116: {  	vm15 =	vlt.s32 v2, $0x400;
	v2 =	vor.u32 v3, v4  }
0x117: {  	p1 =	sne.s32 s4, $0xF;
	v2 =	vor.u32 s28, v2  }
.Ltmp2:
0x118: {  	_ = 	snop;
	(pc) =	sbr.rel @p1 .LBB2_7-.Ltmp2, $3  }
0x119: {  	_ =	sdelay $0x1  }
0x11a: {  	s22 =	sadd.s32 $0x10, s22;
	s4 =	sadd.s32 $0x1, s4  }
0x11b: {  	s19 =	sadd.s32 $0x10, s19;
	s6 =	sadd.s32 $0x10, s6;
	s5 =	sadd.s32 $0x10, s5;
	[tilespmem:v2+s1+$0x0] =	vst.idx.msk vm15, v0  }
.LBB2_8:
0x11c: {  	s4 =	sshll.u32 s14, $0x4  }
0x11d: {  	s4 =	sand.u32 $0x3FFFFFF0, s4  }
0x11e: {  	s5 =	sadd.s32 $0x1A00, s4;
	s6 =	sadd.s32 $0x3A00, s4;
	s19 =	sadd.s32 $0x5A00, s4  }
0x11f: {  	s22 =	sadd.s32 $0x1200, s4;
	s26 =	sadd.s32 $0x3200, s4;
	s28 =	sadd.s32 $0x5200, s4;
	v2 =	vmov s5;
	v3 =	vmov s6;
	v4 =	vmov s19  }
0x120: {  	s5 =	sadd.s32 $0xA00, s4;
	s6 =	sadd.s32 $0x2A00, s4;
	s19 =	sadd.s32 $0x4A00, s4;
	v5 =	vmov s22;
	v6 =	vmov s26;
	v7 =	vmov s28  }
0x121: {  	s22 =	sadd.s32 $0x200, s4;
	s26 =	sadd.s32 $0x2200, s4;
	s28 =	sadd.s32 $0x4200, s4;
	v8 =	vmov s5;
	v9 =	vmov s6;
	v10 =	vmov s19  }
0x122: {  	v11 =	vmov s22;
	v12 =	vmov s26;
	v13 =	vmov s28;
	s5 =	simm.s32 $0x0  }
.LBB2_9:
0x123: {  	s19 =	sadd.s32 s5, s14  }
0x124: {  	s6 =	sadd.s32 $0x180, s19  }
0x125: {  	v14 =	vmov s6;
	_ =	sdelay $0x4  }
0x126: {  	v14 =	vld.idx.msk [tilespmem:v14+s11+$0x0], $0xffff;
	_ =	sdelay $0x3  }
0x127: {  	s22 =	sshll.u32 s5, $0xA;
	s28 =	sshll.u32 s5, $0x7  }
0x128: {  	s26 =	sand.u32 $0x3FFFE000, s22;
	s6 =	sand.u32 $0x380, s28;
	v14 =	vadd.f32 v14, v1  }
0x129: {  	s26 =	sor.u32 s6, s26  }
0x12a: {  	[tilespmem:s26+$0x6480] =	vst v14  }
0x12b: {  	[tilespmem:s26+$0x6490] =	vst v14  }
0x12c: {  	[tilespmem:s26+$0x64A0] =	vst v14  }
0x12d: {  	[tilespmem:s26+$0x64B0] =	vst v14  }
0x12e: {  	[tilespmem:s26+$0x64C0] =	vst v14  }
0x12f: {  	[tilespmem:s26+$0x64D0] =	vst v14  }
0x130: {  	[tilespmem:s26+$0x64E0] =	vst v14  }
0x131: {  	[tilespmem:s26+$0x64F0] =	vst v14  }
0x132: {  	[tilespmem:s26+$0x6880] =	vst v14  }
0x133: {  	[tilespmem:s26+$0x6890] =	vst v14  }
0x134: {  	[tilespmem:s26+$0x68A0] =	vst v14  }
0x135: {  	[tilespmem:s26+$0x68B0] =	vst v14  }
0x136: {  	[tilespmem:s26+$0x68C0] =	vst v14  }
0x137: {  	[tilespmem:s26+$0x68D0] =	vst v14  }
0x138: {  	[tilespmem:s26+$0x68E0] =	vst v14  }
0x139: {  	[tilespmem:s26+$0x68F0] =	vst v14  }
0x13a: {  	[tilespmem:s26+$0x6C80] =	vst v14  }
0x13b: {  	[tilespmem:s26+$0x6C90] =	vst v14  }
0x13c: {  	[tilespmem:s26+$0x6CA0] =	vst v14  }
0x13d: {  	[tilespmem:s26+$0x6CB0] =	vst v14  }
0x13e: {  	[tilespmem:s26+$0x6CC0] =	vst v14  }
0x13f: {  	[tilespmem:s26+$0x6CD0] =	vst v14  }
0x140: {  	[tilespmem:s26+$0x6CE0] =	vst v14  }
0x141: {  	[tilespmem:s26+$0x6CF0] =	vst v14  }
0x142: {  	[tilespmem:s26+$0x7080] =	vst v14  }
0x143: {  	[tilespmem:s26+$0x7090] =	vst v14  }
0x144: {  	[tilespmem:s26+$0x70A0] =	vst v14  }
0x145: {  	[tilespmem:s26+$0x70B0] =	vst v14  }
0x146: {  	[tilespmem:s26+$0x70C0] =	vst v14  }
0x147: {  	[tilespmem:s26+$0x70D0] =	vst v14  }
0x148: {  	[tilespmem:s26+$0x70E0] =	vst v14  }
0x149: {  	[tilespmem:s26+$0x70F0] =	vst v14  }
0x14a: {  	[tilespmem:s26+$0x7480] =	vst v14  }
0x14b: {  	[tilespmem:s26+$0x7490] =	vst v14  }
0x14c: {  	[tilespmem:s26+$0x74A0] =	vst v14  }
0x14d: {  	[tilespmem:s26+$0x74B0] =	vst v14  }
0x14e: {  	[tilespmem:s26+$0x74C0] =	vst v14  }
0x14f: {  	[tilespmem:s26+$0x74D0] =	vst v14  }
0x150: {  	[tilespmem:s26+$0x74E0] =	vst v14  }
0x151: {  	[tilespmem:s26+$0x74F0] =	vst v14  }
0x152: {  	[tilespmem:s26+$0x7880] =	vst v14  }
0x153: {  	[tilespmem:s26+$0x7890] =	vst v14  }
0x154: {  	[tilespmem:s26+$0x78A0] =	vst v14  }
0x155: {  	[tilespmem:s26+$0x78B0] =	vst v14  }
0x156: {  	[tilespmem:s26+$0x78C0] =	vst v14  }
0x157: {  	[tilespmem:s26+$0x78D0] =	vst v14  }
0x158: {  	[tilespmem:s26+$0x78E0] =	vst v14  }
0x159: {  	[tilespmem:s26+$0x78F0] =	vst v14  }
0x15a: {  	[tilespmem:s26+$0x7C80] =	vst v14  }
0x15b: {  	[tilespmem:s26+$0x7C90] =	vst v14  }
0x15c: {  	[tilespmem:s26+$0x7CA0] =	vst v14  }
0x15d: {  	[tilespmem:s26+$0x7CB0] =	vst v14  }
0x15e: {  	[tilespmem:s26+$0x7CC0] =	vst v14  }
0x15f: {  	[tilespmem:s26+$0x7CD0] =	vst v14  }
0x160: {  	[tilespmem:s26+$0x7CE0] =	vst v14  }
0x161: {  	[tilespmem:s26+$0x7CF0] =	vst v14  }
0x162: {  	[tilespmem:s26+$0x8080] =	vst v14  }
0x163: {  	[tilespmem:s26+$0x8090] =	vst v14  }
0x164: {  	[tilespmem:s26+$0x80A0] =	vst v14  }
0x165: {  	[tilespmem:s26+$0x80B0] =	vst v14  }
0x166: {  	[tilespmem:s26+$0x80C0] =	vst v14  }
0x167: {  	[tilespmem:s26+$0x80D0] =	vst v14  }
0x168: {  	[tilespmem:s26+$0x80E0] =	vst v14  }
0x169: {  	[tilespmem:s26+$0x80F0] =	vst v14;
	s26 =	sshra.s32 s21, $0x2  }
0x16a: {  	v14 =	vld.idx.msk [tilespmem:v2+s26+$0x0 ss:$0x1], $0xffff;
	_ =	sdelay $0x2  }
0x16b: {  	s28 =	sadd.s32 $0x100, s19  }
0x16c: {  	v15 =	vmov s28  }
0x16d: {  	vm0 =	vlt.s32 v14, $0x3FF  }
0x16e: {  	v16 =	vnsel vm0, $0x3FF, v14  }
0x16f: {  	v17 =	vshll.u32 v16, $0x3  }
0x170: {  	s22 =	sand.u32 $0xFFFFE000, s22;
	v18 =	vld.idx.msk [tilespmem:v3+s26+$0x0 ss:$0x1], $0xffff;
	v17 =	vand.u32 $0xFFFFFC00, v17  }
0x171: {  	v15 =	vld.idx.msk [tilespmem:v15+s11+$0x0], $0xffff;
	v16 =	vand.u32 $0x7F, v16;
	v17 =	vadd.s32 s22, v17  }
0x172: {  	vm9 =	vlt.s32 v14, $0x400;
	v14 =	vor.u32 v16, v17  }
0x173: {  	v14 =	vor.u32 s6, v14  }
0x174: {  	v52 =	vld.idx.msk [tilespmem:v4+s26+$0x0 ss:$0x1], $0xffff;
	_ =	sdelay $0x1  }
0x175: {  	v15 =	vadd.f32 v15, v18;
	_ =	sdelay $0x1  }
0x176: {  	[tilespmem:v14+s13+$0x0] =	vst.idx.msk vm9, v15  }
0x177: {  	[tilespmem:v14+s1+$0x0] =	vst.idx.msk vm9, v52  }
0x178: {  	v14 =	vld.idx.msk [tilespmem:v5+s26+$0x0 ss:$0x1], $0xffff;
	_ =	sdelay $0x2  }
0x179: {  	s28 =	sadd.s32 $0x80, s19  }
0x17a: {  	v15 =	vmov s28  }
0x17b: {  	vm10 =	vlt.s32 v14, $0x3FF  }
0x17c: {  	v53 =	vnsel vm10, $0x3FF, v14  }
0x17d: {  	v54 =	vshll.u32 v53, $0x3  }
0x17e: {  	v55 =	vld.idx.msk [tilespmem:v6+s26+$0x0 ss:$0x1], $0xffff;
	v17 =	vand.u32 $0xFFFFFC00, v54  }
0x17f: {  	v15 =	vld.idx.msk [tilespmem:v15+s11+$0x0], $0xffff;
	v16 =	vand.u32 $0x7F, v53;
	v17 =	vadd.s32 s22, v17  }
0x180: {  	vm11 =	vlt.s32 v14, $0x400;
	v14 =	vor.u32 v16, v17  }
0x181: {  	v14 =	vor.u32 s6, v14  }
0x182: {  	v56 =	vld.idx.msk [tilespmem:v7+s26+$0x0 ss:$0x1], $0xffff;
	_ =	sdelay $0x1  }
0x183: {  	v15 =	vadd.f32 v15, v55;
	_ =	sdelay $0x1  }
0x184: {  	[tilespmem:v14+s13+$0x0] =	vst.idx.msk vm11, v15  }
0x185: {  	[tilespmem:v14+s1+$0x0] =	vst.idx.msk vm11, v56  }
0x186: {  	v14 =	vld.idx.msk [tilespmem:v8+s26+$0x0 ss:$0x1], $0xffff;
	_ =	sdelay $0x3  }
0x187: {  	v15 =	vmov s19  }
0x188: {  	vm12 =	vlt.s32 v14, $0x3FF  }
0x189: {  	v57 =	vnsel vm12, $0x3FF, v14  }
0x18a: {  	v58 =	vshll.u32 v57, $0x3  }
0x18b: {  	v59 =	vld.idx.msk [tilespmem:v9+s26+$0x0 ss:$0x1], $0xffff;
	v17 =	vand.u32 $0xFFFFFC00, v58  }
0x18c: {  	v15 =	vld.idx.msk [tilespmem:v15+s11+$0x0], $0xffff;
	v16 =	vand.u32 $0x7F, v57;
	v17 =	vadd.s32 s22, v17  }
0x18d: {  	vm13 =	vlt.s32 v14, $0x400;
	v14 =	vor.u32 v16, v17  }
0x18e: {  	v14 =	vor.u32 s6, v14  }
0x18f: {  	v60 =	vld.idx.msk [tilespmem:v10+s26+$0x0 ss:$0x1], $0xffff;
	_ =	sdelay $0x1  }
0x190: {  	v15 =	vadd.f32 v15, v59;
	_ =	sdelay $0x1  }
0x191: {  	[tilespmem:v14+s13+$0x0] =	vst.idx.msk vm13, v15  }
0x192: {  	[tilespmem:v14+s1+$0x0] =	vst.idx.msk vm13, v60  }
0x193: {  	v14 =	vld.idx.msk [tilespmem:v11+s26+$0x0 ss:$0x1], $0xffff;
	_ =	sdelay $0x4  }
0x194: {  	vm14 =	vlt.s32 v14, $0x3FF  }
0x195: {  	v15 =	vnsel vm14, $0x3FF, v14  }
0x196: {  	v61 =	vshll.u32 v15, $0x3  }
0x197: {  	v16 =	vand.u32 $0xFFFFFC00, v61  }
0x198: {  	v62 =	vld.idx.msk [tilespmem:v12+s26+$0x0 ss:$0x1], $0xffff;
	v15 =	vand.u32 $0x7F, v15;
	v16 =	vadd.s32 s22, v16  }
0x199: {  	vm15 =	vlt.s32 v14, $0x400;
	v14 =	vor.u32 v15, v16  }
0x19a: {  	v14 =	vor.u32 s6, v14  }
0x19b: {  	p1 =	sne.s32 s21, $0x3C0;
	v15 =	vld.idx.msk [tilespmem:v13+s26+$0x0 ss:$0x1], $0xffff  }
.Ltmp3:
0x19c: {  	_ = 	snop;
	(pc) =	sbr.rel @p1 .LBB2_9-.Ltmp3, $3  }
0x19d: {  	v63 =	vadd.f32 $0.0e+00, v62;
	_ =	sdelay $0x1  }
0x19e: {  	[tilespmem:v14+s13+$0x0] =	vst.idx.msk vm15, v63  }
0x19f: {  	s5 =	sadd.s32 $0x1, s5;
	s21 =	sadd.s32 $0x40, s21;
	[tilespmem:v14+s1+$0x0] =	vst.idx.msk vm15, v15  }
0x1a0: {  	s5 =	sshll.u32 s16, $0xC;
	s6 =	rddreg [dreg:$0xf]  }
.Ltmp4:
0x1a1: {  	s28 =	rddreg [dreg:$0x4];
	s5 =	sadd.s32 s6, s5;
	(pc) =	sbr.rel @p0 .LBB2_13-.Ltmp4, $4  }
0x1a2: {  	s14 =	simm.s32 $0x0;
	s26 =	rddreg [dreg:$0x5];
	s6 =	sadd.s32 s28, s5  }
0x1a3: {  	[hbm4b:s6+s14] =	stream.linear.scatter [tilespmem:s13], [sflag:$0x3], $0x4000, $0x38;
	[tilespmem:$0x16490] =	vst v63  }
0x1a4: {  	s5 =	sadd.s32 s26, s5  }
0x1a5: {  	[hbm4b:s5+s14] =	stream.linear.scatter [tilespmem:s1], [sflag:$0x3], $0x4000, $0x38;
	[tilespmem:$0x16490] =	vst v63  }
0x1a6: {  	s5 =	simm.s32 $0x4  }
0x1a7: {  	_ =	swait.ge [sflag:s5], $0x4000  }
0x1a8: {  	[sflag:s5] =	ssyncset.done $0x0  }
0x1a9: {  	[sflag:s5] =	ssyncadd.s32 $0xFFFFC000  }
0x1aa: {  	s6 =	sadd.s32 $0x900, s4;
	_ =	swait.ge [sflag:s5], $0x4000  }
0x1ab: {  	s14 =	sadd.s32 $0x1100, s4;
	s19 =	simm.s32 $0x0;
	[sflag:s5] =	ssyncset.done $0x0  }
0x1ac: {  	[sflag:s5] =	ssyncadd.s32 $0xFFFFC000;
	s5 =	sadd.s32 $0x100, s4;
	s4 =	sadd.s32 $0x1900, s4  }
.LBB2_12:
0x1ad: {  	v2 =	vld [tilespmem:s5+$0x0];
	_ =	sdelay $0x4  }
0x1ae: {  	vm0 =	vlt.s32 v2, $0x3FF  }
0x1af: {  	v3 =	vnsel vm0, $0x3FF, v2  }
0x1b0: {  	s21 =	sshll.u32 s19, $0xA;
	v4 =	vshll.u32 v3, $0x3  }
0x1b1: {  	s21 =	sand.u32 $0xFFFFE000, s21;
	v4 =	vand.u32 $0xFFFFFC00, v4  }
0x1b2: {  	s22 =	sand.u32 $0x7, s19;
	v3 =	vand.u32 $0x7F, v3;
	v4 =	vadd.s32 s21, v4  }
0x1b3: {  	s22 =	sshll.u32 s22, $0x7;
	vm9 =	vlt.s32 v2, $0x400;
	v2 =	vor.u32 v3, v4  }
0x1b4: {  	v2 =	vor.u32 s22, v2;
	_ =	sdelay $0x4  }
0x1b5: {  	[tilespmem:v2+s18+$0x0] =	vst.idx.msk vm9, v0  }
0x1b6: {  	v2 =	vld [tilespmem:s6+$0x0];
	_ =	sdelay $0x4  }
0x1b7: {  	vm10 =	vlt.s32 v2, $0x3FF  }
0x1b8: {  	v3 =	vnsel vm10, $0x3FF, v2  }
0x1b9: {  	v61 =	vshll.u32 v3, $0x3  }
0x1ba: {  	v4 =	vand.u32 $0xFFFFFC00, v61  }
0x1bb: {  	v3 =	vand.u32 $0x7F, v3;
	v4 =	vadd.s32 s21, v4  }
0x1bc: {  	vm11 =	vlt.s32 v2, $0x400;
	v2 =	vor.u32 v3, v4  }
0x1bd: {  	v2 =	vor.u32 s22, v2;
	_ =	sdelay $0x4  }
0x1be: {  	[tilespmem:v2+s18+$0x0] =	vst.idx.msk vm11, v0  }
0x1bf: {  	v2 =	vld [tilespmem:s14+$0x0];
	_ =	sdelay $0x4  }
0x1c0: {  	vm12 =	vlt.s32 v2, $0x3FF  }
0x1c1: {  	v3 =	vnsel vm12, $0x3FF, v2  }
0x1c2: {  	v62 =	vshll.u32 v3, $0x3  }
0x1c3: {  	v4 =	vand.u32 $0xFFFFFC00, v62  }
0x1c4: {  	v3 =	vand.u32 $0x7F, v3;
	v4 =	vadd.s32 s21, v4  }
0x1c5: {  	vm13 =	vlt.s32 v2, $0x400;
	v2 =	vor.u32 v3, v4  }
0x1c6: {  	v2 =	vor.u32 s22, v2;
	_ =	sdelay $0x4  }
0x1c7: {  	[tilespmem:v2+s18+$0x0] =	vst.idx.msk vm13, v0  }
0x1c8: {  	v2 =	vld [tilespmem:s4+$0x0];
	_ =	sdelay $0x4  }
0x1c9: {  	vm14 =	vlt.s32 v2, $0x3FF  }
0x1ca: {  	v3 =	vnsel vm14, $0x3FF, v2  }
0x1cb: {  	v63 =	vshll.u32 v3, $0x3  }
0x1cc: {  	v4 =	vand.u32 $0xFFFFFC00, v63  }
0x1cd: {  	v3 =	vand.u32 $0x7F, v3;
	v4 =	vadd.s32 s21, v4  }
0x1ce: {  	vm15 =	vlt.s32 v2, $0x400;
	v2 =	vor.u32 v3, v4  }
0x1cf: {  	p0 =	sne.s32 s19, $0xF;
	v2 =	vor.u32 s22, v2  }
.Ltmp5:
0x1d0: {  	_ = 	snop;
	(pc) =	sbr.rel @p0 .LBB2_12-.Ltmp5, $3  }
0x1d1: {  	_ =	sdelay $0x1  }
0x1d2: {  	s5 =	sadd.s32 $0x10, s5;
	s19 =	sadd.s32 $0x1, s19  }
0x1d3: {  	s6 =	sadd.s32 $0x10, s6;
	s14 =	sadd.s32 $0x10, s14;
	s4 =	sadd.s32 $0x10, s4;
	[tilespmem:v2+s18+$0x0] =	vst.idx.msk vm15, v0  }
.LBB2_13:
0x1d4: {  	v2 =	vmov s0;
	v3 =	vmov s8;
	v4 =	vmov s12  }
0x1d5: {  	v5 =	vmov s3;
	v6 =	vmov s15;
	v7 =	vmov s2  }
0x1d6: {  	v8 =	vmov s20;
	v9 =	vmov s30;
	v10 =	vmov s25  }
0x1d7: {  	s4 =	sshllo.u32 s16, $0x1;
	s14 =	simm.s32 $0x0;
	v11 =	vmov s23;
	v12 =	vmov s7;
	v13 =	vmov s9;
	s21 =	simm.s32 $0x0  }
.LBB2_14:
0x1d8: {  	s6 =	sadd.s32 s21, s10  }
0x1d9: {  	s5 =	sadd.s32 $0x190, s6  }
0x1da: {  	v14 =	vmov s5;
	_ =	sdelay $0x4  }
0x1db: {  	v14 =	vld.idx.msk [tilespmem:v14+s11+$0x0], $0xffff;
	_ =	sdelay $0x3  }
0x1dc: {  	s19 =	sshll.u32 s21, $0xA;
	s26 =	sshll.u32 s21, $0x7  }
0x1dd: {  	s22 =	sand.u32 $0x3FFFE000, s19;
	s5 =	sand.u32 $0x380, s26;
	v14 =	vadd.f32 v14, v1  }
0x1de: {  	s22 =	sor.u32 s5, s22  }
0x1df: {  	[tilespmem:s22+$0xA480] =	vst v14  }
0x1e0: {  	[tilespmem:s22+$0xA490] =	vst v14  }
0x1e1: {  	[tilespmem:s22+$0xA4A0] =	vst v14  }
0x1e2: {  	[tilespmem:s22+$0xA4B0] =	vst v14  }
0x1e3: {  	[tilespmem:s22+$0xA4C0] =	vst v14  }
0x1e4: {  	[tilespmem:s22+$0xA4D0] =	vst v14  }
0x1e5: {  	[tilespmem:s22+$0xA4E0] =	vst v14  }
0x1e6: {  	[tilespmem:s22+$0xA4F0] =	vst v14  }
0x1e7: {  	[tilespmem:s22+$0xA880] =	vst v14  }
0x1e8: {  	[tilespmem:s22+$0xA890] =	vst v14  }
0x1e9: {  	[tilespmem:s22+$0xA8A0] =	vst v14  }
0x1ea: {  	[tilespmem:s22+$0xA8B0] =	vst v14  }
0x1eb: {  	[tilespmem:s22+$0xA8C0] =	vst v14  }
0x1ec: {  	[tilespmem:s22+$0xA8D0] =	vst v14  }
0x1ed: {  	[tilespmem:s22+$0xA8E0] =	vst v14  }
0x1ee: {  	[tilespmem:s22+$0xA8F0] =	vst v14  }
0x1ef: {  	[tilespmem:s22+$0xAC80] =	vst v14  }
0x1f0: {  	[tilespmem:s22+$0xAC90] =	vst v14  }
0x1f1: {  	[tilespmem:s22+$0xACA0] =	vst v14  }
0x1f2: {  	[tilespmem:s22+$0xACB0] =	vst v14  }
0x1f3: {  	[tilespmem:s22+$0xACC0] =	vst v14  }
0x1f4: {  	[tilespmem:s22+$0xACD0] =	vst v14  }
0x1f5: {  	[tilespmem:s22+$0xACE0] =	vst v14  }
0x1f6: {  	[tilespmem:s22+$0xACF0] =	vst v14  }
0x1f7: {  	[tilespmem:s22+$0xB080] =	vst v14  }
0x1f8: {  	[tilespmem:s22+$0xB090] =	vst v14  }
0x1f9: {  	[tilespmem:s22+$0xB0A0] =	vst v14  }
0x1fa: {  	[tilespmem:s22+$0xB0B0] =	vst v14  }
0x1fb: {  	[tilespmem:s22+$0xB0C0] =	vst v14  }
0x1fc: {  	[tilespmem:s22+$0xB0D0] =	vst v14  }
0x1fd: {  	[tilespmem:s22+$0xB0E0] =	vst v14  }
0x1fe: {  	[tilespmem:s22+$0xB0F0] =	vst v14  }
0x1ff: {  	[tilespmem:s22+$0xB480] =	vst v14  }
0x200: {  	[tilespmem:s22+$0xB490] =	vst v14  }
0x201: {  	[tilespmem:s22+$0xB4A0] =	vst v14  }
0x202: {  	[tilespmem:s22+$0xB4B0] =	vst v14  }
0x203: {  	[tilespmem:s22+$0xB4C0] =	vst v14  }
0x204: {  	[tilespmem:s22+$0xB4D0] =	vst v14  }
0x205: {  	[tilespmem:s22+$0xB4E0] =	vst v14  }
0x206: {  	[tilespmem:s22+$0xB4F0] =	vst v14  }
0x207: {  	[tilespmem:s22+$0xB880] =	vst v14  }
0x208: {  	[tilespmem:s22+$0xB890] =	vst v14  }
0x209: {  	[tilespmem:s22+$0xB8A0] =	vst v14  }
0x20a: {  	[tilespmem:s22+$0xB8B0] =	vst v14  }
0x20b: {  	[tilespmem:s22+$0xB8C0] =	vst v14  }
0x20c: {  	[tilespmem:s22+$0xB8D0] =	vst v14  }
0x20d: {  	[tilespmem:s22+$0xB8E0] =	vst v14  }
0x20e: {  	[tilespmem:s22+$0xB8F0] =	vst v14  }
0x20f: {  	[tilespmem:s22+$0xBC80] =	vst v14  }
0x210: {  	[tilespmem:s22+$0xBC90] =	vst v14  }
0x211: {  	[tilespmem:s22+$0xBCA0] =	vst v14  }
0x212: {  	[tilespmem:s22+$0xBCB0] =	vst v14  }
0x213: {  	[tilespmem:s22+$0xBCC0] =	vst v14  }
0x214: {  	[tilespmem:s22+$0xBCD0] =	vst v14  }
0x215: {  	[tilespmem:s22+$0xBCE0] =	vst v14  }
0x216: {  	[tilespmem:s22+$0xBCF0] =	vst v14  }
0x217: {  	[tilespmem:s22+$0xC080] =	vst v14  }
0x218: {  	[tilespmem:s22+$0xC090] =	vst v14  }
0x219: {  	[tilespmem:s22+$0xC0A0] =	vst v14  }
0x21a: {  	[tilespmem:s22+$0xC0B0] =	vst v14  }
0x21b: {  	[tilespmem:s22+$0xC0C0] =	vst v14  }
0x21c: {  	[tilespmem:s22+$0xC0D0] =	vst v14  }
0x21d: {  	[tilespmem:s22+$0xC0E0] =	vst v14  }
0x21e: {  	[tilespmem:s22+$0xC0F0] =	vst v14;
	s22 =	sshra.s32 s14, $0x2  }
0x21f: {  	v14 =	vld.idx.msk [tilespmem:v2+s22+$0x0 ss:$0x1], $0xffff;
	_ =	sdelay $0x2  }
0x220: {  	s26 =	sadd.s32 $0x110, s6  }
0x221: {  	v15 =	vmov s26  }
0x222: {  	vm0 =	vlt.s32 v14, $0x3FF  }
0x223: {  	v16 =	vnsel vm0, $0x3FF, v14  }
0x224: {  	v17 =	vshll.u32 v16, $0x3  }
0x225: {  	s19 =	sand.u32 $0xFFFFE000, s19;
	v18 =	vld.idx.msk [tilespmem:v3+s22+$0x0 ss:$0x1], $0xffff;
	v17 =	vand.u32 $0xFFFFFC00, v17  }
0x226: {  	v15 =	vld.idx.msk [tilespmem:v15+s11+$0x0], $0xffff;
	v16 =	vand.u32 $0x7F, v16;
	v17 =	vadd.s32 s19, v17  }
0x227: {  	vm9 =	vlt.s32 v14, $0x400;
	v14 =	vor.u32 v16, v17  }
0x228: {  	v14 =	vor.u32 s5, v14  }
0x229: {  	v52 =	vld.idx.msk [tilespmem:v4+s22+$0x0 ss:$0x1], $0xffff;
	_ =	sdelay $0x1  }
0x22a: {  	v15 =	vadd.f32 v15, v18;
	_ =	sdelay $0x1  }
0x22b: {  	[tilespmem:v14+s17+$0x0] =	vst.idx.msk vm9, v15  }
0x22c: {  	[tilespmem:v14+s18+$0x0] =	vst.idx.msk vm9, v52  }
0x22d: {  	v14 =	vld.idx.msk [tilespmem:v5+s22+$0x0 ss:$0x1], $0xffff;
	_ =	sdelay $0x2  }
0x22e: {  	s26 =	sadd.s32 $0x90, s6  }
0x22f: {  	v15 =	vmov s26  }
0x230: {  	vm10 =	vlt.s32 v14, $0x3FF  }
0x231: {  	v53 =	vnsel vm10, $0x3FF, v14  }
0x232: {  	v54 =	vshll.u32 v53, $0x3  }
0x233: {  	v55 =	vld.idx.msk [tilespmem:v6+s22+$0x0 ss:$0x1], $0xffff;
	v17 =	vand.u32 $0xFFFFFC00, v54  }
0x234: {  	v15 =	vld.idx.msk [tilespmem:v15+s11+$0x0], $0xffff;
	v16 =	vand.u32 $0x7F, v53;
	v17 =	vadd.s32 s19, v17  }
0x235: {  	vm11 =	vlt.s32 v14, $0x400;
	v14 =	vor.u32 v16, v17  }
0x236: {  	v14 =	vor.u32 s5, v14  }
0x237: {  	v56 =	vld.idx.msk [tilespmem:v7+s22+$0x0 ss:$0x1], $0xffff;
	_ =	sdelay $0x1  }
0x238: {  	v15 =	vadd.f32 v15, v55;
	_ =	sdelay $0x1  }
0x239: {  	[tilespmem:v14+s17+$0x0] =	vst.idx.msk vm11, v15  }
0x23a: {  	[tilespmem:v14+s18+$0x0] =	vst.idx.msk vm11, v56  }
0x23b: {  	v14 =	vld.idx.msk [tilespmem:v8+s22+$0x0 ss:$0x1], $0xffff;
	_ =	sdelay $0x2  }
0x23c: {  	s6 =	sadd.s32 $0x10, s6  }
0x23d: {  	v15 =	vmov s6  }
0x23e: {  	vm12 =	vlt.s32 v14, $0x3FF  }
0x23f: {  	v57 =	vnsel vm12, $0x3FF, v14  }
0x240: {  	v58 =	vshll.u32 v57, $0x3  }
0x241: {  	v59 =	vld.idx.msk [tilespmem:v9+s22+$0x0 ss:$0x1], $0xffff;
	v17 =	vand.u32 $0xFFFFFC00, v58  }
0x242: {  	v15 =	vld.idx.msk [tilespmem:v15+s11+$0x0], $0xffff;
	v16 =	vand.u32 $0x7F, v57;
	v17 =	vadd.s32 s19, v17  }
0x243: {  	vm13 =	vlt.s32 v14, $0x400;
	v14 =	vor.u32 v16, v17  }
0x244: {  	v14 =	vor.u32 s5, v14  }
0x245: {  	v60 =	vld.idx.msk [tilespmem:v10+s22+$0x0 ss:$0x1], $0xffff;
	_ =	sdelay $0x1  }
0x246: {  	v15 =	vadd.f32 v15, v59;
	_ =	sdelay $0x1  }
0x247: {  	[tilespmem:v14+s17+$0x0] =	vst.idx.msk vm13, v15  }
0x248: {  	[tilespmem:v14+s18+$0x0] =	vst.idx.msk vm13, v60  }
0x249: {  	v14 =	vld.idx.msk [tilespmem:v11+s22+$0x0 ss:$0x1], $0xffff;
	_ =	sdelay $0x4  }
0x24a: {  	vm14 =	vlt.s32 v14, $0x3FF  }
0x24b: {  	v15 =	vnsel vm14, $0x3FF, v14  }
0x24c: {  	v61 =	vshll.u32 v15, $0x3  }
0x24d: {  	v16 =	vand.u32 $0xFFFFFC00, v61  }
0x24e: {  	v62 =	vld.idx.msk [tilespmem:v12+s22+$0x0 ss:$0x1], $0xffff;
	v15 =	vand.u32 $0x7F, v15;
	v16 =	vadd.s32 s19, v16  }
0x24f: {  	vm15 =	vlt.s32 v14, $0x400;
	v14 =	vor.u32 v15, v16  }
0x250: {  	v14 =	vor.u32 s5, v14  }
0x251: {  	p0 =	sne.s32 s14, $0x3C0;
	v15 =	vld.idx.msk [tilespmem:v13+s22+$0x0 ss:$0x1], $0xffff  }
.Ltmp6:
0x252: {  	_ = 	snop;
	(pc) =	sbr.rel @p0 .LBB2_14-.Ltmp6, $3  }
0x253: {  	v63 =	vadd.f32 $0.0e+00, v62;
	_ =	sdelay $0x1  }
0x254: {  	[tilespmem:v14+s17+$0x0] =	vst.idx.msk vm15, v63  }
0x255: {  	s21 =	sadd.s32 $0x1, s21;
	s14 =	sadd.s32 $0x40, s14;
	[tilespmem:v14+s18+$0x0] =	vst.idx.msk vm15, v15  }
0x256: {  	s4 =	sshll.u32 s4, $0xB;
	s5 =	rddreg [dreg:$0xf]  }
0x257: {  	s6 =	simm.s32 $0x0;
	s26 =	rddreg [dreg:$0x5];
	s16 =	sadd.s32 $0x1, s16  }
0x258: {  	s24 =	sadd.s32 $0x200, s24;
	s29 =	sadd.s32 $0x200, s29;
	s31 =	sadd.s32 $0x200, s31  }
0x259: {  	s0 =	sadd.s32 $0x200, s0;
	s8 =	sadd.s32 $0x200, s8;
	s12 =	sadd.s32 $0x200, s12  }
0x25a: {  	s3 =	sadd.s32 $0x200, s3;
	s15 =	sadd.s32 $0x200, s15;
	s4 =	sadd.s32 s5, s4  }
0x25b: {  	s2 =	sadd.s32 $0x200, s2;
	p0 =	sne.s32 s16, $0x4;
	s5 =	sadd.s32 s28, s4  }
0x25c: {  	[hbm4b:s5+s6] =	stream.linear.scatter [tilespmem:s17], [sflag:$0x4], $0x4000, $0x38;
	[tilespmem:$0x16490] =	vst v63  }
.Ltmp7:
0x25d: {  	s20 =	sadd.s32 $0x200, s20;
	s30 =	sadd.s32 $0x200, s30;
	(pc) =	sbr.rel @p0 .LBB2_5-.Ltmp7, $4  }
0x25e: {  	s25 =	sadd.s32 $0x200, s25;
	s4 =	sadd.s32 s26, s4;
	s28 =	rddreg [dreg:$0x10]  }
0x25f: {  	[hbm4b:s4+s6] =	stream.linear.scatter [tilespmem:s18], [sflag:$0x4], $0x4000, $0x38;
	[tilespmem:$0x16490] =	vst v63  }
0x260: {  	s23 =	sadd.s32 $0x200, s23;
	s7 =	sadd.s32 $0x200, s7;
	s4 =	sadd.s32 $0x200, s28  }
0x261: {  	s9 =	sadd.s32 $0x200, s9;
	s10 =	sadd.s32 $0x20, s10;
	[dreg:$0x10] =	wrdreg s4  }
0x262: {  	s0 =	simm.s32 $0x3  }
0x263: {  	_ =	swait.ge [sflag:s0], $0x4000  }
0x264: {  	[sflag:s0] =	ssyncset.done $0x0  }
0x265: {  	[sflag:s0] =	ssyncadd.s32 $0xFFFFC000  }
0x266: {  	s2 =	simm.s32 $0x2000;
	_ =	swait.ge [sflag:s0], $0x4000  }
0x267: {  	s3 =	simm.s32 $0x1800;
	s4 =	simm.s32 $0x1000;
	[sflag:s0] =	ssyncset.done $0x0  }
0x268: {  	s5 =	simm.s32 $0x800;
	[sflag:s0] =	ssyncadd.s32 $0xFFFFC000;
	s0 =	simm.s32 $0x0  }
.LBB2_17:
0x269: {  	v1 =	vld [tilespmem:s5+$0x0];
	_ =	sdelay $0x4  }
0x26a: {  	vm0 =	vlt.s32 v1, $0x3FF  }
0x26b: {  	v2 =	vnsel vm0, $0x3FF, v1  }
0x26c: {  	s6 =	sshll.u32 s0, $0xA;
	v3 =	vshll.u32 v2, $0x3  }
0x26d: {  	s6 =	sand.u32 $0xFFFFE000, s6;
	v3 =	vand.u32 $0xFFFFFC00, v3  }
0x26e: {  	s7 =	sand.u32 $0x7, s0;
	v2 =	vand.u32 $0x7F, v2;
	v3 =	vadd.s32 s6, v3  }
0x26f: {  	s7 =	sshll.u32 s7, $0x7;
	vm9 =	vlt.s32 v1, $0x400;
	v1 =	vor.u32 v2, v3  }
0x270: {  	v1 =	vor.u32 s7, v1;
	_ =	sdelay $0x4  }
0x271: {  	[tilespmem:v1+s1+$0x0] =	vst.idx.msk vm9, v0  }
0x272: {  	v1 =	vld [tilespmem:s4+$0x0];
	_ =	sdelay $0x4  }
0x273: {  	vm10 =	vlt.s32 v1, $0x3FF  }
0x274: {  	v2 =	vnsel vm10, $0x3FF, v1  }
0x275: {  	v3 =	vshll.u32 v2, $0x3  }
0x276: {  	v3 =	vand.u32 $0xFFFFFC00, v3  }
0x277: {  	v2 =	vand.u32 $0x7F, v2;
	v3 =	vadd.s32 s6, v3  }
0x278: {  	vm11 =	vlt.s32 v1, $0x400;
	v1 =	vor.u32 v2, v3  }
0x279: {  	v1 =	vor.u32 s7, v1;
	_ =	sdelay $0x4  }
0x27a: {  	[tilespmem:v1+s1+$0x0] =	vst.idx.msk vm11, v0  }
0x27b: {  	v1 =	vld [tilespmem:s3+$0x0];
	_ =	sdelay $0x4  }
0x27c: {  	vm12 =	vlt.s32 v1, $0x3FF  }
0x27d: {  	v2 =	vnsel vm12, $0x3FF, v1  }
0x27e: {  	v3 =	vshll.u32 v2, $0x3  }
0x27f: {  	v3 =	vand.u32 $0xFFFFFC00, v3  }
0x280: {  	v2 =	vand.u32 $0x7F, v2;
	v3 =	vadd.s32 s6, v3  }
0x281: {  	vm13 =	vlt.s32 v1, $0x400;
	v1 =	vor.u32 v2, v3  }
0x282: {  	v1 =	vor.u32 s7, v1;
	_ =	sdelay $0x4  }
0x283: {  	[tilespmem:v1+s1+$0x0] =	vst.idx.msk vm13, v0  }
0x284: {  	v1 =	vld [tilespmem:s2+$0x0];
	_ =	sdelay $0x4  }
0x285: {  	vm14 =	vlt.s32 v1, $0x3FF  }
0x286: {  	v2 =	vnsel vm14, $0x3FF, v1  }
0x287: {  	v3 =	vshll.u32 v2, $0x3  }
0x288: {  	v3 =	vand.u32 $0xFFFFFC00, v3  }
0x289: {  	v2 =	vand.u32 $0x7F, v2;
	v3 =	vadd.s32 s6, v3  }
0x28a: {  	vm15 =	vlt.s32 v1, $0x400;
	v1 =	vor.u32 v2, v3  }
0x28b: {  	p0 =	sne.s32 s0, $0xF;
	v1 =	vor.u32 s7, v1  }
.Ltmp8:
0x28c: {  	_ = 	snop;
	(pc) =	sbr.rel @p0 .LBB2_17-.Ltmp8, $3  }
0x28d: {  	_ =	sdelay $0x1  }
0x28e: {  	s5 =	sadd.s32 $0x10, s5;
	s0 =	sadd.s32 $0x1, s0  }
0x28f: {  	s4 =	sadd.s32 $0x10, s4;
	s3 =	sadd.s32 $0x10, s3;
	s2 =	sadd.s32 $0x10, s2;
	[tilespmem:v1+s1+$0x0] =	vst.idx.msk vm15, v0  }
0x290: {  	s0 =	simm.s32 $0x4  }
0x291: {  	_ =	swait.ge [sflag:s0], $0x4000  }
0x292: {  	[sflag:s0] =	ssyncset.done $0x0  }
0x293: {  	[sflag:s0] =	ssyncadd.s32 $0xFFFFC000  }
0x294: {  	s2 =	simm.s32 $0x2100;
	_ =	swait.ge [sflag:s0], $0x4000  }
0x295: {  	s3 =	simm.s32 $0x1900;
	s4 =	simm.s32 $0x1100;
	[sflag:s0] =	ssyncset.done $0x0  }
0x296: {  	s5 =	simm.s32 $0x900;
	[sflag:s0] =	ssyncadd.s32 $0xFFFFC000;
	s0 =	simm.s32 $0x0  }
.LBB2_19:
0x297: {  	v1 =	vld [tilespmem:s5+$0x0];
	_ =	sdelay $0x4  }
0x298: {  	vm0 =	vlt.s32 v1, $0x3FF  }
0x299: {  	v2 =	vnsel vm0, $0x3FF, v1  }
0x29a: {  	s6 =	sshll.u32 s0, $0xA;
	v3 =	vshll.u32 v2, $0x3  }
0x29b: {  	s6 =	sand.u32 $0xFFFFE000, s6;
	v3 =	vand.u32 $0xFFFFFC00, v3  }
0x29c: {  	s7 =	sand.u32 $0x7, s0;
	v2 =	vand.u32 $0x7F, v2;
	v3 =	vadd.s32 s6, v3  }
0x29d: {  	s7 =	sshll.u32 s7, $0x7;
	vm9 =	vlt.s32 v1, $0x400;
	v1 =	vor.u32 v2, v3  }
0x29e: {  	v1 =	vor.u32 s7, v1;
	_ =	sdelay $0x4  }
0x29f: {  	[tilespmem:v1+s18+$0x0] =	vst.idx.msk vm9, v0  }
0x2a0: {  	v1 =	vld [tilespmem:s4+$0x0];
	_ =	sdelay $0x4  }
0x2a1: {  	vm10 =	vlt.s32 v1, $0x3FF  }
0x2a2: {  	v2 =	vnsel vm10, $0x3FF, v1  }
0x2a3: {  	v3 =	vshll.u32 v2, $0x3  }
0x2a4: {  	v3 =	vand.u32 $0xFFFFFC00, v3  }
0x2a5: {  	v2 =	vand.u32 $0x7F, v2;
	v3 =	vadd.s32 s6, v3  }
0x2a6: {  	vm11 =	vlt.s32 v1, $0x400;
	v1 =	vor.u32 v2, v3  }
0x2a7: {  	v1 =	vor.u32 s7, v1;
	_ =	sdelay $0x4  }
0x2a8: {  	[tilespmem:v1+s18+$0x0] =	vst.idx.msk vm11, v0  }
0x2a9: {  	v1 =	vld [tilespmem:s3+$0x0];
	_ =	sdelay $0x4  }
0x2aa: {  	vm12 =	vlt.s32 v1, $0x3FF  }
0x2ab: {  	v2 =	vnsel vm12, $0x3FF, v1  }
0x2ac: {  	v3 =	vshll.u32 v2, $0x3  }
0x2ad: {  	v3 =	vand.u32 $0xFFFFFC00, v3  }
0x2ae: {  	v2 =	vand.u32 $0x7F, v2;
	v3 =	vadd.s32 s6, v3  }
0x2af: {  	vm13 =	vlt.s32 v1, $0x400;
	v1 =	vor.u32 v2, v3  }
0x2b0: {  	v1 =	vor.u32 s7, v1;
	_ =	sdelay $0x4  }
0x2b1: {  	[tilespmem:v1+s18+$0x0] =	vst.idx.msk vm13, v0  }
0x2b2: {  	v1 =	vld [tilespmem:s2+$0x0];
	_ =	sdelay $0x4  }
0x2b3: {  	vm14 =	vlt.s32 v1, $0x3FF  }
0x2b4: {  	v2 =	vnsel vm14, $0x3FF, v1  }
0x2b5: {  	v3 =	vshll.u32 v2, $0x3  }
0x2b6: {  	v3 =	vand.u32 $0xFFFFFC00, v3  }
0x2b7: {  	v2 =	vand.u32 $0x7F, v2;
	v3 =	vadd.s32 s6, v3  }
0x2b8: {  	vm15 =	vlt.s32 v1, $0x400;
	v1 =	vor.u32 v2, v3  }
0x2b9: {  	p0 =	sne.s32 s0, $0xF;
	v1 =	vor.u32 s7, v1  }
.Ltmp9:
0x2ba: {  	_ = 	snop;
	(pc) =	sbr.rel @p0 .LBB2_19-.Ltmp9, $3  }
0x2bb: {  	_ =	sdelay $0x1  }
0x2bc: {  	s5 =	sadd.s32 $0x10, s5;
	s0 =	sadd.s32 $0x1, s0  }
0x2bd: {  	s4 =	sadd.s32 $0x10, s4;
	s3 =	sadd.s32 $0x10, s3;
	s2 =	sadd.s32 $0x10, s2;
	[tilespmem:v1+s18+$0x0] =	vst.idx.msk vm15, v0  }
0x2be: {  	s0 =	rddreg [dreg:$0xe]  }
0x2bf: {  	s0 =	sadd.s32 $0x1, s0  }
0x2c0: {  	p0 =	sne.s32 s0, $0x4  }
.Ltmp10:
0x2c1: {  	_ = 	snop;
	(pc) =	sbr.rel @p0 .LBB2_4-.Ltmp10, $1  }
0x2c2: {  	_ =	sdelay $0x3  }
0x2c3: {  	s2 =	rddreg [dreg:$0xd]  }
0x2c4: {  	s0 =	rddreg [dreg:$0xc];
	s2 =	sadd.s32 $0x1, s2  }
0x2c5: {  	p0 =	sne.s32 s2, s0  }
.Ltmp11:
0x2c6: {  	_ = 	snop;
	(pc) =	sbr.rel @p0 .LBB2_1-.Ltmp11, $1  }
0x2c7: {  	_ =	sdelay $0x3  }
0x2c8: {  	_ =	sfence.sel $0x180000  }
0x2c9: {  	[bflag:$0x0] =	sbarrier.arrive $0xFFFF  }
0x2ca: {  	_ =	strace $0x90000047  }
0x2cb: {  	s0 =	stileid.u32;
	[bflag:$0x2] =	sbarrier.arrive $0xFFFF  }
0x2cc: {  	p0 =	sne.s32 s0, $0x0;
	s0 =	rddreg [dreg:$0x6]  }
0x2cd: {  	s0 =	sadd.s32 @!p0 $0x100000, s0  }
0x2ce: {  	[sflag:s0] =	ssyncadd.tile.s32 @!p0 $0x1;
	_ =	shalt  }
.Lfunc_end2:
_tile_overlayer_lowered:
.L_overlay_start_2:
0x2cf: {  	(tag) =	ssettag $0x2  }
0x2d0: {  	s0 =	rddreg [dreg:$0x0];
	s2 =	stileid.u32  }
0x2d1: {  	s1 =	rddreg [dreg:$0x1];
	p0 =	sne.s32 s2, $0x0  }
0x2d2: {  	s3 =	rddreg [dreg:$0x2];
	[bflag:$0x3] =	sbarrier.arrive $0xFFFF;
	s2 =	simm.s32 @!p0 $0x1C05  }
0x2d3: {  	[timem:s3], [sflag:s2] =	dma.local @!p0 [hbm:s0], s1  }
0x2d4: {  	s0 =	simm.s32 @!p0 $0x5  }
0x2d5: {  	_ =	swait.ge @!p0 [sflag:s0], s1  }
0x2d6: {  	s1 =	ssub.s32 @!p0 $0x0, s1;
	[sflag:s0] =	ssyncset.done @!p0 $0x0  }
0x2d7: {  	[sflag:s0] =	ssyncadd.s32 @!p0 s1  }
0x2d8: {  	[bflag:$0x3] =	sbarrier.arrive $0xFFFF  }
0x2d9: {  	_ =	shalt  }

</sc_bundles>
